<compile_context>
chip_gen: v7x
topology: tpu7x:2x2x1
jax: 0.10.2.dev20260603
libtpu: 0.0.44.dev20260713+nightly
codegen_flags: <defaults>
</compile_context>

<pallas_src>
import functools

import jax
import jax.numpy as jnp
from jax import lax
from jax.experimental import pallas as pl
from jax.experimental.pallas import tpu as pltpu
from jax.experimental.pallas import tpu_sc as plsc

_N = 10000
_E = 320000
_D = 128
_NCLS = 40
_DP = 48
_NC = 2
_NS = 16
_NW = _NC * _NS
_K = 128
_NCH = 80
_EPW = _K * _NCH
_EPAD = _NW * _EPW
_NBUF = 4
_KD = 80
_NCHD = 125
_RPW = _N // _NS
_ZR = 125
_DEGW = 16
_BLK = 200

_mesh = plsc.VectorSubcoreMesh(
    core_axis_name="c", subcore_axis_name="s", num_cores=_NC, num_subcores=_NS
)


def _make_prop(D):

  @functools.partial(
      pl.kernel,
      out_type=jax.ShapeDtypeStruct((_NC, _N, D), jnp.float32),
      mesh=_mesh,
      compiler_params=pltpu.CompilerParams(use_tc_tiling_on_sc=False),
      scratch_types=[
          [pltpu.VMEM((_K, D), jnp.float32) for _ in range(2)],
          [pltpu.VMEM((2, _K), jnp.int32) for _ in range(4)],
          pltpu.VMEM_SHARED((_N, D), jnp.float32),
          [pltpu.SemaphoreType.DMA for _ in range(2)],
          [pltpu.SemaphoreType.DMA for _ in range(2)],
          [pltpu.SemaphoreType.DMA for _ in range(4)],
      ],
  )
  def prop(h_hbm, ed_hbm, out_hbm, rows, idx, acc_sh, gsem, ssem, isem):
    c = lax.axis_index("c")
    s = lax.axis_index("s")
    w = c * _NS + s
    zero16 = jnp.zeros((16,), jnp.float32)

    @pl.loop(0, _ZR)
    def _zrow(i):
      for d in range(D // 16):
        rows[0][i, pl.ds(d * 16, 16)] = zero16

    @pl.loop(0, _RPW // _ZR)
    def _zacc(t):
      pltpu.sync_copy(rows[0].at[pl.ds(0, _ZR)],
                      acc_sh.at[pl.ds(s * _RPW + t * _ZR, _ZR)])

    plsc.subcore_barrier()

    for q in range(4):
      pltpu.async_copy(ed_hbm.at[w, q], idx[q], isem[q])
    for b in range(2):
      pltpu.make_async_copy(ed_hbm.at[w, b], idx[b], isem[b]).wait()
      pltpu.async_copy(h_hbm.at[idx[b].at[0]], rows[b], gsem[b])

    @pl.loop(0, _NCH // 4)
    def _group(g):
      for b in range(4):
        j = g * 4 + b
        qn = (b + 2) % 4
        rb = b % 2
        pltpu.make_async_copy(h_hbm.at[idx[b].at[0]], rows[rb],
                              gsem[rb]).wait()
        sc = pltpu.async_copy(rows[rb], acc_sh.at[idx[b].at[1]], ssem[rb],
                              add=True)
        sc.wait()

        @pl.when(g < _NCH // 4 - 1)
        def _():
          pltpu.async_copy(ed_hbm.at[w, j + 4], idx[b], isem[b])

        def _next_gather():
          pltpu.make_async_copy(ed_hbm.at[w, j + 2], idx[qn],
                                isem[qn]).wait()
          pltpu.async_copy(h_hbm.at[idx[qn].at[0]], rows[rb], gsem[rb])

        if b < 2:
          _next_gather()
        else:
          pl.when(g < _NCH // 4 - 1)(_next_gather)

    plsc.subcore_barrier()
    pltpu.sync_copy(acc_sh.at[pl.ds(s * _RPW, _RPW)],
                    out_hbm.at[c, pl.ds(s * _RPW, _RPW)])

  return prop


@functools.partial(
    pl.kernel,
    out_type=jax.ShapeDtypeStruct((_NC, _N, _DEGW), jnp.float32),
    mesh=_mesh,
    compiler_params=pltpu.CompilerParams(use_tc_tiling_on_sc=False),
    scratch_types=[
        pltpu.VMEM((_NCHD, _KD), jnp.int32),
        pltpu.VMEM((_KD, _DEGW), jnp.float32),
        pltpu.VMEM((_ZR, _DEGW), jnp.float32),
        pltpu.VMEM_SHARED((_N, _DEGW), jnp.float32),
    ],
)
def _deg_kernel(dst_hbm, out_hbm, dst_v, ones_v, z_v, acc_sh):
  c = lax.axis_index("c")
  s = lax.axis_index("s")
  w = c * _NS + s
  zero16 = jnp.zeros((16,), jnp.float32)
  one16 = jnp.ones((16,), jnp.float32)

  @pl.loop(0, _ZR)
  def _zrow(i):
    z_v[i, pl.ds(0, 16)] = zero16

  @pl.loop(0, _KD)
  def _orow(i):
    ones_v[i, pl.ds(0, 16)] = one16

  @pl.loop(0, _RPW // _ZR)
  def _zacc(t):
    pltpu.sync_copy(z_v, acc_sh.at[pl.ds(s * _RPW + t * _ZR, _ZR)])

  pltpu.sync_copy(dst_hbm.at[w], dst_v)
  plsc.subcore_barrier()

  @pl.loop(0, _NCHD)
  def _edges(j):
    pltpu.sync_copy(ones_v, acc_sh.at[dst_v.at[j]], add=True)

  plsc.subcore_barrier()
  pltpu.sync_copy(acc_sh.at[pl.ds(s * _RPW, _RPW)],
                  out_hbm.at[c, pl.ds(s * _RPW, _RPW)])


def _first_body(deg_ref, x_ref, w_ref, h_ref, dinv_ref):
  deg = deg_ref[0] + deg_ref[1] + 1.0
  dinv = lax.rsqrt(deg)
  dinv_ref[...] = dinv
  h = jnp.dot(x_ref[...], w_ref[...], preferred_element_type=jnp.float32)
  h_ref[...] = h * dinv[:, 0:1]


def _tc_first(degp, x, w1):
  return pl.pallas_call(
      _first_body,
      grid=(_N // _BLK,),
      in_specs=[
          pl.BlockSpec((_NC, _BLK, _DEGW), lambda i: (0, i, 0)),
          pl.BlockSpec((_BLK, _D), lambda i: (i, 0)),
          pl.BlockSpec((_D, _D), lambda i: (0, 0)),
      ],
      out_specs=[
          pl.BlockSpec((_BLK, _D), lambda i: (i, 0)),
          pl.BlockSpec((_BLK, _DEGW), lambda i: (i, 0)),
      ],
      out_shape=[
          jax.ShapeDtypeStruct((_N, _D), jnp.float32),
          jax.ShapeDtypeStruct((_N, _DEGW), jnp.float32),
      ],
  )(degp, x, w1)


def _mid_body(p_ref, h_ref, dinv_ref, b_ref, g_ref, be_ref, w_ref, o_ref):
  dc = dinv_ref[...][:, 0:1]
  t = (p_ref[0] + p_ref[1] + h_ref[...]) * dc + b_ref[...]
  t = jnp.where(t > 0.0, t, jnp.exp(jnp.minimum(t, 0.0)) - 1.0)
  mu = jnp.mean(t, axis=-1, keepdims=True)
  tcen = t - mu
  var = jnp.mean(tcen * tcen, axis=-1, keepdims=True)
  z = tcen * lax.rsqrt(var + 1e-5) * g_ref[...] + be_ref[...]
  o_ref[...] = jnp.dot(
      z, w_ref[...], preferred_element_type=jnp.float32) * dc


def _tc_mid(p, hprev, dinv, b, g, be, wnext):
  dn = wnext.shape[1]
  return pl.pallas_call(
      _mid_body,
      grid=(_N // _BLK,),
      in_specs=[
          pl.BlockSpec((_NC, _BLK, _D), lambda i: (0, i, 0)),
          pl.BlockSpec((_BLK, _D), lambda i: (i, 0)),
          pl.BlockSpec((_BLK, _DEGW), lambda i: (i, 0)),
          pl.BlockSpec((1, _D), lambda i: (0, 0)),
          pl.BlockSpec((1, _D), lambda i: (0, 0)),
          pl.BlockSpec((1, _D), lambda i: (0, 0)),
          pl.BlockSpec((_D, dn), lambda i: (0, 0)),
      ],
      out_specs=pl.BlockSpec((_BLK, dn), lambda i: (i, 0)),
      out_shape=jax.ShapeDtypeStruct((_N, dn), jnp.float32),
  )(p, hprev, dinv, b.reshape(1, _D), g.reshape(1, _D), be.reshape(1, _D),
    wnext)


def _final_body(p_ref, h_ref, dinv_ref, b_ref, o_ref):
  dc = dinv_ref[...][:, 0:1]
  o_ref[...] = (p_ref[0] + p_ref[1] + h_ref[...]) * dc + b_ref[...]


def _tc_final(p, h3, dinv, b3):
  return pl.pallas_call(
      _final_body,
      grid=(_N // _BLK,),
      in_specs=[
          pl.BlockSpec((_NC, _BLK, _DP), lambda i: (0, i, 0)),
          pl.BlockSpec((_BLK, _DP), lambda i: (i, 0)),
          pl.BlockSpec((_BLK, _DEGW), lambda i: (i, 0)),
          pl.BlockSpec((1, _DP), lambda i: (0, 0)),
      ],
      out_specs=pl.BlockSpec((_BLK, _DP), lambda i: (i, 0)),
      out_shape=jax.ShapeDtypeStruct((_N, _DP), jnp.float32),
  )(p, h3, dinv, b3.reshape(1, _DP))


_prop128 = _make_prop(_D)
_prop48 = _make_prop(_DP)


def kernel(x, edge_index, W1, b1, g1, be1, W2, b2, g2, be2, W3, b3):
  npad = _EPAD - _E
  pad_dst = jnp.arange(npad, dtype=jnp.int32) % _N
  src_r = jnp.concatenate(
      [edge_index[0], jnp.full((npad,), _N, jnp.int32)]).reshape(
          _NW, _NCH, _K)
  dst_r = jnp.concatenate(
      [edge_index[1], pad_dst]).reshape(_NW, _NCH, _K)
  ed_r = jnp.stack([src_r, dst_r], axis=2)
  dst_deg = edge_index[1].reshape(_NW, _NCHD, _KD)
  w3p = jnp.pad(W3, ((0, 0), (0, _DP - _NCLS)))
  b3p = jnp.pad(b3, (0, _DP - _NCLS))
  rowpad = ((0, 16), (0, 0))

  degp = _deg_kernel(dst_deg)
  h1, dinv = _tc_first(degp, x, W1)
  p1 = _prop128(jnp.pad(h1, rowpad), ed_r)
  h2 = _tc_mid(p1, h1, dinv, b1, g1, be1, W2)
  p2 = _prop128(jnp.pad(h2, rowpad), ed_r)
  h3 = _tc_mid(p2, h2, dinv, b2, g2, be2, w3p)
  p3 = _prop48(jnp.pad(h3, rowpad), ed_r)
  out = _tc_final(p3, h3, dinv, b3p)
  return out[:, :_NCLS]

# --- scband reference (transcript-rebuilt; emitter-appended) ---
"""Pipeline reference for scband-gcn-66108136620573 (READ-ONLY COPY).

The authoritative reference and input builder live on the scoring server;
editing this copy changes nothing except your own understanding.
"""

import jax, jax.numpy as jnp
import numpy as np

N = 10000
E = 320000
D_IN = 128
D_H = 128
N_CLS = 40


def setup_inputs(seed: int = 0) -> dict:
    key = jax.random.key(seed)
    ks = jax.random.split(key, 16)
    inp = {}
    inp["x"] = jax.random.normal(ks[0], (N, D_IN), dtype=jnp.float32)
    inp["edge_index"] = jax.random.randint(ks[1], (2, E), 0, N, dtype=jnp.int32)
    inp["W1"] = jax.random.normal(ks[2], (D_IN, D_H), dtype=jnp.float32) * (1.0 / np.sqrt(D_IN))
    inp["b1"] = jnp.zeros((D_H,), dtype=jnp.float32)
    inp["g1"] = jnp.ones((D_H,), dtype=jnp.float32)
    inp["be1"] = jnp.zeros((D_H,), dtype=jnp.float32)
    inp["W2"] = jax.random.normal(ks[3], (D_H, D_H), dtype=jnp.float32) * (1.0 / np.sqrt(D_H))
    inp["b2"] = jnp.zeros((D_H,), dtype=jnp.float32)
    inp["g2"] = jnp.ones((D_H,), dtype=jnp.float32)
    inp["be2"] = jnp.zeros((D_H,), dtype=jnp.float32)
    inp["W3"] = jax.random.normal(ks[4], (D_H, N_CLS), dtype=jnp.float32) * (1.0 / np.sqrt(D_H))
    inp["b3"] = jnp.zeros((N_CLS,), dtype=jnp.float32)
    return inp


def _gcn_conv(x, src, dst, W, b):
    n = x.shape[0]
    h = x @ W
    deg = jnp.zeros((n,), dtype=x.dtype).at[dst].add(1.0) + 1.0
    dinv = jax.lax.rsqrt(deg)
    coef = dinv[src] * dinv[dst]
    agg = jnp.zeros_like(h).at[dst].add(h[src] * coef[:, None])
    agg = agg + h * (dinv * dinv)[:, None]
    return agg + b


def _layer_norm(h, g, b, eps=1e-5):
    mu = jnp.mean(h, axis=-1, keepdims=True)
    var = jnp.var(h, axis=-1, keepdims=True)
    return (h - mu) * jax.lax.rsqrt(var + eps) * g + b


def reference(x, edge_index, W1, b1, g1, be1, W2, b2, g2, be2, W3, b3):
    src = edge_index[0]
    dst = edge_index[1]
    h = _gcn_conv(x, src, dst, W1, b1)
    h = jax.nn.elu(h)
    # dropout with drop_rate=0.0 (eval mode) is identity
    h = _layer_norm(h, g1, be1)
    h = _gcn_conv(h, src, dst, W2, b2)
    h = jax.nn.elu(h)
    h = _layer_norm(h, g2, be2)
    h = _gcn_conv(h, src, dst, W3, b3)
    return h

if __name__ == "__main__":
    import jax
    _d = setup_inputs()
    print(jax.jit(kernel)(*tuple(_d.values())))

</pallas_src>

<mosaic_0001>
#map = affine_map<(d0, d1) -> (0, 0)>
#map1 = affine_map<(d0, d1) -> (0, 0, 0, 0)>
#map2 = affine_map<(d0, d1) -> (0, 0, 0)>
module attributes {stable_mosaic.version = 14 : i64} {
  func.func @prop(%arg0: i32, %arg1: i32, %arg2: memref<10016x48xf32, #tpu.memory_space<hbm>>, %arg3: memref<32x80x2x128xi32, #tpu.memory_space<hbm>>, %arg4: memref<2x10000x48xf32, #tpu.memory_space<hbm>>, %arg5: memref<128x48xf32, #tpu.memory_space<vmem>>, %arg6: memref<128x48xf32, #tpu.memory_space<vmem>>, %arg7: memref<2x128xi32, #tpu.memory_space<vmem>>, %arg8: memref<2x128xi32, #tpu.memory_space<vmem>>, %arg9: memref<2x128xi32, #tpu.memory_space<vmem>>, %arg10: memref<2x128xi32, #tpu.memory_space<vmem>>, %arg11: memref<10000x48xf32, #tpu.memory_space<vmem_shared>>, %arg12: memref<!tpu.dma_semaphore, #tpu.memory_space<semaphore_mem>>, %arg13: memref<!tpu.dma_semaphore, #tpu.memory_space<semaphore_mem>>, %arg14: memref<!tpu.dma_semaphore, #tpu.memory_space<semaphore_mem>>, %arg15: memref<!tpu.dma_semaphore, #tpu.memory_space<semaphore_mem>>, %arg16: memref<!tpu.dma_semaphore, #tpu.memory_space<semaphore_mem>>, %arg17: memref<!tpu.dma_semaphore, #tpu.memory_space<semaphore_mem>>, %arg18: memref<!tpu.dma_semaphore, #tpu.memory_space<semaphore_mem>>, %arg19: memref<!tpu.dma_semaphore, #tpu.memory_space<semaphore_mem>>) attributes {dimension_semantics = [#tpu.dimension_semantics<core_parallel>, #tpu.dimension_semantics<subcore_parallel>], iteration_bounds = array<i64: 2, 16>, scalar_prefetch = 0 : i64, scratch_operands = 15 : i64, tpu.core_type = #tpu.core_type<sc_vector_subcore>, window_params = [{transform_indices = #map}, {transform_indices = #map1}, {transform_indices = #map2}]} {
    %mul3A = arith.constant 16 : i32
    %mul3A_0 = arith.muli %arg0, %mul3A : i32
    %add3A = arith.addi %mul3A_0, %arg1 : i32
    %broadcast_in_dim3A = arith.constant 0.000000e+00 : f32
    %broadcast_in_dim3A_1 = vector.broadcast %broadcast_in_dim3A : f32 to vector<16xf32>
    %scan3A = arith.constant 0 : i32
    %scan3A_2 = arith.constant 125 : i32
    %scan3A_3 = arith.addi %scan3A, %scan3A_2 : i32
    %scan3A_4 = arith.constant 1 : i32
    scf.for %scan3A_87 = %scan3A to %scan3A_3 step %scan3A_4  : i32 {
      %mul3A_88 = arith.constant 1 : i32
      %mul3A_89 = arith.muli %scan3A_87, %mul3A_88 : i32
      %add3A_90 = arith.constant 0 : i32
      %add3A_91 = arith.addi %add3A_90, %mul3A_89 : i32
      %swap3A = arith.index_cast %add3A_91 : i32 to index
      %swap3A_92 = arith.constant 0 : index
      %swap3A_93 = tpu.vector_load %arg5[%swap3A, %swap3A_92] {strides = array<i32>} : memref<128x48xf32, #tpu.memory_space<vmem>>, vector<1x16xf32>,
      %swap3A_94 = vector.shape_cast %swap3A_93 : vector<1x16xf32> to vector<16xf32>
      %swap3A_95 = vector.shape_cast %broadcast_in_dim3A_1 : vector<16xf32> to vector<1x16xf32>
      tpu.vector_store %arg5[%swap3A, %swap3A_92], %swap3A_95 {strides = array<i32>} : memref<128x48xf32, #tpu.memory_space<vmem>>, vector<1x16xf32>,
      %swap3A_96 = arith.index_cast %add3A_91 : i32 to index
      %swap3A_97 = arith.constant 16 : index
      %swap3A_98 = tpu.vector_load %arg5[%swap3A_96, %swap3A_97] {strides = array<i32>} : memref<128x48xf32, #tpu.memory_space<vmem>>, vector<1x16xf32>,
      %swap3A_99 = vector.shape_cast %swap3A_98 : vector<1x16xf32> to vector<16xf32>
      %swap3A_100 = vector.shape_cast %broadcast_in_dim3A_1 : vector<16xf32> to vector<1x16xf32>
      tpu.vector_store %arg5[%swap3A_96, %swap3A_97], %swap3A_100 {strides = array<i32>} : memref<128x48xf32, #tpu.memory_space<vmem>>, vector<1x16xf32>,
      %swap3A_101 = arith.index_cast %add3A_91 : i32 to index
      %swap3A_102 = arith.constant 32 : index
      %swap3A_103 = tpu.vector_load %arg5[%swap3A_101, %swap3A_102] {strides = array<i32>} : memref<128x48xf32, #tpu.memory_space<vmem>>, vector<1x16xf32>,
      %swap3A_104 = vector.shape_cast %swap3A_103 : vector<1x16xf32> to vector<16xf32>
      %swap3A_105 = vector.shape_cast %broadcast_in_dim3A_1 : vector<16xf32> to vector<1x16xf32>
      tpu.vector_store %arg5[%swap3A_101, %swap3A_102], %swap3A_105 {strides = array<i32>} : memref<128x48xf32, #tpu.memory_space<vmem>>, vector<1x16xf32>,
    }
    %scan3A_5 = arith.constant 125 : i32
    %scan3A_6 = arith.constant 0 : i32
    %scan3A_7 = arith.constant 5 : i32
    %scan3A_8 = arith.addi %scan3A_6, %scan3A_7 : i32
    %scan3A_9 = arith.constant 1 : i32
    scf.for %scan3A_87 = %scan3A_6 to %scan3A_8 step %scan3A_9  : i32 {
      %mul3A_88 = arith.constant 1 : i32
      %mul3A_89 = arith.muli %scan3A_87, %mul3A_88 : i32
      %add3A_90 = arith.constant 0 : i32
      %add3A_91 = arith.addi %add3A_90, %mul3A_89 : i32
      %mul3A_92 = arith.constant 625 : i32
      %mul3A_93 = arith.muli %arg1, %mul3A_92 : i32
      %mul3A_94 = arith.constant 125 : i32
      %mul3A_95 = arith.muli %add3A_91, %mul3A_94 : i32
      %add3A_96 = arith.addi %mul3A_93, %mul3A_95 : i32
      "tpu.region"() ({
        %run_scoped3A = tpu.sem_alloc : memref<!tpu.dma_semaphore, #tpu.memory_space<semaphore_mem>>
        %dma_start3A_97 = arith.constant 0 : i32
        %dma_start3A_98 = arith.constant 0 : i32
        %dma_start3A_99 = tpu.memref_slice %arg5[%dma_start3A_97, %dma_start3A_98] : memref<128x48xf32, #tpu.memory_space<vmem>> -> memref<125x48xf32, #tpu.memory_space<vmem>>
        %dma_start3A_100 = arith.constant 0 : i32
        %dma_start3A_101 = tpu.memref_slice %arg11[%add3A_96, %dma_start3A_100] : memref<10000x48xf32, #tpu.memory_space<vmem_shared>> -> memref<125x48xf32, #tpu.memory_space<vmem_shared>>
        %dma_start3A_102 = arith.constant 0 : i32
        %dma_start3A_103 = tpu.memref_slice %arg11[%add3A_96, %dma_start3A_102] : memref<10000x48xf32, #tpu.memory_space<vmem_shared>> -> memref<125x48xf32, #tpu.memory_space<vmem_shared>>
        %dma_start3A_104 = arith.constant 0 : i32
        %dma_start3A_105 = arith.constant 0 : i32
        %dma_start3A_106 = tpu.memref_slice %arg5[%dma_start3A_104, %dma_start3A_105] : memref<128x48xf32, #tpu.memory_space<vmem>> -> memref<125x48xf32, #tpu.memory_space<vmem>>
        tpu.enqueue_dma source(%dma_start3A_106 : memref<125x48xf32, #tpu.memory_space<vmem>>) target(%dma_start3A_103 : memref<125x48xf32, #tpu.memory_space<vmem_shared>>) target_semaphore(%run_scoped3A : memref<!tpu.dma_semaphore, #tpu.memory_space<semaphore_mem>>)
        %dma_wait3A_107 = arith.constant 0 : i32
        %dma_wait3A_108 = arith.constant 0 : i32
        %dma_wait3A_109 = tpu.memref_slice %arg5[%dma_wait3A_107, %dma_wait3A_108] : memref<128x48xf32, #tpu.memory_space<vmem>> -> memref<125x48xf32, #tpu.memory_space<vmem>>
        %dma_wait3A_110 = arith.constant 0 : i32
        %dma_wait3A_111 = tpu.memref_slice %arg11[%add3A_96, %dma_wait3A_110] : memref<10000x48xf32, #tpu.memory_space<vmem_shared>> -> memref<125x48xf32, #tpu.memory_space<vmem_shared>>
        %dma_wait3A_112 = arith.constant 0 : i32
        %dma_wait3A_113 = tpu.memref_slice %arg11[%add3A_96, %dma_wait3A_112] : memref<10000x48xf32, #tpu.memory_space<vmem_shared>> -> memref<125x48xf32, #tpu.memory_space<vmem_shared>>
        %dma_wait3A_114 = arith.constant 0 : i32
        %dma_wait3A_115 = arith.constant 0 : i32
        %dma_wait3A_116 = tpu.memref_slice %arg5[%dma_wait3A_114, %dma_wait3A_115] : memref<128x48xf32, #tpu.memory_space<vmem>> -> memref<125x48xf32, #tpu.memory_space<vmem>>
        tpu.wait_dma2 semaphore(%run_scoped3A : memref<!tpu.dma_semaphore, #tpu.memory_space<semaphore_mem>>) src(%dma_wait3A_116 : memref<125x48xf32, #tpu.memory_space<vmem>>) dst(%dma_wait3A_113 : memref<125x48xf32, #tpu.memory_space<vmem_shared>>)
        tpu.yield
      }) : () -> ()
    }
    %scan3A_10 = arith.constant 5 : i32
    %barrier3A = arith.constant 0 : index
    tpu.barrier barrier_id(%barrier3A)
    %dma_start3A = arith.constant 0 : i32
    %dma_start3A_11 = arith.constant 0 : i32
    %dma_start3A_12 = arith.constant 0 : i32
    %dma_start3A_13 = tpu.memref_slice %arg3[%add3A, %dma_start3A, %dma_start3A_11, %dma_start3A_12] : memref<32x80x2x128xi32, #tpu.memory_space<hbm>> -> memref<1x1x2x128xi32, #tpu.memory_space<hbm>>
    %dma_start3A_14 = tpu.memref_squeeze %dma_start3A_13 : memref<1x1x2x128xi32, #tpu.memory_space<hbm>> -> memref<2x128xi32, #tpu.memory_space<hbm>>
    %dma_start3A_15 = arith.constant 0 : i32
    %dma_start3A_16 = arith.constant 0 : i32
    %dma_start3A_17 = tpu.memref_slice %arg3[%add3A, %dma_start3A, %dma_start3A_15, %dma_start3A_16] : memref<32x80x2x128xi32, #tpu.memory_space<hbm>> -> memref<1x1x2x128xi32, #tpu.memory_space<hbm>>
    %dma_start3A_18 = tpu.memref_squeeze %dma_start3A_17 : memref<1x1x2x128xi32, #tpu.memory_space<hbm>> -> memref<2x128xi32, #tpu.memory_space<hbm>>
    tpu.enqueue_dma source(%dma_start3A_18 : memref<2x128xi32, #tpu.memory_space<hbm>>) target(%arg7 : memref<2x128xi32, #tpu.memory_space<vmem>>) target_semaphore(%arg16 : memref<!tpu.dma_semaphore, #tpu.memory_space<semaphore_mem>>)
    %dma_start3A_19 = arith.constant 1 : i32
    %dma_start3A_20 = arith.constant 0 : i32
    %dma_start3A_21 = arith.constant 0 : i32
    %dma_start3A_22 = tpu.memref_slice %arg3[%add3A, %dma_start3A_19, %dma_start3A_20, %dma_start3A_21] : memref<32x80x2x128xi32, #tpu.memory_space<hbm>> -> memref<1x1x2x128xi32, #tpu.memory_space<hbm>>
    %dma_start3A_23 = tpu.memref_squeeze %dma_start3A_22 : memref<1x1x2x128xi32, #tpu.memory_space<hbm>> -> memref<2x128xi32, #tpu.memory_space<hbm>>
    %dma_start3A_24 = arith.constant 0 : i32
    %dma_start3A_25 = arith.constant 0 : i32
    %dma_start3A_26 = tpu.memref_slice %arg3[%add3A, %dma_start3A_19, %dma_start3A_24, %dma_start3A_25] : memref<32x80x2x128xi32, #tpu.memory_space<hbm>> -> memref<1x1x2x128xi32, #tpu.memory_space<hbm>>
    %dma_start3A_27 = tpu.memref_squeeze %dma_start3A_26 : memref<1x1x2x128xi32, #tpu.memory_space<hbm>> -> memref<2x128xi32, #tpu.memory_space<hbm>>
    tpu.enqueue_dma source(%dma_start3A_27 : memref<2x128xi32, #tpu.memory_space<hbm>>) target(%arg8 : memref<2x128xi32, #tpu.memory_space<vmem>>) target_semaphore(%arg17 : memref<!tpu.dma_semaphore, #tpu.memory_space<semaphore_mem>>)
    %dma_start3A_28 = arith.constant 2 : i32
    %dma_start3A_29 = arith.constant 0 : i32
    %dma_start3A_30 = arith.constant 0 : i32
    %dma_start3A_31 = tpu.memref_slice %arg3[%add3A, %dma_start3A_28, %dma_start3A_29, %dma_start3A_30] : memref<32x80x2x128xi32, #tpu.memory_space<hbm>> -> memref<1x1x2x128xi32, #tpu.memory_space<hbm>>
    %dma_start3A_32 = tpu.memref_squeeze %dma_start3A_31 : memref<1x1x2x128xi32, #tpu.memory_space<hbm>> -> memref<2x128xi32, #tpu.memory_space<hbm>>
    %dma_start3A_33 = arith.constant 0 : i32
    %dma_start3A_34 = arith.constant 0 : i32
    %dma_start3A_35 = tpu.memref_slice %arg3[%add3A, %dma_start3A_28, %dma_start3A_33, %dma_start3A_34] : memref<32x80x2x128xi32, #tpu.memory_space<hbm>> -> memref<1x1x2x128xi32, #tpu.memory_space<hbm>>
    %dma_start3A_36 = tpu.memref_squeeze %dma_start3A_35 : memref<1x1x2x128xi32, #tpu.memory_space<hbm>> -> memref<2x128xi32, #tpu.memory_space<hbm>>
    tpu.enqueue_dma source(%dma_start3A_36 : memref<2x128xi32, #tpu.memory_space<hbm>>) target(%arg9 : memref<2x128xi32, #tpu.memory_space<vmem>>) target_semaphore(%arg18 : memref<!tpu.dma_semaphore, #tpu.memory_space<semaphore_mem>>)
    %dma_start3A_37 = arith.constant 3 : i32
    %dma_start3A_38 = arith.constant 0 : i32
    %dma_start3A_39 = arith.constant 0 : i32
    %dma_start3A_40 = tpu.memref_slice %arg3[%add3A, %dma_start3A_37, %dma_start3A_38, %dma_start3A_39] : memref<32x80x2x128xi32, #tpu.memory_space<hbm>> -> memref<1x1x2x128xi32, #tpu.memory_space<hbm>>
    %dma_start3A_41 = tpu.memref_squeeze %dma_start3A_40 : memref<1x1x2x128xi32, #tpu.memory_space<hbm>> -> memref<2x128xi32, #tpu.memory_space<hbm>>
    %dma_start3A_42 = arith.constant 0 : i32
    %dma_start3A_43 = arith.constant 0 : i32
    %dma_start3A_44 = tpu.memref_slice %arg3[%add3A, %dma_start3A_37, %dma_start3A_42, %dma_start3A_43] : memref<32x80x2x128xi32, #tpu.memory_space<hbm>> -> memref<1x1x2x128xi32, #tpu.memory_space<hbm>>
    %dma_start3A_45 = tpu.memref_squeeze %dma_start3A_44 : memref<1x1x2x128xi32, #tpu.memory_space<hbm>> -> memref<2x128xi32, #tpu.memory_space<hbm>>
    tpu.enqueue_dma source(%dma_start3A_45 : memref<2x128xi32, #tpu.memory_space<hbm>>) target(%arg10 : memref<2x128xi32, #tpu.memory_space<vmem>>) target_semaphore(%arg19 : memref<!tpu.dma_semaphore, #tpu.memory_space<semaphore_mem>>)
    %dma_wait3A = arith.constant 0 : i32
    %dma_wait3A_46 = arith.constant 0 : i32
    %dma_wait3A_47 = arith.constant 0 : i32
    %dma_wait3A_48 = tpu.memref_slice %arg3[%add3A, %dma_wait3A, %dma_wait3A_46, %dma_wait3A_47] : memref<32x80x2x128xi32, #tpu.memory_space<hbm>> -> memref<1x1x2x128xi32, #tpu.memory_space<hbm>>
    %dma_wait3A_49 = tpu.memref_squeeze %dma_wait3A_48 : memref<1x1x2x128xi32, #tpu.memory_space<hbm>> -> memref<2x128xi32, #tpu.memory_space<hbm>>
    %dma_wait3A_50 = arith.constant 0 : i32
    %dma_wait3A_51 = arith.constant 0 : i32
    %dma_wait3A_52 = tpu.memref_slice %arg3[%add3A, %dma_wait3A, %dma_wait3A_50, %dma_wait3A_51] : memref<32x80x2x128xi32, #tpu.memory_space<hbm>> -> memref<1x1x2x128xi32, #tpu.memory_space<hbm>>
    %dma_wait3A_53 = tpu.memref_squeeze %dma_wait3A_52 : memref<1x1x2x128xi32, #tpu.memory_space<hbm>> -> memref<2x128xi32, #tpu.memory_space<hbm>>
    tpu.wait_dma2 semaphore(%arg16 : memref<!tpu.dma_semaphore, #tpu.memory_space<semaphore_mem>>) src(%dma_wait3A_53 : memref<2x128xi32, #tpu.memory_space<hbm>>) dst(%arg7 : memref<2x128xi32, #tpu.memory_space<vmem>>)
    %dma_start3A_54 = arith.constant 0 : i32
    %dma_start3A_55 = arith.constant 0 : i32
    %dma_start3A_56 = tpu.memref_slice %arg7[%dma_start3A_54, %dma_start3A_55] : memref<2x128xi32, #tpu.memory_space<vmem>> -> memref<1x128xi32, #tpu.memory_space<vmem>>
    %dma_start3A_57 = tpu.memref_squeeze %dma_start3A_56 : memref<1x128xi32, #tpu.memory_space<vmem>> -> memref<128xi32, #tpu.memory_space<vmem>>
    %dma_start3A_58 = arith.constant 0 : i32
    %dma_start3A_59 = arith.constant 0 : i32
    %dma_start3A_60 = tpu.memref_slice %arg2[%dma_start3A_58, %dma_start3A_59] : memref<10016x48xf32, #tpu.memory_space<hbm>> -> memref<10016x48xf32, #tpu.memory_space<hbm>>
    tpu.enqueue_indirect_dma source(%dma_start3A_60 : memref<10016x48xf32, #tpu.memory_space<hbm>>) target(%arg5 : memref<128x48xf32, #tpu.memory_space<vmem>>) offsets(%dma_start3A_57 : memref<128xi32, #tpu.memory_space<vmem>>) semaphore(%arg12 : memref<!tpu.dma_semaphore, #tpu.memory_space<semaphore_mem>>)
    %dma_wait3A_61 = arith.constant 1 : i32
    %dma_wait3A_62 = arith.constant 0 : i32
    %dma_wait3A_63 = arith.constant 0 : i32
    %dma_wait3A_64 = tpu.memref_slice %arg3[%add3A, %dma_wait3A_61, %dma_wait3A_62, %dma_wait3A_63] : memref<32x80x2x128xi32, #tpu.memory_space<hbm>> -> memref<1x1x2x128xi32, #tpu.memory_space<hbm>>
    %dma_wait3A_65 = tpu.memref_squeeze %dma_wait3A_64 : memref<1x1x2x128xi32, #tpu.memory_space<hbm>> -> memref<2x128xi32, #tpu.memory_space<hbm>>
    %dma_wait3A_66 = arith.constant 0 : i32
    %dma_wait3A_67 = arith.constant 0 : i32
    %dma_wait3A_68 = tpu.memref_slice %arg3[%add3A, %dma_wait3A_61, %dma_wait3A_66, %dma_wait3A_67] : memref<32x80x2x128xi32, #tpu.memory_space<hbm>> -> memref<1x1x2x128xi32, #tpu.memory_space<hbm>>
    %dma_wait3A_69 = tpu.memref_squeeze %dma_wait3A_68 : memref<1x1x2x128xi32, #tpu.memory_space<hbm>> -> memref<2x128xi32, #tpu.memory_space<hbm>>
    tpu.wait_dma2 semaphore(%arg17 : memref<!tpu.dma_semaphore, #tpu.memory_space<semaphore_mem>>) src(%dma_wait3A_69 : memref<2x128xi32, #tpu.memory_space<hbm>>) dst(%arg8 : memref<2x128xi32, #tpu.memory_space<vmem>>)
    %dma_start3A_70 = arith.constant 0 : i32
    %dma_start3A_71 = arith.constant 0 : i32
    %dma_start3A_72 = tpu.memref_slice %arg8[%dma_start3A_70, %dma_start3A_71] : memref<2x128xi32, #tpu.memory_space<vmem>> -> memref<1x128xi32, #tpu.memory_space<vmem>>
    %dma_start3A_73 = tpu.memref_squeeze %dma_start3A_72 : memref<1x128xi32, #tpu.memory_space<vmem>> -> memref<128xi32, #tpu.memory_space<vmem>>
    %dma_start3A_74 = arith.constant 0 : i32
    %dma_start3A_75 = arith.constant 0 : i32
    %dma_start3A_76 = tpu.memref_slice %arg2[%dma_start3A_74, %dma_start3A_75] : memref<10016x48xf32, #tpu.memory_space<hbm>> -> memref<10016x48xf32, #tpu.memory_space<hbm>>
    tpu.enqueue_indirect_dma source(%dma_start3A_76 : memref<10016x48xf32, #tpu.memory_space<hbm>>) target(%arg6 : memref<128x48xf32, #tpu.memory_space<vmem>>) offsets(%dma_start3A_73 : memref<128xi32, #tpu.memory_space<vmem>>) semaphore(%arg13 : memref<!tpu.dma_semaphore, #tpu.memory_space<semaphore_mem>>)
    %scan3A_77 = arith.constant 0 : i32
    %scan3A_78 = arith.constant 20 : i32
    %scan3A_79 = arith.addi %scan3A_77, %scan3A_78 : i32
    %scan3A_80 = arith.constant 1 : i32
    scf.for %scan3A_87 = %scan3A_77 to %scan3A_79 step %scan3A_80  : i32 {
      %mul3A_88 = arith.constant 1 : i32
      %mul3A_89 = arith.muli %scan3A_87, %mul3A_88 : i32
      %add3A_90 = arith.constant 0 : i32
      %add3A_91 = arith.addi %add3A_90, %mul3A_89 : i32
      %mul3A_92 = arith.constant 4 : i32
      %mul3A_93 = arith.muli %add3A_91, %mul3A_92 : i32
      %add3A_94 = arith.constant 0 : i32
      %add3A_95 = arith.addi %mul3A_93, %add3A_94 : i32
      %dma_wait3A_96 = arith.constant 0 : i32
      %dma_wait3A_97 = arith.constant 0 : i32
      %dma_wait3A_98 = tpu.memref_slice %arg7[%dma_wait3A_96, %dma_wait3A_97] : memref<2x128xi32, #tpu.memory_space<vmem>> -> memref<1x128xi32, #tpu.memory_space<vmem>>
      %dma_wait3A_99 = tpu.memref_squeeze %dma_wait3A_98 : memref<1x128xi32, #tpu.memory_space<vmem>> -> memref<128xi32, #tpu.memory_space<vmem>>
      %dma_wait3A_100 = arith.constant 0 : i32
      %dma_wait3A_101 = arith.constant 0 : i32
      %dma_wait3A_102 = tpu.memref_slice %arg2[%dma_wait3A_100, %dma_wait3A_101] : memref<10016x48xf32, #tpu.memory_space<hbm>> -> memref<10016x48xf32, #tpu.memory_space<hbm>>
      tpu.wait_indirect_dma semaphore(%arg12 : memref<!tpu.dma_semaphore, #tpu.memory_space<semaphore_mem>>) src(%dma_wait3A_102 : memref<10016x48xf32, #tpu.memory_space<hbm>>) dst(%arg5 : memref<128x48xf32, #tpu.memory_space<vmem>>)
      %dma_start3A_103 = arith.constant 1 : i32
      %dma_start3A_104 = arith.constant 0 : i32
      %dma_start3A_105 = tpu.memref_slice %arg7[%dma_start3A_103, %dma_start3A_104] : memref<2x128xi32, #tpu.memory_space<vmem>> -> memref<1x128xi32, #tpu.memory_space<vmem>>
      %dma_start3A_106 = tpu.memref_squeeze %dma_start3A_105 : memref<1x128xi32, #tpu.memory_space<vmem>> -> memref<128xi32, #tpu.memory_space<vmem>>
      %dma_start3A_107 = arith.constant 0 : i32
      %dma_start3A_108 = arith.constant 0 : i32
      %dma_start3A_109 = tpu.memref_slice %arg11[%dma_start3A_107, %dma_start3A_108] : memref<10000x48xf32, #tpu.memory_space<vmem_shared>> -> memref<10000x48xf32, #tpu.memory_space<vmem_shared>>
      tpu.enqueue_indirect_dma source(%arg5 : memref<128x48xf32, #tpu.memory_space<vmem>>) target(%dma_start3A_109 : memref<10000x48xf32, #tpu.memory_space<vmem_shared>>) offsets(%dma_start3A_106 : memref<128xi32, #tpu.memory_space<vmem>>) semaphore(%arg14 : memref<!tpu.dma_semaphore, #tpu.memory_space<semaphore_mem>>) {add = true}
      %dma_wait3A_110 = arith.constant 1 : i32
      %dma_wait3A_111 = arith.constant 0 : i32
      %dma_wait3A_112 = tpu.memref_slice %arg7[%dma_wait3A_110, %dma_wait3A_111] : memref<2x128xi32, #tpu.memory_space<vmem>> -> memref<1x128xi32, #tpu.memory_space<vmem>>
      %dma_wait3A_113 = tpu.memref_squeeze %dma_wait3A_112 : memref<1x128xi32, #tpu.memory_space<vmem>> -> memref<128xi32, #tpu.memory_space<vmem>>
      %dma_wait3A_114 = arith.constant 0 : i32
      %dma_wait3A_115 = arith.constant 0 : i32
      %dma_wait3A_116 = tpu.memref_slice %arg11[%dma_wait3A_114, %dma_wait3A_115] : memref<10000x48xf32, #tpu.memory_space<vmem_shared>> -> memref<10000x48xf32, #tpu.memory_space<vmem_shared>>
      tpu.wait_indirect_dma semaphore(%arg14 : memref<!tpu.dma_semaphore, #tpu.memory_space<semaphore_mem>>) src(%arg5 : memref<128x48xf32, #tpu.memory_space<vmem>>) dst(%dma_wait3A_116 : memref<10000x48xf32, #tpu.memory_space<vmem_shared>>)
      %lt3A = arith.constant 19 : i32
      %lt3A_117 = arith.cmpi slt, %add3A_91, %lt3A : i32
      %convert_element_type3A = arith.extui %lt3A_117 : i1 to i32
      %cond3A = arith.constant 0 : i32
      %cond3A_118 = arith.cmpi ne, %convert_element_type3A, %cond3A : i32
      scf.if %cond3A_118 {
        %add3A_253 = arith.constant 4 : i32
        %add3A_254 = arith.addi %add3A_95, %add3A_253 : i32
        %dma_start3A_255 = arith.constant 0 : i32
        %dma_start3A_256 = arith.constant 0 : i32
        %dma_start3A_257 = tpu.memref_slice %arg3[%add3A, %add3A_254, %dma_start3A_255, %dma_start3A_256] : memref<32x80x2x128xi32, #tpu.memory_space<hbm>> -> memref<1x1x2x128xi32, #tpu.memory_space<hbm>>
        %dma_start3A_258 = tpu.memref_squeeze %dma_start3A_257 : memref<1x1x2x128xi32, #tpu.memory_space<hbm>> -> memref<2x128xi32, #tpu.memory_space<hbm>>
        %dma_start3A_259 = arith.constant 0 : i32
        %dma_start3A_260 = arith.constant 0 : i32
        %dma_start3A_261 = tpu.memref_slice %arg3[%add3A, %add3A_254, %dma_start3A_259, %dma_start3A_260] : memref<32x80x2x128xi32, #tpu.memory_space<hbm>> -> memref<1x1x2x128xi32, #tpu.memory_space<hbm>>
        %dma_start3A_262 = tpu.memref_squeeze %dma_start3A_261 : memref<1x1x2x128xi32, #tpu.memory_space<hbm>> -> memref<2x128xi32, #tpu.memory_space<hbm>>
        tpu.enqueue_dma source(%dma_start3A_262 : memref<2x128xi32, #tpu.memory_space<hbm>>) target(%arg7 : memref<2x128xi32, #tpu.memory_space<vmem>>) target_semaphore(%arg16 : memref<!tpu.dma_semaphore, #tpu.memory_space<semaphore_mem>>)
      } else {
      }
      %add3A_119 = arith.constant 2 : i32
      %add3A_120 = arith.addi %add3A_95, %add3A_119 : i32
      %dma_wait3A_121 = arith.constant 0 : i32
      %dma_wait3A_122 = arith.constant 0 : i32
      %dma_wait3A_123 = tpu.memref_slice %arg3[%add3A, %add3A_120, %dma_wait3A_121, %dma_wait3A_122] : memref<32x80x2x128xi32, #tpu.memory_space<hbm>> -> memref<1x1x2x128xi32, #tpu.memory_space<hbm>>
      %dma_wait3A_124 = tpu.memref_squeeze %dma_wait3A_123 : memref<1x1x2x128xi32, #tpu.memory_space<hbm>> -> memref<2x128xi32, #tpu.memory_space<hbm>>
      %dma_wait3A_125 = arith.constant 0 : i32
      %dma_wait3A_126 = arith.constant 0 : i32
      %dma_wait3A_127 = tpu.memref_slice %arg3[%add3A, %add3A_120, %dma_wait3A_125, %dma_wait3A_126] : memref<32x80x2x128xi32, #tpu.memory_space<hbm>> -> memref<1x1x2x128xi32, #tpu.memory_space<hbm>>
      %dma_wait3A_128 = tpu.memref_squeeze %dma_wait3A_127 : memref<1x1x2x128xi32, #tpu.memory_space<hbm>> -> memref<2x128xi32, #tpu.memory_space<hbm>>
      tpu.wait_dma2 semaphore(%arg18 : memref<!tpu.dma_semaphore, #tpu.memory_space<semaphore_mem>>) src(%dma_wait3A_128 : memref<2x128xi32, #tpu.memory_space<hbm>>) dst(%arg9 : memref<2x128xi32, #tpu.memory_space<vmem>>)
      %dma_start3A_129 = arith.constant 0 : i32
      %dma_start3A_130 = arith.constant 0 : i32
      %dma_start3A_131 = tpu.memref_slice %arg9[%dma_start3A_129, %dma_start3A_130] : memref<2x128xi32, #tpu.memory_space<vmem>> -> memref<1x128xi32, #tpu.memory_space<vmem>>
      %dma_start3A_132 = tpu.memref_squeeze %dma_start3A_131 : memref<1x128xi32, #tpu.memory_space<vmem>> -> memref<128xi32, #tpu.memory_space<vmem>>
      %dma_start3A_133 = arith.constant 0 : i32
      %dma_start3A_134 = arith.constant 0 : i32
      %dma_start3A_135 = tpu.memref_slice %arg2[%dma_start3A_133, %dma_start3A_134] : memref<10016x48xf32, #tpu.memory_space<hbm>> -> memref<10016x48xf32, #tpu.memory_space<hbm>>
      tpu.enqueue_indirect_dma source(%dma_start3A_135 : memref<10016x48xf32, #tpu.memory_space<hbm>>) target(%arg5 : memref<128x48xf32, #tpu.memory_space<vmem>>) offsets(%dma_start3A_132 : memref<128xi32, #tpu.memory_space<vmem>>) semaphore(%arg12 : memref<!tpu.dma_semaphore, #tpu.memory_space<semaphore_mem>>)
      %mul3A_136 = arith.constant 4 : i32
      %mul3A_137 = arith.muli %add3A_91, %mul3A_136 : i32
      %add3A_138 = arith.constant 1 : i32
      %add3A_139 = arith.addi %mul3A_137, %add3A_138 : i32
      %dma_wait3A_140 = arith.constant 0 : i32
      %dma_wait3A_141 = arith.constant 0 : i32
      %dma_wait3A_142 = tpu.memref_slice %arg8[%dma_wait3A_140, %dma_wait3A_141] : memref<2x128xi32, #tpu.memory_space<vmem>> -> memref<1x128xi32, #tpu.memory_space<vmem>>
      %dma_wait3A_143 = tpu.memref_squeeze %dma_wait3A_142 : memref<1x128xi32, #tpu.memory_space<vmem>> -> memref<128xi32, #tpu.memory_space<vmem>>
      %dma_wait3A_144 = arith.constant 0 : i32
      %dma_wait3A_145 = arith.constant 0 : i32
      %dma_wait3A_146 = tpu.memref_slice %arg2[%dma_wait3A_144, %dma_wait3A_145] : memref<10016x48xf32, #tpu.memory_space<hbm>> -> memref<10016x48xf32, #tpu.memory_space<hbm>>
      tpu.wait_indirect_dma semaphore(%arg13 : memref<!tpu.dma_semaphore, #tpu.memory_space<semaphore_mem>>) src(%dma_wait3A_146 : memref<10016x48xf32, #tpu.memory_space<hbm>>) dst(%arg6 : memref<128x48xf32, #tpu.memory_space<vmem>>)
      %dma_start3A_147 = arith.constant 1 : i32
      %dma_start3A_148 = arith.constant 0 : i32
      %dma_start3A_149 = tpu.memref_slice %arg8[%dma_start3A_147, %dma_start3A_148] : memref<2x128xi32, #tpu.memory_space<vmem>> -> memref<1x128xi32, #tpu.memory_space<vmem>>
      %dma_start3A_150 = tpu.memref_squeeze %dma_start3A_149 : memref<1x128xi32, #tpu.memory_space<vmem>> -> memref<128xi32, #tpu.memory_space<vmem>>
      %dma_start3A_151 = arith.constant 0 : i32
      %dma_start3A_152 = arith.constant 0 : i32
      %dma_start3A_153 = tpu.memref_slice %arg11[%dma_start3A_151, %dma_start3A_152] : memref<10000x48xf32, #tpu.memory_space<vmem_shared>> -> memref<10000x48xf32, #tpu.memory_space<vmem_shared>>
      tpu.enqueue_indirect_dma source(%arg6 : memref<128x48xf32, #tpu.memory_space<vmem>>) target(%dma_start3A_153 : memref<10000x48xf32, #tpu.memory_space<vmem_shared>>) offsets(%dma_start3A_150 : memref<128xi32, #tpu.memory_space<vmem>>) semaphore(%arg15 : memref<!tpu.dma_semaphore, #tpu.memory_space<semaphore_mem>>) {add = true}
      %dma_wait3A_154 = arith.constant 1 : i32
      %dma_wait3A_155 = arith.constant 0 : i32
      %dma_wait3A_156 = tpu.memref_slice %arg8[%dma_wait3A_154, %dma_wait3A_155] : memref<2x128xi32, #tpu.memory_space<vmem>> -> memref<1x128xi32, #tpu.memory_space<vmem>>
      %dma_wait3A_157 = tpu.memref_squeeze %dma_wait3A_156 : memref<1x128xi32, #tpu.memory_space<vmem>> -> memref<128xi32, #tpu.memory_space<vmem>>
      %dma_wait3A_158 = arith.constant 0 : i32
      %dma_wait3A_159 = arith.constant 0 : i32
      %dma_wait3A_160 = tpu.memref_slice %arg11[%dma_wait3A_158, %dma_wait3A_159] : memref<10000x48xf32, #tpu.memory_space<vmem_shared>> -> memref<10000x48xf32, #tpu.memory_space<vmem_shared>>
      tpu.wait_indirect_dma semaphore(%arg15 : memref<!tpu.dma_semaphore, #tpu.memory_space<semaphore_mem>>) src(%arg6 : memref<128x48xf32, #tpu.memory_space<vmem>>) dst(%dma_wait3A_160 : memref<10000x48xf32, #tpu.memory_space<vmem_shared>>)
      %lt3A_161 = arith.constant 19 : i32
      %lt3A_162 = arith.cmpi slt, %add3A_91, %lt3A_161 : i32
      %convert_element_type3A_163 = arith.extui %lt3A_162 : i1 to i32
      %cond3A_164 = arith.constant 0 : i32
      %cond3A_165 = arith.cmpi ne, %convert_element_type3A_163, %cond3A_164 : i32
      scf.if %cond3A_165 {
        %add3A_253 = arith.constant 4 : i32
        %add3A_254 = arith.addi %add3A_139, %add3A_253 : i32
        %dma_start3A_255 = arith.constant 0 : i32
        %dma_start3A_256 = arith.constant 0 : i32
        %dma_start3A_257 = tpu.memref_slice %arg3[%add3A, %add3A_254, %dma_start3A_255, %dma_start3A_256] : memref<32x80x2x128xi32, #tpu.memory_space<hbm>> -> memref<1x1x2x128xi32, #tpu.memory_space<hbm>>
        %dma_start3A_258 = tpu.memref_squeeze %dma_start3A_257 : memref<1x1x2x128xi32, #tpu.memory_space<hbm>> -> memref<2x128xi32, #tpu.memory_space<hbm>>
        %dma_start3A_259 = arith.constant 0 : i32
        %dma_start3A_260 = arith.constant 0 : i32
        %dma_start3A_261 = tpu.memref_slice %arg3[%add3A, %add3A_254, %dma_start3A_259, %dma_start3A_260] : memref<32x80x2x128xi32, #tpu.memory_space<hbm>> -> memref<1x1x2x128xi32, #tpu.memory_space<hbm>>
        %dma_start3A_262 = tpu.memref_squeeze %dma_start3A_261 : memref<1x1x2x128xi32, #tpu.memory_space<hbm>> -> memref<2x128xi32, #tpu.memory_space<hbm>>
        tpu.enqueue_dma source(%dma_start3A_262 : memref<2x128xi32, #tpu.memory_space<hbm>>) target(%arg8 : memref<2x128xi32, #tpu.memory_space<vmem>>) target_semaphore(%arg17 : memref<!tpu.dma_semaphore, #tpu.memory_space<semaphore_mem>>)
      } else {
      }
      %add3A_166 = arith.constant 2 : i32
      %add3A_167 = arith.addi %add3A_139, %add3A_166 : i32
      %dma_wait3A_168 = arith.constant 0 : i32
      %dma_wait3A_169 = arith.constant 0 : i32
      %dma_wait3A_170 = tpu.memref_slice %arg3[%add3A, %add3A_167, %dma_wait3A_168, %dma_wait3A_169] : memref<32x80x2x128xi32, #tpu.memory_space<hbm>> -> memref<1x1x2x128xi32, #tpu.memory_space<hbm>>
      %dma_wait3A_171 = tpu.memref_squeeze %dma_wait3A_170 : memref<1x1x2x128xi32, #tpu.memory_space<hbm>> -> memref<2x128xi32, #tpu.memory_space<hbm>>
      %dma_wait3A_172 = arith.constant 0 : i32
      %dma_wait3A_173 = arith.constant 0 : i32
      %dma_wait3A_174 = tpu.memref_slice %arg3[%add3A, %add3A_167, %dma_wait3A_172, %dma_wait3A_173] : memref<32x80x2x128xi32, #tpu.memory_space<hbm>> -> memref<1x1x2x128xi32, #tpu.memory_space<hbm>>
      %dma_wait3A_175 = tpu.memref_squeeze %dma_wait3A_174 : memref<1x1x2x128xi32, #tpu.memory_space<hbm>> -> memref<2x128xi32, #tpu.memory_space<hbm>>
      tpu.wait_dma2 semaphore(%arg19 : memref<!tpu.dma_semaphore, #tpu.memory_space<semaphore_mem>>) src(%dma_wait3A_175 : memref<2x128xi32, #tpu.memory_space<hbm>>) dst(%arg10 : memref<2x128xi32, #tpu.memory_space<vmem>>)
      %dma_start3A_176 = arith.constant 0 : i32
      %dma_start3A_177 = arith.constant 0 : i32
      %dma_start3A_178 = tpu.memref_slice %arg10[%dma_start3A_176, %dma_start3A_177] : memref<2x128xi32, #tpu.memory_space<vmem>> -> memref<1x128xi32, #tpu.memory_space<vmem>>
      %dma_start3A_179 = tpu.memref_squeeze %dma_start3A_178 : memref<1x128xi32, #tpu.memory_space<vmem>> -> memref<128xi32, #tpu.memory_space<vmem>>
      %dma_start3A_180 = arith.constant 0 : i32
      %dma_start3A_181 = arith.constant 0 : i32
      %dma_start3A_182 = tpu.memref_slice %arg2[%dma_start3A_180, %dma_start3A_181] : memref<10016x48xf32, #tpu.memory_space<hbm>> -> memref<10016x48xf32, #tpu.memory_space<hbm>>
      tpu.enqueue_indirect_dma source(%dma_start3A_182 : memref<10016x48xf32, #tpu.memory_space<hbm>>) target(%arg6 : memref<128x48xf32, #tpu.memory_space<vmem>>) offsets(%dma_start3A_179 : memref<128xi32, #tpu.memory_space<vmem>>) semaphore(%arg13 : memref<!tpu.dma_semaphore, #tpu.memory_space<semaphore_mem>>)
      %mul3A_183 = arith.constant 4 : i32
      %mul3A_184 = arith.muli %add3A_91, %mul3A_183 : i32
      %add3A_185 = arith.constant 2 : i32
      %add3A_186 = arith.addi %mul3A_184, %add3A_185 : i32
      %dma_wait3A_187 = arith.constant 0 : i32
      %dma_wait3A_188 = arith.constant 0 : i32
      %dma_wait3A_189 = tpu.memref_slice %arg9[%dma_wait3A_187, %dma_wait3A_188] : memref<2x128xi32, #tpu.memory_space<vmem>> -> memref<1x128xi32, #tpu.memory_space<vmem>>
      %dma_wait3A_190 = tpu.memref_squeeze %dma_wait3A_189 : memref<1x128xi32, #tpu.memory_space<vmem>> -> memref<128xi32, #tpu.memory_space<vmem>>
      %dma_wait3A_191 = arith.constant 0 : i32
      %dma_wait3A_192 = arith.constant 0 : i32
      %dma_wait3A_193 = tpu.memref_slice %arg2[%dma_wait3A_191, %dma_wait3A_192] : memref<10016x48xf32, #tpu.memory_space<hbm>> -> memref<10016x48xf32, #tpu.memory_space<hbm>>
      tpu.wait_indirect_dma semaphore(%arg12 : memref<!tpu.dma_semaphore, #tpu.memory_space<semaphore_mem>>) src(%dma_wait3A_193 : memref<10016x48xf32, #tpu.memory_space<hbm>>) dst(%arg5 : memref<128x48xf32, #tpu.memory_space<vmem>>)
      %dma_start3A_194 = arith.constant 1 : i32
      %dma_start3A_195 = arith.constant 0 : i32
      %dma_start3A_196 = tpu.memref_slice %arg9[%dma_start3A_194, %dma_start3A_195] : memref<2x128xi32, #tpu.memory_space<vmem>> -> memref<1x128xi32, #tpu.memory_space<vmem>>
      %dma_start3A_197 = tpu.memref_squeeze %dma_start3A_196 : memref<1x128xi32, #tpu.memory_space<vmem>> -> memref<128xi32, #tpu.memory_space<vmem>>
      %dma_start3A_198 = arith.constant 0 : i32
      %dma_start3A_199 = arith.constant 0 : i32
      %dma_start3A_200 = tpu.memref_slice %arg11[%dma_start3A_198, %dma_start3A_199] : memref<10000x48xf32, #tpu.memory_space<vmem_shared>> -> memref<10000x48xf32, #tpu.memory_space<vmem_shared>>
      tpu.enqueue_indirect_dma source(%arg5 : memref<128x48xf32, #tpu.memory_space<vmem>>) target(%dma_start3A_200 : memref<10000x48xf32, #tpu.memory_space<vmem_shared>>) offsets(%dma_start3A_197 : memref<128xi32, #tpu.memory_space<vmem>>) semaphore(%arg14 : memref<!tpu.dma_semaphore, #tpu.memory_space<semaphore_mem>>) {add = true}
      %dma_wait3A_201 = arith.constant 1 : i32
      %dma_wait3A_202 = arith.constant 0 : i32
      %dma_wait3A_203 = tpu.memref_slice %arg9[%dma_wait3A_201, %dma_wait3A_202] : memref<2x128xi32, #tpu.memory_space<vmem>> -> memref<1x128xi32, #tpu.memory_space<vmem>>
      %dma_wait3A_204 = tpu.memref_squeeze %dma_wait3A_203 : memref<1x128xi32, #tpu.memory_space<vmem>> -> memref<128xi32, #tpu.memory_space<vmem>>
      %dma_wait3A_205 = arith.constant 0 : i32
      %dma_wait3A_206 = arith.constant 0 : i32
      %dma_wait3A_207 = tpu.memref_slice %arg11[%dma_wait3A_205, %dma_wait3A_206] : memref<10000x48xf32, #tpu.memory_space<vmem_shared>> -> memref<10000x48xf32, #tpu.memory_space<vmem_shared>>
      tpu.wait_indirect_dma semaphore(%arg14 : memref<!tpu.dma_semaphore, #tpu.memory_space<semaphore_mem>>) src(%arg5 : memref<128x48xf32, #tpu.memory_space<vmem>>) dst(%dma_wait3A_207 : memref<10000x48xf32, #tpu.memory_space<vmem_shared>>)
      %lt3A_208 = arith.constant 19 : i32
      %lt3A_209 = arith.cmpi slt, %add3A_91, %lt3A_208 : i32
      %convert_element_type3A_210 = arith.extui %lt3A_209 : i1 to i32
      %cond3A_211 = arith.constant 0 : i32
      %cond3A_212 = arith.cmpi ne, %convert_element_type3A_210, %cond3A_211 : i32
      scf.if %cond3A_212 {
        %add3A_253 = arith.constant 4 : i32
        %add3A_254 = arith.addi %add3A_186, %add3A_253 : i32
        %dma_start3A_255 = arith.constant 0 : i32
        %dma_start3A_256 = arith.constant 0 : i32
        %dma_start3A_257 = tpu.memref_slice %arg3[%add3A, %add3A_254, %dma_start3A_255, %dma_start3A_256] : memref<32x80x2x128xi32, #tpu.memory_space<hbm>> -> memref<1x1x2x128xi32, #tpu.memory_space<hbm>>
        %dma_start3A_258 = tpu.memref_squeeze %dma_start3A_257 : memref<1x1x2x128xi32, #tpu.memory_space<hbm>> -> memref<2x128xi32, #tpu.memory_space<hbm>>
        %dma_start3A_259 = arith.constant 0 : i32
        %dma_start3A_260 = arith.constant 0 : i32
        %dma_start3A_261 = tpu.memref_slice %arg3[%add3A, %add3A_254, %dma_start3A_259, %dma_start3A_260] : memref<32x80x2x128xi32, #tpu.memory_space<hbm>> -> memref<1x1x2x128xi32, #tpu.memory_space<hbm>>
        %dma_start3A_262 = tpu.memref_squeeze %dma_start3A_261 : memref<1x1x2x128xi32, #tpu.memory_space<hbm>> -> memref<2x128xi32, #tpu.memory_space<hbm>>
        tpu.enqueue_dma source(%dma_start3A_262 : memref<2x128xi32, #tpu.memory_space<hbm>>) target(%arg9 : memref<2x128xi32, #tpu.memory_space<vmem>>) target_semaphore(%arg18 : memref<!tpu.dma_semaphore, #tpu.memory_space<semaphore_mem>>)
      } else {
      }
      %lt3A_213 = arith.constant 19 : i32
      %lt3A_214 = arith.cmpi slt, %add3A_91, %lt3A_213 : i32
      %convert_element_type3A_215 = arith.extui %lt3A_214 : i1 to i32
      %cond3A_216 = arith.constant 0 : i32
      %cond3A_217 = arith.cmpi ne, %convert_element_type3A_215, %cond3A_216 : i32
      scf.if %cond3A_217 {
        %add3A_253 = arith.constant 2 : i32
        %add3A_254 = arith.addi %add3A_186, %add3A_253 : i32
        %dma_wait3A_255 = arith.constant 0 : i32
        %dma_wait3A_256 = arith.constant 0 : i32
        %dma_wait3A_257 = tpu.memref_slice %arg3[%add3A, %add3A_254, %dma_wait3A_255, %dma_wait3A_256] : memref<32x80x2x128xi32, #tpu.memory_space<hbm>> -> memref<1x1x2x128xi32, #tpu.memory_space<hbm>>
        %dma_wait3A_258 = tpu.memref_squeeze %dma_wait3A_257 : memref<1x1x2x128xi32, #tpu.memory_space<hbm>> -> memref<2x128xi32, #tpu.memory_space<hbm>>
        %dma_wait3A_259 = arith.constant 0 : i32
        %dma_wait3A_260 = arith.constant 0 : i32
        %dma_wait3A_261 = tpu.memref_slice %arg3[%add3A, %add3A_254, %dma_wait3A_259, %dma_wait3A_260] : memref<32x80x2x128xi32, #tpu.memory_space<hbm>> -> memref<1x1x2x128xi32, #tpu.memory_space<hbm>>
        %dma_wait3A_262 = tpu.memref_squeeze %dma_wait3A_261 : memref<1x1x2x128xi32, #tpu.memory_space<hbm>> -> memref<2x128xi32, #tpu.memory_space<hbm>>
        tpu.wait_dma2 semaphore(%arg16 : memref<!tpu.dma_semaphore, #tpu.memory_space<semaphore_mem>>) src(%dma_wait3A_262 : memref<2x128xi32, #tpu.memory_space<hbm>>) dst(%arg7 : memref<2x128xi32, #tpu.memory_space<vmem>>)
        %dma_start3A_263 = arith.constant 0 : i32
        %dma_start3A_264 = arith.constant 0 : i32
        %dma_start3A_265 = tpu.memref_slice %arg7[%dma_start3A_263, %dma_start3A_264] : memref<2x128xi32, #tpu.memory_space<vmem>> -> memref<1x128xi32, #tpu.memory_space<vmem>>
        %dma_start3A_266 = tpu.memref_squeeze %dma_start3A_265 : memref<1x128xi32, #tpu.memory_space<vmem>> -> memref<128xi32, #tpu.memory_space<vmem>>
        %dma_start3A_267 = arith.constant 0 : i32
        %dma_start3A_268 = arith.constant 0 : i32
        %dma_start3A_269 = tpu.memref_slice %arg2[%dma_start3A_267, %dma_start3A_268] : memref<10016x48xf32, #tpu.memory_space<hbm>> -> memref<10016x48xf32, #tpu.memory_space<hbm>>
        tpu.enqueue_indirect_dma source(%dma_start3A_269 : memref<10016x48xf32, #tpu.memory_space<hbm>>) target(%arg5 : memref<128x48xf32, #tpu.memory_space<vmem>>) offsets(%dma_start3A_266 : memref<128xi32, #tpu.memory_space<vmem>>) semaphore(%arg12 : memref<!tpu.dma_semaphore, #tpu.memory_space<semaphore_mem>>)
      } else {
      }
      %mul3A_218 = arith.constant 4 : i32
      %mul3A_219 = arith.muli %add3A_91, %mul3A_218 : i32
      %add3A_220 = arith.constant 3 : i32
      %add3A_221 = arith.addi %mul3A_219, %add3A_220 : i32
      %dma_wait3A_222 = arith.constant 0 : i32
      %dma_wait3A_223 = arith.constant 0 : i32
      %dma_wait3A_224 = tpu.memref_slice %arg10[%dma_wait3A_222, %dma_wait3A_223] : memref<2x128xi32, #tpu.memory_space<vmem>> -> memref<1x128xi32, #tpu.memory_space<vmem>>
      %dma_wait3A_225 = tpu.memref_squeeze %dma_wait3A_224 : memref<1x128xi32, #tpu.memory_space<vmem>> -> memref<128xi32, #tpu.memory_space<vmem>>
      %dma_wait3A_226 = arith.constant 0 : i32
      %dma_wait3A_227 = arith.constant 0 : i32
      %dma_wait3A_228 = tpu.memref_slice %arg2[%dma_wait3A_226, %dma_wait3A_227] : memref<10016x48xf32, #tpu.memory_space<hbm>> -> memref<10016x48xf32, #tpu.memory_space<hbm>>
      tpu.wait_indirect_dma semaphore(%arg13 : memref<!tpu.dma_semaphore, #tpu.memory_space<semaphore_mem>>) src(%dma_wait3A_228 : memref<10016x48xf32, #tpu.memory_space<hbm>>) dst(%arg6 : memref<128x48xf32, #tpu.memory_space<vmem>>)
      %dma_start3A_229 = arith.constant 1 : i32
      %dma_start3A_230 = arith.constant 0 : i32
      %dma_start3A_231 = tpu.memref_slice %arg10[%dma_start3A_229, %dma_start3A_230] : memref<2x128xi32, #tpu.memory_space<vmem>> -> memref<1x128xi32, #tpu.memory_space<vmem>>
      %dma_start3A_232 = tpu.memref_squeeze %dma_start3A_231 : memref<1x128xi32, #tpu.memory_space<vmem>> -> memref<128xi32, #tpu.memory_space<vmem>>
      %dma_start3A_233 = arith.constant 0 : i32
      %dma_start3A_234 = arith.constant 0 : i32
      %dma_start3A_235 = tpu.memref_slice %arg11[%dma_start3A_233, %dma_start3A_234] : memref<10000x48xf32, #tpu.memory_space<vmem_shared>> -> memref<10000x48xf32, #tpu.memory_space<vmem_shared>>
      tpu.enqueue_indirect_dma source(%arg6 : memref<128x48xf32, #tpu.memory_space<vmem>>) target(%dma_start3A_235 : memref<10000x48xf32, #tpu.memory_space<vmem_shared>>) offsets(%dma_start3A_232 : memref<128xi32, #tpu.memory_space<vmem>>) semaphore(%arg15 : memref<!tpu.dma_semaphore, #tpu.memory_space<semaphore_mem>>) {add = true}
      %dma_wait3A_236 = arith.constant 1 : i32
      %dma_wait3A_237 = arith.constant 0 : i32
      %dma_wait3A_238 = tpu.memref_slice %arg10[%dma_wait3A_236, %dma_wait3A_237] : memref<2x128xi32, #tpu.memory_space<vmem>> -> memref<1x128xi32, #tpu.memory_space<vmem>>
      %dma_wait3A_239 = tpu.memref_squeeze %dma_wait3A_238 : memref<1x128xi32, #tpu.memory_space<vmem>> -> memref<128xi32, #tpu.memory_space<vmem>>
      %dma_wait3A_240 = arith.constant 0 : i32
      %dma_wait3A_241 = arith.constant 0 : i32
      %dma_wait3A_242 = tpu.memref_slice %arg11[%dma_wait3A_240, %dma_wait3A_241] : memref<10000x48xf32, #tpu.memory_space<vmem_shared>> -> memref<10000x48xf32, #tpu.memory_space<vmem_shared>>
      tpu.wait_indirect_dma semaphore(%arg15 : memref<!tpu.dma_semaphore, #tpu.memory_space<semaphore_mem>>) src(%arg6 : memref<128x48xf32, #tpu.memory_space<vmem>>) dst(%dma_wait3A_242 : memref<10000x48xf32, #tpu.memory_space<vmem_shared>>)
      %lt3A_243 = arith.constant 19 : i32
      %lt3A_244 = arith.cmpi slt, %add3A_91, %lt3A_243 : i32
      %convert_element_type3A_245 = arith.extui %lt3A_244 : i1 to i32
      %cond3A_246 = arith.constant 0 : i32
      %cond3A_247 = arith.cmpi ne, %convert_element_type3A_245, %cond3A_246 : i32
      scf.if %cond3A_247 {
        %add3A_253 = arith.constant 4 : i32
        %add3A_254 = arith.addi %add3A_221, %add3A_253 : i32
        %dma_start3A_255 = arith.constant 0 : i32
        %dma_start3A_256 = arith.constant 0 : i32
        %dma_start3A_257 = tpu.memref_slice %arg3[%add3A, %add3A_254, %dma_start3A_255, %dma_start3A_256] : memref<32x80x2x128xi32, #tpu.memory_space<hbm>> -> memref<1x1x2x128xi32, #tpu.memory_space<hbm>>
        %dma_start3A_258 = tpu.memref_squeeze %dma_start3A_257 : memref<1x1x2x128xi32, #tpu.memory_space<hbm>> -> memref<2x128xi32, #tpu.memory_space<hbm>>
        %dma_start3A_259 = arith.constant 0 : i32
        %dma_start3A_260 = arith.constant 0 : i32
        %dma_start3A_261 = tpu.memref_slice %arg3[%add3A, %add3A_254, %dma_start3A_259, %dma_start3A_260] : memref<32x80x2x128xi32, #tpu.memory_space<hbm>> -> memref<1x1x2x128xi32, #tpu.memory_space<hbm>>
        %dma_start3A_262 = tpu.memref_squeeze %dma_start3A_261 : memref<1x1x2x128xi32, #tpu.memory_space<hbm>> -> memref<2x128xi32, #tpu.memory_space<hbm>>
        tpu.enqueue_dma source(%dma_start3A_262 : memref<2x128xi32, #tpu.memory_space<hbm>>) target(%arg10 : memref<2x128xi32, #tpu.memory_space<vmem>>) target_semaphore(%arg19 : memref<!tpu.dma_semaphore, #tpu.memory_space<semaphore_mem>>)
      } else {
      }
      %lt3A_248 = arith.constant 19 : i32
      %lt3A_249 = arith.cmpi slt, %add3A_91, %lt3A_248 : i32
      %convert_element_type3A_250 = arith.extui %lt3A_249 : i1 to i32
      %cond3A_251 = arith.constant 0 : i32
      %cond3A_252 = arith.cmpi ne, %convert_element_type3A_250, %cond3A_251 : i32
      scf.if %cond3A_252 {
        %add3A_253 = arith.constant 2 : i32
        %add3A_254 = arith.addi %add3A_221, %add3A_253 : i32
        %dma_wait3A_255 = arith.constant 0 : i32
        %dma_wait3A_256 = arith.constant 0 : i32
        %dma_wait3A_257 = tpu.memref_slice %arg3[%add3A, %add3A_254, %dma_wait3A_255, %dma_wait3A_256] : memref<32x80x2x128xi32, #tpu.memory_space<hbm>> -> memref<1x1x2x128xi32, #tpu.memory_space<hbm>>
        %dma_wait3A_258 = tpu.memref_squeeze %dma_wait3A_257 : memref<1x1x2x128xi32, #tpu.memory_space<hbm>> -> memref<2x128xi32, #tpu.memory_space<hbm>>
        %dma_wait3A_259 = arith.constant 0 : i32
        %dma_wait3A_260 = arith.constant 0 : i32
        %dma_wait3A_261 = tpu.memref_slice %arg3[%add3A, %add3A_254, %dma_wait3A_259, %dma_wait3A_260] : memref<32x80x2x128xi32, #tpu.memory_space<hbm>> -> memref<1x1x2x128xi32, #tpu.memory_space<hbm>>
        %dma_wait3A_262 = tpu.memref_squeeze %dma_wait3A_261 : memref<1x1x2x128xi32, #tpu.memory_space<hbm>> -> memref<2x128xi32, #tpu.memory_space<hbm>>
        tpu.wait_dma2 semaphore(%arg17 : memref<!tpu.dma_semaphore, #tpu.memory_space<semaphore_mem>>) src(%dma_wait3A_262 : memref<2x128xi32, #tpu.memory_space<hbm>>) dst(%arg8 : memref<2x128xi32, #tpu.memory_space<vmem>>)
        %dma_start3A_263 = arith.constant 0 : i32
        %dma_start3A_264 = arith.constant 0 : i32
        %dma_start3A_265 = tpu.memref_slice %arg8[%dma_start3A_263, %dma_start3A_264] : memref<2x128xi32, #tpu.memory_space<vmem>> -> memref<1x128xi32, #tpu.memory_space<vmem>>
        %dma_start3A_266 = tpu.memref_squeeze %dma_start3A_265 : memref<1x128xi32, #tpu.memory_space<vmem>> -> memref<128xi32, #tpu.memory_space<vmem>>
        %dma_start3A_267 = arith.constant 0 : i32
        %dma_start3A_268 = arith.constant 0 : i32
        %dma_start3A_269 = tpu.memref_slice %arg2[%dma_start3A_267, %dma_start3A_268] : memref<10016x48xf32, #tpu.memory_space<hbm>> -> memref<10016x48xf32, #tpu.memory_space<hbm>>
        tpu.enqueue_indirect_dma source(%dma_start3A_269 : memref<10016x48xf32, #tpu.memory_space<hbm>>) target(%arg6 : memref<128x48xf32, #tpu.memory_space<vmem>>) offsets(%dma_start3A_266 : memref<128xi32, #tpu.memory_space<vmem>>) semaphore(%arg13 : memref<!tpu.dma_semaphore, #tpu.memory_space<semaphore_mem>>)
      } else {
      }
    }
    %scan3A_81 = arith.constant 20 : i32
    %barrier3A_82 = arith.constant 0 : index
    tpu.barrier barrier_id(%barrier3A_82)
    %mul3A_83 = arith.constant 625 : i32
    %mul3A_84 = arith.muli %arg1, %mul3A_83 : i32
    %mul3A_85 = arith.constant 625 : i32
    %mul3A_86 = arith.muli %arg1, %mul3A_85 : i32
    "tpu.region"() ({
      %run_scoped3A = tpu.sem_alloc : memref<!tpu.dma_semaphore, #tpu.memory_space<semaphore_mem>>
      %dma_start3A_87 = arith.constant 0 : i32
      %dma_start3A_88 = tpu.memref_slice %arg4[%arg0, %mul3A_86, %dma_start3A_87] : memref<2x10000x48xf32, #tpu.memory_space<hbm>> -> memref<1x625x48xf32, #tpu.memory_space<hbm>>
      %dma_start3A_89 = tpu.memref_squeeze %dma_start3A_88 : memref<1x625x48xf32, #tpu.memory_space<hbm>> -> memref<625x48xf32, #tpu.memory_space<hbm>>
      %dma_start3A_90 = arith.constant 0 : i32
      %dma_start3A_91 = tpu.memref_slice %arg11[%mul3A_84, %dma_start3A_90] : memref<10000x48xf32, #tpu.memory_space<vmem_shared>> -> memref<625x48xf32, #tpu.memory_space<vmem_shared>>
      tpu.enqueue_dma source(%dma_start3A_91 : memref<625x48xf32, #tpu.memory_space<vmem_shared>>) target(%dma_start3A_89 : memref<625x48xf32, #tpu.memory_space<hbm>>) target_semaphore(%run_scoped3A : memref<!tpu.dma_semaphore, #tpu.memory_space<semaphore_mem>>)
      %dma_wait3A_92 = arith.constant 0 : i32
      %dma_wait3A_93 = tpu.memref_slice %arg4[%arg0, %mul3A_86, %dma_wait3A_92] : memref<2x10000x48xf32, #tpu.memory_space<hbm>> -> memref<1x625x48xf32, #tpu.memory_space<hbm>>
      %dma_wait3A_94 = tpu.memref_squeeze %dma_wait3A_93 : memref<1x625x48xf32, #tpu.memory_space<hbm>> -> memref<625x48xf32, #tpu.memory_space<hbm>>
      %dma_wait3A_95 = arith.constant 0 : i32
      %dma_wait3A_96 = tpu.memref_slice %arg11[%mul3A_84, %dma_wait3A_95] : memref<10000x48xf32, #tpu.memory_space<vmem_shared>> -> memref<625x48xf32, #tpu.memory_space<vmem_shared>>
      tpu.wait_dma2 semaphore(%run_scoped3A : memref<!tpu.dma_semaphore, #tpu.memory_space<semaphore_mem>>) src(%dma_wait3A_96 : memref<625x48xf32, #tpu.memory_space<vmem_shared>>) dst(%dma_wait3A_94 : memref<625x48xf32, #tpu.memory_space<hbm>>)
      tpu.yield
    }) : () -> ()
    return
  }
}

#map = affine_map<(d0, d1) -> (0, 0)>
#map1 = affine_map<(d0, d1) -> (0, 0, 0, 0)>
#map2 = affine_map<(d0, d1) -> (0, 0, 0)>
module attributes {stable_mosaic.version = 14 : i64} {
  func.func @prop(%arg0: i32, %arg1: i32, %arg2: memref<10016x128xf32, #tpu.memory_space<hbm>>, %arg3: memref<32x80x2x128xi32, #tpu.memory_space<hbm>>, %arg4: memref<2x10000x128xf32, #tpu.memory_space<hbm>>, %arg5: memref<128x128xf32, #tpu.memory_space<vmem>>, %arg6: memref<128x128xf32, #tpu.memory_space<vmem>>, %arg7: memref<2x128xi32, #tpu.memory_space<vmem>>, %arg8: memref<2x128xi32, #tpu.memory_space<vmem>>, %arg9: memref<2x128xi32, #tpu.memory_space<vmem>>, %arg10: memref<2x128xi32, #tpu.memory_space<vmem>>, %arg11: memref<10000x128xf32, #tpu.memory_space<vmem_shared>>, %arg12: memref<!tpu.dma_semaphore, #tpu.memory_space<semaphore_mem>>, %arg13: memref<!tpu.dma_semaphore, #tpu.memory_space<semaphore_mem>>, %arg14: memref<!tpu.dma_semaphore, #tpu.memory_space<semaphore_mem>>, %arg15: memref<!tpu.dma_semaphore, #tpu.memory_space<semaphore_mem>>, %arg16: memref<!tpu.dma_semaphore, #tpu.memory_space<semaphore_mem>>, %arg17: memref<!tpu.dma_semaphore, #tpu.memory_space<semaphore_mem>>, %arg18: memref<!tpu.dma_semaphore, #tpu.memory_space<semaphore_mem>>, %arg19: memref<!tpu.dma_semaphore, #tpu.memory_space<semaphore_mem>>) attributes {dimension_semantics = [#tpu.dimension_semantics<core_parallel>, #tpu.dimension_semantics<subcore_parallel>], iteration_bounds = array<i64: 2, 16>, scalar_prefetch = 0 : i64, scratch_operands = 15 : i64, tpu.core_type = #tpu.core_type<sc_vector_subcore>, window_params = [{transform_indices = #map}, {transform_indices = #map1}, {transform_indices = #map2}]} {
    %mul3A = arith.constant 16 : i32
    %mul3A_0 = arith.muli %arg0, %mul3A : i32
    %add3A = arith.addi %mul3A_0, %arg1 : i32
    %broadcast_in_dim3A = arith.constant 0.000000e+00 : f32
    %broadcast_in_dim3A_1 = vector.broadcast %broadcast_in_dim3A : f32 to vector<16xf32>
    %scan3A = arith.constant 0 : i32
    %scan3A_2 = arith.constant 125 : i32
    %scan3A_3 = arith.addi %scan3A, %scan3A_2 : i32
    %scan3A_4 = arith.constant 1 : i32
    scf.for %scan3A_87 = %scan3A to %scan3A_3 step %scan3A_4  : i32 {
      %mul3A_88 = arith.constant 1 : i32
      %mul3A_89 = arith.muli %scan3A_87, %mul3A_88 : i32
      %add3A_90 = arith.constant 0 : i32
      %add3A_91 = arith.addi %add3A_90, %mul3A_89 : i32
      %swap3A = arith.index_cast %add3A_91 : i32 to index
      %swap3A_92 = arith.constant 0 : index
      %swap3A_93 = tpu.vector_load %arg5[%swap3A, %swap3A_92] {strides = array<i32>} : memref<128x128xf32, #tpu.memory_space<vmem>>, vector<1x16xf32>,
      %swap3A_94 = vector.shape_cast %swap3A_93 : vector<1x16xf32> to vector<16xf32>
      %swap3A_95 = vector.shape_cast %broadcast_in_dim3A_1 : vector<16xf32> to vector<1x16xf32>
      tpu.vector_store %arg5[%swap3A, %swap3A_92], %swap3A_95 {strides = array<i32>} : memref<128x128xf32, #tpu.memory_space<vmem>>, vector<1x16xf32>,
      %swap3A_96 = arith.index_cast %add3A_91 : i32 to index
      %swap3A_97 = arith.constant 16 : index
      %swap3A_98 = tpu.vector_load %arg5[%swap3A_96, %swap3A_97] {strides = array<i32>} : memref<128x128xf32, #tpu.memory_space<vmem>>, vector<1x16xf32>,
      %swap3A_99 = vector.shape_cast %swap3A_98 : vector<1x16xf32> to vector<16xf32>
      %swap3A_100 = vector.shape_cast %broadcast_in_dim3A_1 : vector<16xf32> to vector<1x16xf32>
      tpu.vector_store %arg5[%swap3A_96, %swap3A_97], %swap3A_100 {strides = array<i32>} : memref<128x128xf32, #tpu.memory_space<vmem>>, vector<1x16xf32>,
      %swap3A_101 = arith.index_cast %add3A_91 : i32 to index
      %swap3A_102 = arith.constant 32 : index
      %swap3A_103 = tpu.vector_load %arg5[%swap3A_101, %swap3A_102] {strides = array<i32>} : memref<128x128xf32, #tpu.memory_space<vmem>>, vector<1x16xf32>,
      %swap3A_104 = vector.shape_cast %swap3A_103 : vector<1x16xf32> to vector<16xf32>
      %swap3A_105 = vector.shape_cast %broadcast_in_dim3A_1 : vector<16xf32> to vector<1x16xf32>
      tpu.vector_store %arg5[%swap3A_101, %swap3A_102], %swap3A_105 {strides = array<i32>} : memref<128x128xf32, #tpu.memory_space<vmem>>, vector<1x16xf32>,
      %swap3A_106 = arith.index_cast %add3A_91 : i32 to index
      %swap3A_107 = arith.constant 48 : index
      %swap3A_108 = tpu.vector_load %arg5[%swap3A_106, %swap3A_107] {strides = array<i32>} : memref<128x128xf32, #tpu.memory_space<vmem>>, vector<1x16xf32>,
      %swap3A_109 = vector.shape_cast %swap3A_108 : vector<1x16xf32> to vector<16xf32>
      %swap3A_110 = vector.shape_cast %broadcast_in_dim3A_1 : vector<16xf32> to vector<1x16xf32>
      tpu.vector_store %arg5[%swap3A_106, %swap3A_107], %swap3A_110 {strides = array<i32>} : memref<128x128xf32, #tpu.memory_space<vmem>>, vector<1x16xf32>,
      %swap3A_111 = arith.index_cast %add3A_91 : i32 to index
      %swap3A_112 = arith.constant 64 : index
      %swap3A_113 = tpu.vector_load %arg5[%swap3A_111, %swap3A_112] {strides = array<i32>} : memref<128x128xf32, #tpu.memory_space<vmem>>, vector<1x16xf32>,
      %swap3A_114 = vector.shape_cast %swap3A_113 : vector<1x16xf32> to vector<16xf32>
      %swap3A_115 = vector.shape_cast %broadcast_in_dim3A_1 : vector<16xf32> to vector<1x16xf32>
      tpu.vector_store %arg5[%swap3A_111, %swap3A_112], %swap3A_115 {strides = array<i32>} : memref<128x128xf32, #tpu.memory_space<vmem>>, vector<1x16xf32>,
      %swap3A_116 = arith.index_cast %add3A_91 : i32 to index
      %swap3A_117 = arith.constant 80 : index
      %swap3A_118 = tpu.vector_load %arg5[%swap3A_116, %swap3A_117] {strides = array<i32>} : memref<128x128xf32, #tpu.memory_space<vmem>>, vector<1x16xf32>,
      %swap3A_119 = vector.shape_cast %swap3A_118 : vector<1x16xf32> to vector<16xf32>
      %swap3A_120 = vector.shape_cast %broadcast_in_dim3A_1 : vector<16xf32> to vector<1x16xf32>
      tpu.vector_store %arg5[%swap3A_116, %swap3A_117], %swap3A_120 {strides = array<i32>} : memref<128x128xf32, #tpu.memory_space<vmem>>, vector<1x16xf32>,
      %swap3A_121 = arith.index_cast %add3A_91 : i32 to index
      %swap3A_122 = arith.constant 96 : index
      %swap3A_123 = tpu.vector_load %arg5[%swap3A_121, %swap3A_122] {strides = array<i32>} : memref<128x128xf32, #tpu.memory_space<vmem>>, vector<1x16xf32>,
      %swap3A_124 = vector.shape_cast %swap3A_123 : vector<1x16xf32> to vector<16xf32>
      %swap3A_125 = vector.shape_cast %broadcast_in_dim3A_1 : vector<16xf32> to vector<1x16xf32>
      tpu.vector_store %arg5[%swap3A_121, %swap3A_122], %swap3A_125 {strides = array<i32>} : memref<128x128xf32, #tpu.memory_space<vmem>>, vector<1x16xf32>,
      %swap3A_126 = arith.index_cast %add3A_91 : i32 to index
      %swap3A_127 = arith.constant 112 : index
      %swap3A_128 = tpu.vector_load %arg5[%swap3A_126, %swap3A_127] {strides = array<i32>} : memref<128x128xf32, #tpu.memory_space<vmem>>, vector<1x16xf32>,
      %swap3A_129 = vector.shape_cast %swap3A_128 : vector<1x16xf32> to vector<16xf32>
      %swap3A_130 = vector.shape_cast %broadcast_in_dim3A_1 : vector<16xf32> to vector<1x16xf32>
      tpu.vector_store %arg5[%swap3A_126, %swap3A_127], %swap3A_130 {strides = array<i32>} : memref<128x128xf32, #tpu.memory_space<vmem>>, vector<1x16xf32>,
    }
    %scan3A_5 = arith.constant 125 : i32
    %scan3A_6 = arith.constant 0 : i32
    %scan3A_7 = arith.constant 5 : i32
    %scan3A_8 = arith.addi %scan3A_6, %scan3A_7 : i32
    %scan3A_9 = arith.constant 1 : i32
    scf.for %scan3A_87 = %scan3A_6 to %scan3A_8 step %scan3A_9  : i32 {
      %mul3A_88 = arith.constant 1 : i32
      %mul3A_89 = arith.muli %scan3A_87, %mul3A_88 : i32
      %add3A_90 = arith.constant 0 : i32
      %add3A_91 = arith.addi %add3A_90, %mul3A_89 : i32
      %mul3A_92 = arith.constant 625 : i32
      %mul3A_93 = arith.muli %arg1, %mul3A_92 : i32
      %mul3A_94 = arith.constant 125 : i32
      %mul3A_95 = arith.muli %add3A_91, %mul3A_94 : i32
      %add3A_96 = arith.addi %mul3A_93, %mul3A_95 : i32
      "tpu.region"() ({
        %run_scoped3A = tpu.sem_alloc : memref<!tpu.dma_semaphore, #tpu.memory_space<semaphore_mem>>
        %dma_start3A_97 = arith.constant 0 : i32
        %dma_start3A_98 = arith.constant 0 : i32
        %dma_start3A_99 = tpu.memref_slice %arg5[%dma_start3A_97, %dma_start3A_98] : memref<128x128xf32, #tpu.memory_space<vmem>> -> memref<125x128xf32, #tpu.memory_space<vmem>>
        %dma_start3A_100 = arith.constant 0 : i32
        %dma_start3A_101 = tpu.memref_slice %arg11[%add3A_96, %dma_start3A_100] : memref<10000x128xf32, #tpu.memory_space<vmem_shared>> -> memref<125x128xf32, #tpu.memory_space<vmem_shared>>
        %dma_start3A_102 = arith.constant 0 : i32
        %dma_start3A_103 = tpu.memref_slice %arg11[%add3A_96, %dma_start3A_102] : memref<10000x128xf32, #tpu.memory_space<vmem_shared>> -> memref<125x128xf32, #tpu.memory_space<vmem_shared>>
        %dma_start3A_104 = arith.constant 0 : i32
        %dma_start3A_105 = arith.constant 0 : i32
        %dma_start3A_106 = tpu.memref_slice %arg5[%dma_start3A_104, %dma_start3A_105] : memref<128x128xf32, #tpu.memory_space<vmem>> -> memref<125x128xf32, #tpu.memory_space<vmem>>
        tpu.enqueue_dma source(%dma_start3A_106 : memref<125x128xf32, #tpu.memory_space<vmem>>) target(%dma_start3A_103 : memref<125x128xf32, #tpu.memory_space<vmem_shared>>) target_semaphore(%run_scoped3A : memref<!tpu.dma_semaphore, #tpu.memory_space<semaphore_mem>>)
        %dma_wait3A_107 = arith.constant 0 : i32
        %dma_wait3A_108 = arith.constant 0 : i32
        %dma_wait3A_109 = tpu.memref_slice %arg5[%dma_wait3A_107, %dma_wait3A_108] : memref<128x128xf32, #tpu.memory_space<vmem>> -> memref<125x128xf32, #tpu.memory_space<vmem>>
        %dma_wait3A_110 = arith.constant 0 : i32
        %dma_wait3A_111 = tpu.memref_slice %arg11[%add3A_96, %dma_wait3A_110] : memref<10000x128xf32, #tpu.memory_space<vmem_shared>> -> memref<125x128xf32, #tpu.memory_space<vmem_shared>>
        %dma_wait3A_112 = arith.constant 0 : i32
        %dma_wait3A_113 = tpu.memref_slice %arg11[%add3A_96, %dma_wait3A_112] : memref<10000x128xf32, #tpu.memory_space<vmem_shared>> -> memref<125x128xf32, #tpu.memory_space<vmem_shared>>
        %dma_wait3A_114 = arith.constant 0 : i32
        %dma_wait3A_115 = arith.constant 0 : i32
        %dma_wait3A_116 = tpu.memref_slice %arg5[%dma_wait3A_114, %dma_wait3A_115] : memref<128x128xf32, #tpu.memory_space<vmem>> -> memref<125x128xf32, #tpu.memory_space<vmem>>
        tpu.wait_dma2 semaphore(%run_scoped3A : memref<!tpu.dma_semaphore, #tpu.memory_space<semaphore_mem>>) src(%dma_wait3A_116 : memref<125x128xf32, #tpu.memory_space<vmem>>) dst(%dma_wait3A_113 : memref<125x128xf32, #tpu.memory_space<vmem_shared>>)
        tpu.yield
      }) : () -> ()
    }
    %scan3A_10 = arith.constant 5 : i32
    %barrier3A = arith.constant 0 : index
    tpu.barrier barrier_id(%barrier3A)
    %dma_start3A = arith.constant 0 : i32
    %dma_start3A_11 = arith.constant 0 : i32
    %dma_start3A_12 = arith.constant 0 : i32
    %dma_start3A_13 = tpu.memref_slice %arg3[%add3A, %dma_start3A, %dma_start3A_11, %dma_start3A_12] : memref<32x80x2x128xi32, #tpu.memory_space<hbm>> -> memref<1x1x2x128xi32, #tpu.memory_space<hbm>>
    %dma_start3A_14 = tpu.memref_squeeze %dma_start3A_13 : memref<1x1x2x128xi32, #tpu.memory_space<hbm>> -> memref<2x128xi32, #tpu.memory_space<hbm>>
    %dma_start3A_15 = arith.constant 0 : i32
    %dma_start3A_16 = arith.constant 0 : i32
    %dma_start3A_17 = tpu.memref_slice %arg3[%add3A, %dma_start3A, %dma_start3A_15, %dma_start3A_16] : memref<32x80x2x128xi32, #tpu.memory_space<hbm>> -> memref<1x1x2x128xi32, #tpu.memory_space<hbm>>
    %dma_start3A_18 = tpu.memref_squeeze %dma_start3A_17 : memref<1x1x2x128xi32, #tpu.memory_space<hbm>> -> memref<2x128xi32, #tpu.memory_space<hbm>>
    tpu.enqueue_dma source(%dma_start3A_18 : memref<2x128xi32, #tpu.memory_space<hbm>>) target(%arg7 : memref<2x128xi32, #tpu.memory_space<vmem>>) target_semaphore(%arg16 : memref<!tpu.dma_semaphore, #tpu.memory_space<semaphore_mem>>)
    %dma_start3A_19 = arith.constant 1 : i32
    %dma_start3A_20 = arith.constant 0 : i32
    %dma_start3A_21 = arith.constant 0 : i32
    %dma_start3A_22 = tpu.memref_slice %arg3[%add3A, %dma_start3A_19, %dma_start3A_20, %dma_start3A_21] : memref<32x80x2x128xi32, #tpu.memory_space<hbm>> -> memref<1x1x2x128xi32, #tpu.memory_space<hbm>>
    %dma_start3A_23 = tpu.memref_squeeze %dma_start3A_22 : memref<1x1x2x128xi32, #tpu.memory_space<hbm>> -> memref<2x128xi32, #tpu.memory_space<hbm>>
    %dma_start3A_24 = arith.constant 0 : i32
    %dma_start3A_25 = arith.constant 0 : i32
    %dma_start3A_26 = tpu.memref_slice %arg3[%add3A, %dma_start3A_19, %dma_start3A_24, %dma_start3A_25] : memref<32x80x2x128xi32, #tpu.memory_space<hbm>> -> memref<1x1x2x128xi32, #tpu.memory_space<hbm>>
    %dma_start3A_27 = tpu.memref_squeeze %dma_start3A_26 : memref<1x1x2x128xi32, #tpu.memory_space<hbm>> -> memref<2x128xi32, #tpu.memory_space<hbm>>
    tpu.enqueue_dma source(%dma_start3A_27 : memref<2x128xi32, #tpu.memory_space<hbm>>) target(%arg8 : memref<2x128xi32, #tpu.memory_space<vmem>>) target_semaphore(%arg17 : memref<!tpu.dma_semaphore, #tpu.memory_space<semaphore_mem>>)
    %dma_start3A_28 = arith.constant 2 : i32
    %dma_start3A_29 = arith.constant 0 : i32
    %dma_start3A_30 = arith.constant 0 : i32
    %dma_start3A_31 = tpu.memref_slice %arg3[%add3A, %dma_start3A_28, %dma_start3A_29, %dma_start3A_30] : memref<32x80x2x128xi32, #tpu.memory_space<hbm>> -> memref<1x1x2x128xi32, #tpu.memory_space<hbm>>
    %dma_start3A_32 = tpu.memref_squeeze %dma_start3A_31 : memref<1x1x2x128xi32, #tpu.memory_space<hbm>> -> memref<2x128xi32, #tpu.memory_space<hbm>>
    %dma_start3A_33 = arith.constant 0 : i32
    %dma_start3A_34 = arith.constant 0 : i32
    %dma_start3A_35 = tpu.memref_slice %arg3[%add3A, %dma_start3A_28, %dma_start3A_33, %dma_start3A_34] : memref<32x80x2x128xi32, #tpu.memory_space<hbm>> -> memref<1x1x2x128xi32, #tpu.memory_space<hbm>>
    %dma_start3A_36 = tpu.memref_squeeze %dma_start3A_35 : memref<1x1x2x128xi32, #tpu.memory_space<hbm>> -> memref<2x128xi32, #tpu.memory_space<hbm>>
    tpu.enqueue_dma source(%dma_start3A_36 : memref<2x128xi32, #tpu.memory_space<hbm>>) target(%arg9 : memref<2x128xi32, #tpu.memory_space<vmem>>) target_semaphore(%arg18 : memref<!tpu.dma_semaphore, #tpu.memory_space<semaphore_mem>>)
    %dma_start3A_37 = arith.constant 3 : i32
    %dma_start3A_38 = arith.constant 0 : i32
    %dma_start3A_39 = arith.constant 0 : i32
    %dma_start3A_40 = tpu.memref_slice %arg3[%add3A, %dma_start3A_37, %dma_start3A_38, %dma_start3A_39] : memref<32x80x2x128xi32, #tpu.memory_space<hbm>> -> memref<1x1x2x128xi32, #tpu.memory_space<hbm>>
    %dma_start3A_41 = tpu.memref_squeeze %dma_start3A_40 : memref<1x1x2x128xi32, #tpu.memory_space<hbm>> -> memref<2x128xi32, #tpu.memory_space<hbm>>
    %dma_start3A_42 = arith.constant 0 : i32
    %dma_start3A_43 = arith.constant 0 : i32
    %dma_start3A_44 = tpu.memref_slice %arg3[%add3A, %dma_start3A_37, %dma_start3A_42, %dma_start3A_43] : memref<32x80x2x128xi32, #tpu.memory_space<hbm>> -> memref<1x1x2x128xi32, #tpu.memory_space<hbm>>
    %dma_start3A_45 = tpu.memref_squeeze %dma_start3A_44 : memref<1x1x2x128xi32, #tpu.memory_space<hbm>> -> memref<2x128xi32, #tpu.memory_space<hbm>>
    tpu.enqueue_dma source(%dma_start3A_45 : memref<2x128xi32, #tpu.memory_space<hbm>>) target(%arg10 : memref<2x128xi32, #tpu.memory_space<vmem>>) target_semaphore(%arg19 : memref<!tpu.dma_semaphore, #tpu.memory_space<semaphore_mem>>)
    %dma_wait3A = arith.constant 0 : i32
    %dma_wait3A_46 = arith.constant 0 : i32
    %dma_wait3A_47 = arith.constant 0 : i32
    %dma_wait3A_48 = tpu.memref_slice %arg3[%add3A, %dma_wait3A, %dma_wait3A_46, %dma_wait3A_47] : memref<32x80x2x128xi32, #tpu.memory_space<hbm>> -> memref<1x1x2x128xi32, #tpu.memory_space<hbm>>
    %dma_wait3A_49 = tpu.memref_squeeze %dma_wait3A_48 : memref<1x1x2x128xi32, #tpu.memory_space<hbm>> -> memref<2x128xi32, #tpu.memory_space<hbm>>
    %dma_wait3A_50 = arith.constant 0 : i32
    %dma_wait3A_51 = arith.constant 0 : i32
    %dma_wait3A_52 = tpu.memref_slice %arg3[%add3A, %dma_wait3A, %dma_wait3A_50, %dma_wait3A_51] : memref<32x80x2x128xi32, #tpu.memory_space<hbm>> -> memref<1x1x2x128xi32, #tpu.memory_space<hbm>>
    %dma_wait3A_53 = tpu.memref_squeeze %dma_wait3A_52 : memref<1x1x2x128xi32, #tpu.memory_space<hbm>> -> memref<2x128xi32, #tpu.memory_space<hbm>>
    tpu.wait_dma2 semaphore(%arg16 : memref<!tpu.dma_semaphore, #tpu.memory_space<semaphore_mem>>) src(%dma_wait3A_53 : memref<2x128xi32, #tpu.memory_space<hbm>>) dst(%arg7 : memref<2x128xi32, #tpu.memory_space<vmem>>)
    %dma_start3A_54 = arith.constant 0 : i32
    %dma_start3A_55 = arith.constant 0 : i32
    %dma_start3A_56 = tpu.memref_slice %arg7[%dma_start3A_54, %dma_start3A_55] : memref<2x128xi32, #tpu.memory_space<vmem>> -> memref<1x128xi32, #tpu.memory_space<vmem>>
    %dma_start3A_57 = tpu.memref_squeeze %dma_start3A_56 : memref<1x128xi32, #tpu.memory_space<vmem>> -> memref<128xi32, #tpu.memory_space<vmem>>
    %dma_start3A_58 = arith.constant 0 : i32
    %dma_start3A_59 = arith.constant 0 : i32
    %dma_start3A_60 = tpu.memref_slice %arg2[%dma_start3A_58, %dma_start3A_59] : memref<10016x128xf32, #tpu.memory_space<hbm>> -> memref<10016x128xf32, #tpu.memory_space<hbm>>
    tpu.enqueue_indirect_dma source(%dma_start3A_60 : memref<10016x128xf32, #tpu.memory_space<hbm>>) target(%arg5 : memref<128x128xf32, #tpu.memory_space<vmem>>) offsets(%dma_start3A_57 : memref<128xi32, #tpu.memory_space<vmem>>) semaphore(%arg12 : memref<!tpu.dma_semaphore, #tpu.memory_space<semaphore_mem>>)
    %dma_wait3A_61 = arith.constant 1 : i32
    %dma_wait3A_62 = arith.constant 0 : i32
    %dma_wait3A_63 = arith.constant 0 : i32
    %dma_wait3A_64 = tpu.memref_slice %arg3[%add3A, %dma_wait3A_61, %dma_wait3A_62, %dma_wait3A_63] : memref<32x80x2x128xi32, #tpu.memory_space<hbm>> -> memref<1x1x2x128xi32, #tpu.memory_space<hbm>>
    %dma_wait3A_65 = tpu.memref_squeeze %dma_wait3A_64 : memref<1x1x2x128xi32, #tpu.memory_space<hbm>> -> memref<2x128xi32, #tpu.memory_space<hbm>>
    %dma_wait3A_66 = arith.constant 0 : i32
    %dma_wait3A_67 = arith.constant 0 : i32
    %dma_wait3A_68 = tpu.memref_slice %arg3[%add3A, %dma_wait3A_61, %dma_wait3A_66, %dma_wait3A_67] : memref<32x80x2x128xi32, #tpu.memory_space<hbm>> -> memref<1x1x2x128xi32, #tpu.memory_space<hbm>>
    %dma_wait3A_69 = tpu.memref_squeeze %dma_wait3A_68 : memref<1x1x2x128xi32, #tpu.memory_space<hbm>> -> memref<2x128xi32, #tpu.memory_space<hbm>>
    tpu.wait_dma2 semaphore(%arg17 : memref<!tpu.dma_semaphore, #tpu.memory_space<semaphore_mem>>) src(%dma_wait3A_69 : memref<2x128xi32, #tpu.memory_space<hbm>>) dst(%arg8 : memref<2x128xi32, #tpu.memory_space<vmem>>)
    %dma_start3A_70 = arith.constant 0 : i32
    %dma_start3A_71 = arith.constant 0 : i32
    %dma_start3A_72 = tpu.memref_slice %arg8[%dma_start3A_70, %dma_start3A_71] : memref<2x128xi32, #tpu.memory_space<vmem>> -> memref<1x128xi32, #tpu.memory_space<vmem>>
    %dma_start3A_73 = tpu.memref_squeeze %dma_start3A_72 : memref<1x128xi32, #tpu.memory_space<vmem>> -> memref<128xi32, #tpu.memory_space<vmem>>
    %dma_start3A_74 = arith.constant 0 : i32
    %dma_start3A_75 = arith.constant 0 : i32
    %dma_start3A_76 = tpu.memref_slice %arg2[%dma_start3A_74, %dma_start3A_75] : memref<10016x128xf32, #tpu.memory_space<hbm>> -> memref<10016x128xf32, #tpu.memory_space<hbm>>
    tpu.enqueue_indirect_dma source(%dma_start3A_76 : memref<10016x128xf32, #tpu.memory_space<hbm>>) target(%arg6 : memref<128x128xf32, #tpu.memory_space<vmem>>) offsets(%dma_start3A_73 : memref<128xi32, #tpu.memory_space<vmem>>) semaphore(%arg13 : memref<!tpu.dma_semaphore, #tpu.memory_space<semaphore_mem>>)
    %scan3A_77 = arith.constant 0 : i32
    %scan3A_78 = arith.constant 20 : i32
    %scan3A_79 = arith.addi %scan3A_77, %scan3A_78 : i32
    %scan3A_80 = arith.constant 1 : i32
    scf.for %scan3A_87 = %scan3A_77 to %scan3A_79 step %scan3A_80  : i32 {
      %mul3A_88 = arith.constant 1 : i32
      %mul3A_89 = arith.muli %scan3A_87, %mul3A_88 : i32
      %add3A_90 = arith.constant 0 : i32
      %add3A_91 = arith.addi %add3A_90, %mul3A_89 : i32
      %mul3A_92 = arith.constant 4 : i32
      %mul3A_93 = arith.muli %add3A_91, %mul3A_92 : i32
      %add3A_94 = arith.constant 0 : i32
      %add3A_95 = arith.addi %mul3A_93, %add3A_94 : i32
      %dma_wait3A_96 = arith.constant 0 : i32
      %dma_wait3A_97 = arith.constant 0 : i32
      %dma_wait3A_98 = tpu.memref_slice %arg7[%dma_wait3A_96, %dma_wait3A_97] : memref<2x128xi32, #tpu.memory_space<vmem>> -> memref<1x128xi32, #tpu.memory_space<vmem>>
      %dma_wait3A_99 = tpu.memref_squeeze %dma_wait3A_98 : memref<1x128xi32, #tpu.memory_space<vmem>> -> memref<128xi32, #tpu.memory_space<vmem>>
      %dma_wait3A_100 = arith.constant 0 : i32
      %dma_wait3A_101 = arith.constant 0 : i32
      %dma_wait3A_102 = tpu.memref_slice %arg2[%dma_wait3A_100, %dma_wait3A_101] : memref<10016x128xf32, #tpu.memory_space<hbm>> -> memref<10016x128xf32, #tpu.memory_space<hbm>>
      tpu.wait_indirect_dma semaphore(%arg12 : memref<!tpu.dma_semaphore, #tpu.memory_space<semaphore_mem>>) src(%dma_wait3A_102 : memref<10016x128xf32, #tpu.memory_space<hbm>>) dst(%arg5 : memref<128x128xf32, #tpu.memory_space<vmem>>)
      %dma_start3A_103 = arith.constant 1 : i32
      %dma_start3A_104 = arith.constant 0 : i32
      %dma_start3A_105 = tpu.memref_slice %arg7[%dma_start3A_103, %dma_start3A_104] : memref<2x128xi32, #tpu.memory_space<vmem>> -> memref<1x128xi32, #tpu.memory_space<vmem>>
      %dma_start3A_106 = tpu.memref_squeeze %dma_start3A_105 : memref<1x128xi32, #tpu.memory_space<vmem>> -> memref<128xi32, #tpu.memory_space<vmem>>
      %dma_start3A_107 = arith.constant 0 : i32
      %dma_start3A_108 = arith.constant 0 : i32
      %dma_start3A_109 = tpu.memref_slice %arg11[%dma_start3A_107, %dma_start3A_108] : memref<10000x128xf32, #tpu.memory_space<vmem_shared>> -> memref<10000x128xf32, #tpu.memory_space<vmem_shared>>
      tpu.enqueue_indirect_dma source(%arg5 : memref<128x128xf32, #tpu.memory_space<vmem>>) target(%dma_start3A_109 : memref<10000x128xf32, #tpu.memory_space<vmem_shared>>) offsets(%dma_start3A_106 : memref<128xi32, #tpu.memory_space<vmem>>) semaphore(%arg14 : memref<!tpu.dma_semaphore, #tpu.memory_space<semaphore_mem>>) {add = true}
      %dma_wait3A_110 = arith.constant 1 : i32
      %dma_wait3A_111 = arith.constant 0 : i32
      %dma_wait3A_112 = tpu.memref_slice %arg7[%dma_wait3A_110, %dma_wait3A_111] : memref<2x128xi32, #tpu.memory_space<vmem>> -> memref<1x128xi32, #tpu.memory_space<vmem>>
      %dma_wait3A_113 = tpu.memref_squeeze %dma_wait3A_112 : memref<1x128xi32, #tpu.memory_space<vmem>> -> memref<128xi32, #tpu.memory_space<vmem>>
      %dma_wait3A_114 = arith.constant 0 : i32
      %dma_wait3A_115 = arith.constant 0 : i32
      %dma_wait3A_116 = tpu.memref_slice %arg11[%dma_wait3A_114, %dma_wait3A_115] : memref<10000x128xf32, #tpu.memory_space<vmem_shared>> -> memref<10000x128xf32, #tpu.memory_space<vmem_shared>>
      tpu.wait_indirect_dma semaphore(%arg14 : memref<!tpu.dma_semaphore, #tpu.memory_space<semaphore_mem>>) src(%arg5 : memref<128x128xf32, #tpu.memory_space<vmem>>) dst(%dma_wait3A_116 : memref<10000x128xf32, #tpu.memory_space<vmem_shared>>)
      %lt3A = arith.constant 19 : i32
      %lt3A_117 = arith.cmpi slt, %add3A_91, %lt3A : i32
      %convert_element_type3A = arith.extui %lt3A_117 : i1 to i32
      %cond3A = arith.constant 0 : i32
      %cond3A_118 = arith.cmpi ne, %convert_element_type3A, %cond3A : i32
      scf.if %cond3A_118 {
        %add3A_253 = arith.constant 4 : i32
        %add3A_254 = arith.addi %add3A_95, %add3A_253 : i32
        %dma_start3A_255 = arith.constant 0 : i32
        %dma_start3A_256 = arith.constant 0 : i32
        %dma_start3A_257 = tpu.memref_slice %arg3[%add3A, %add3A_254, %dma_start3A_255, %dma_start3A_256] : memref<32x80x2x128xi32, #tpu.memory_space<hbm>> -> memref<1x1x2x128xi32, #tpu.memory_space<hbm>>
        %dma_start3A_258 = tpu.memref_squeeze %dma_start3A_257 : memref<1x1x2x128xi32, #tpu.memory_space<hbm>> -> memref<2x128xi32, #tpu.memory_space<hbm>>
        %dma_start3A_259 = arith.constant 0 : i32
        %dma_start3A_260 = arith.constant 0 : i32
        %dma_start3A_261 = tpu.memref_slice %arg3[%add3A, %add3A_254, %dma_start3A_259, %dma_start3A_260] : memref<32x80x2x128xi32, #tpu.memory_space<hbm>> -> memref<1x1x2x128xi32, #tpu.memory_space<hbm>>
        %dma_start3A_262 = tpu.memref_squeeze %dma_start3A_261 : memref<1x1x2x128xi32, #tpu.memory_space<hbm>> -> memref<2x128xi32, #tpu.memory_space<hbm>>
        tpu.enqueue_dma source(%dma_start3A_262 : memref<2x128xi32, #tpu.memory_space<hbm>>) target(%arg7 : memref<2x128xi32, #tpu.memory_space<vmem>>) target_semaphore(%arg16 : memref<!tpu.dma_semaphore, #tpu.memory_space<semaphore_mem>>)
      } else {
      }
      %add3A_119 = arith.constant 2 : i32
      %add3A_120 = arith.addi %add3A_95, %add3A_119 : i32
      %dma_wait3A_121 = arith.constant 0 : i32
      %dma_wait3A_122 = arith.constant 0 : i32
      %dma_wait3A_123 = tpu.memref_slice %arg3[%add3A, %add3A_120, %dma_wait3A_121, %dma_wait3A_122] : memref<32x80x2x128xi32, #tpu.memory_space<hbm>> -> memref<1x1x2x128xi32, #tpu.memory_space<hbm>>
      %dma_wait3A_124 = tpu.memref_squeeze %dma_wait3A_123 : memref<1x1x2x128xi32, #tpu.memory_space<hbm>> -> memref<2x128xi32, #tpu.memory_space<hbm>>
      %dma_wait3A_125 = arith.constant 0 : i32
      %dma_wait3A_126 = arith.constant 0 : i32
      %dma_wait3A_127 = tpu.memref_slice %arg3[%add3A, %add3A_120, %dma_wait3A_125, %dma_wait3A_126] : memref<32x80x2x128xi32, #tpu.memory_space<hbm>> -> memref<1x1x2x128xi32, #tpu.memory_space<hbm>>
      %dma_wait3A_128 = tpu.memref_squeeze %dma_wait3A_127 : memref<1x1x2x128xi32, #tpu.memory_space<hbm>> -> memref<2x128xi32, #tpu.memory_space<hbm>>
      tpu.wait_dma2 semaphore(%arg18 : memref<!tpu.dma_semaphore, #tpu.memory_space<semaphore_mem>>) src(%dma_wait3A_128 : memref<2x128xi32, #tpu.memory_space<hbm>>) dst(%arg9 : memref<2x128xi32, #tpu.memory_space<vmem>>)
      %dma_start3A_129 = arith.constant 0 : i32
      %dma_start3A_130 = arith.constant 0 : i32
      %dma_start3A_131 = tpu.memref_slice %arg9[%dma_start3A_129, %dma_start3A_130] : memref<2x128xi32, #tpu.memory_space<vmem>> -> memref<1x128xi32, #tpu.memory_space<vmem>>
      %dma_start3A_132 = tpu.memref_squeeze %dma_start3A_131 : memref<1x128xi32, #tpu.memory_space<vmem>> -> memref<128xi32, #tpu.memory_space<vmem>>
      %dma_start3A_133 = arith.constant 0 : i32
      %dma_start3A_134 = arith.constant 0 : i32
      %dma_start3A_135 = tpu.memref_slice %arg2[%dma_start3A_133, %dma_start3A_134] : memref<10016x128xf32, #tpu.memory_space<hbm>> -> memref<10016x128xf32, #tpu.memory_space<hbm>>
      tpu.enqueue_indirect_dma source(%dma_start3A_135 : memref<10016x128xf32, #tpu.memory_space<hbm>>) target(%arg5 : memref<128x128xf32, #tpu.memory_space<vmem>>) offsets(%dma_start3A_132 : memref<128xi32, #tpu.memory_space<vmem>>) semaphore(%arg12 : memref<!tpu.dma_semaphore, #tpu.memory_space<semaphore_mem>>)
      %mul3A_136 = arith.constant 4 : i32
      %mul3A_137 = arith.muli %add3A_91, %mul3A_136 : i32
      %add3A_138 = arith.constant 1 : i32
      %add3A_139 = arith.addi %mul3A_137, %add3A_138 : i32
      %dma_wait3A_140 = arith.constant 0 : i32
      %dma_wait3A_141 = arith.constant 0 : i32
      %dma_wait3A_142 = tpu.memref_slice %arg8[%dma_wait3A_140, %dma_wait3A_141] : memref<2x128xi32, #tpu.memory_space<vmem>> -> memref<1x128xi32, #tpu.memory_space<vmem>>
      %dma_wait3A_143 = tpu.memref_squeeze %dma_wait3A_142 : memref<1x128xi32, #tpu.memory_space<vmem>> -> memref<128xi32, #tpu.memory_space<vmem>>
      %dma_wait3A_144 = arith.constant 0 : i32
      %dma_wait3A_145 = arith.constant 0 : i32
      %dma_wait3A_146 = tpu.memref_slice %arg2[%dma_wait3A_144, %dma_wait3A_145] : memref<10016x128xf32, #tpu.memory_space<hbm>> -> memref<10016x128xf32, #tpu.memory_space<hbm>>
      tpu.wait_indirect_dma semaphore(%arg13 : memref<!tpu.dma_semaphore, #tpu.memory_space<semaphore_mem>>) src(%dma_wait3A_146 : memref<10016x128xf32, #tpu.memory_space<hbm>>) dst(%arg6 : memref<128x128xf32, #tpu.memory_space<vmem>>)
      %dma_start3A_147 = arith.constant 1 : i32
      %dma_start3A_148 = arith.constant 0 : i32
      %dma_start3A_149 = tpu.memref_slice %arg8[%dma_start3A_147, %dma_start3A_148] : memref<2x128xi32, #tpu.memory_space<vmem>> -> memref<1x128xi32, #tpu.memory_space<vmem>>
      %dma_start3A_150 = tpu.memref_squeeze %dma_start3A_149 : memref<1x128xi32, #tpu.memory_space<vmem>> -> memref<128xi32, #tpu.memory_space<vmem>>
      %dma_start3A_151 = arith.constant 0 : i32
      %dma_start3A_152 = arith.constant 0 : i32
      %dma_start3A_153 = tpu.memref_slice %arg11[%dma_start3A_151, %dma_start3A_152] : memref<10000x128xf32, #tpu.memory_space<vmem_shared>> -> memref<10000x128xf32, #tpu.memory_space<vmem_shared>>
      tpu.enqueue_indirect_dma source(%arg6 : memref<128x128xf32, #tpu.memory_space<vmem>>) target(%dma_start3A_153 : memref<10000x128xf32, #tpu.memory_space<vmem_shared>>) offsets(%dma_start3A_150 : memref<128xi32, #tpu.memory_space<vmem>>) semaphore(%arg15 : memref<!tpu.dma_semaphore, #tpu.memory_space<semaphore_mem>>) {add = true}
      %dma_wait3A_154 = arith.constant 1 : i32
      %dma_wait3A_155 = arith.constant 0 : i32
      %dma_wait3A_156 = tpu.memref_slice %arg8[%dma_wait3A_154, %dma_wait3A_155] : memref<2x128xi32, #tpu.memory_space<vmem>> -> memref<1x128xi32, #tpu.memory_space<vmem>>
      %dma_wait3A_157 = tpu.memref_squeeze %dma_wait3A_156 : memref<1x128xi32, #tpu.memory_space<vmem>> -> memref<128xi32, #tpu.memory_space<vmem>>
      %dma_wait3A_158 = arith.constant 0 : i32
      %dma_wait3A_159 = arith.constant 0 : i32
      %dma_wait3A_160 = tpu.memref_slice %arg11[%dma_wait3A_158, %dma_wait3A_159] : memref<10000x128xf32, #tpu.memory_space<vmem_shared>> -> memref<10000x128xf32, #tpu.memory_space<vmem_shared>>
      tpu.wait_indirect_dma semaphore(%arg15 : memref<!tpu.dma_semaphore, #tpu.memory_space<semaphore_mem>>) src(%arg6 : memref<128x128xf32, #tpu.memory_space<vmem>>) dst(%dma_wait3A_160 : memref<10000x128xf32, #tpu.memory_space<vmem_shared>>)
      %lt3A_161 = arith.constant 19 : i32
      %lt3A_162 = arith.cmpi slt, %add3A_91, %lt3A_161 : i32
      %convert_element_type3A_163 = arith.extui %lt3A_162 : i1 to i32
      %cond3A_164 = arith.constant 0 : i32
      %cond3A_165 = arith.cmpi ne, %convert_element_type3A_163, %cond3A_164 : i32
      scf.if %cond3A_165 {
        %add3A_253 = arith.constant 4 : i32
        %add3A_254 = arith.addi %add3A_139, %add3A_253 : i32
        %dma_start3A_255 = arith.constant 0 : i32
        %dma_start3A_256 = arith.constant 0 : i32
        %dma_start3A_257 = tpu.memref_slice %arg3[%add3A, %add3A_254, %dma_start3A_255, %dma_start3A_256] : memref<32x80x2x128xi32, #tpu.memory_space<hbm>> -> memref<1x1x2x128xi32, #tpu.memory_space<hbm>>
        %dma_start3A_258 = tpu.memref_squeeze %dma_start3A_257 : memref<1x1x2x128xi32, #tpu.memory_space<hbm>> -> memref<2x128xi32, #tpu.memory_space<hbm>>
        %dma_start3A_259 = arith.constant 0 : i32
        %dma_start3A_260 = arith.constant 0 : i32
        %dma_start3A_261 = tpu.memref_slice %arg3[%add3A, %add3A_254, %dma_start3A_259, %dma_start3A_260] : memref<32x80x2x128xi32, #tpu.memory_space<hbm>> -> memref<1x1x2x128xi32, #tpu.memory_space<hbm>>
        %dma_start3A_262 = tpu.memref_squeeze %dma_start3A_261 : memref<1x1x2x128xi32, #tpu.memory_space<hbm>> -> memref<2x128xi32, #tpu.memory_space<hbm>>
        tpu.enqueue_dma source(%dma_start3A_262 : memref<2x128xi32, #tpu.memory_space<hbm>>) target(%arg8 : memref<2x128xi32, #tpu.memory_space<vmem>>) target_semaphore(%arg17 : memref<!tpu.dma_semaphore, #tpu.memory_space<semaphore_mem>>)
      } else {
      }
      %add3A_166 = arith.constant 2 : i32
      %add3A_167 = arith.addi %add3A_139, %add3A_166 : i32
      %dma_wait3A_168 = arith.constant 0 : i32
      %dma_wait3A_169 = arith.constant 0 : i32
      %dma_wait3A_170 = tpu.memref_slice %arg3[%add3A, %add3A_167, %dma_wait3A_168, %dma_wait3A_169] : memref<32x80x2x128xi32, #tpu.memory_space<hbm>> -> memref<1x1x2x128xi32, #tpu.memory_space<hbm>>
      %dma_wait3A_171 = tpu.memref_squeeze %dma_wait3A_170 : memref<1x1x2x128xi32, #tpu.memory_space<hbm>> -> memref<2x128xi32, #tpu.memory_space<hbm>>
      %dma_wait3A_172 = arith.constant 0 : i32
      %dma_wait3A_173 = arith.constant 0 : i32
      %dma_wait3A_174 = tpu.memref_slice %arg3[%add3A, %add3A_167, %dma_wait3A_172, %dma_wait3A_173] : memref<32x80x2x128xi32, #tpu.memory_space<hbm>> -> memref<1x1x2x128xi32, #tpu.memory_space<hbm>>
      %dma_wait3A_175 = tpu.memref_squeeze %dma_wait3A_174 : memref<1x1x2x128xi32, #tpu.memory_space<hbm>> -> memref<2x128xi32, #tpu.memory_space<hbm>>
      tpu.wait_dma2 semaphore(%arg19 : memref<!tpu.dma_semaphore, #tpu.memory_space<semaphore_mem>>) src(%dma_wait3A_175 : memref<2x128xi32, #tpu.memory_space<hbm>>) dst(%arg10 : memref<2x128xi32, #tpu.memory_space<vmem>>)
      %dma_start3A_176 = arith.constant 0 : i32
      %dma_start3A_177 = arith.constant 0 : i32
      %dma_start3A_178 = tpu.memref_slice %arg10[%dma_start3A_176, %dma_start3A_177] : memref<2x128xi32, #tpu.memory_space<vmem>> -> memref<1x128xi32, #tpu.memory_space<vmem>>
      %dma_start3A_179 = tpu.memref_squeeze %dma_start3A_178 : memref<1x128xi32, #tpu.memory_space<vmem>> -> memref<128xi32, #tpu.memory_space<vmem>>
      %dma_start3A_180 = arith.constant 0 : i32
      %dma_start3A_181 = arith.constant 0 : i32
      %dma_start3A_182 = tpu.memref_slice %arg2[%dma_start3A_180, %dma_start3A_181] : memref<10016x128xf32, #tpu.memory_space<hbm>> -> memref<10016x128xf32, #tpu.memory_space<hbm>>
      tpu.enqueue_indirect_dma source(%dma_start3A_182 : memref<10016x128xf32, #tpu.memory_space<hbm>>) target(%arg6 : memref<128x128xf32, #tpu.memory_space<vmem>>) offsets(%dma_start3A_179 : memref<128xi32, #tpu.memory_space<vmem>>) semaphore(%arg13 : memref<!tpu.dma_semaphore, #tpu.memory_space<semaphore_mem>>)
      %mul3A_183 = arith.constant 4 : i32
      %mul3A_184 = arith.muli %add3A_91, %mul3A_183 : i32
      %add3A_185 = arith.constant 2 : i32
      %add3A_186 = arith.addi %mul3A_184, %add3A_185 : i32
      %dma_wait3A_187 = arith.constant 0 : i32
      %dma_wait3A_188 = arith.constant 0 : i32
      %dma_wait3A_189 = tpu.memref_slice %arg9[%dma_wait3A_187, %dma_wait3A_188] : memref<2x128xi32, #tpu.memory_space<vmem>> -> memref<1x128xi32, #tpu.memory_space<vmem>>
      %dma_wait3A_190 = tpu.memref_squeeze %dma_wait3A_189 : memref<1x128xi32, #tpu.memory_space<vmem>> -> memref<128xi32, #tpu.memory_space<vmem>>
      %dma_wait3A_191 = arith.constant 0 : i32
      %dma_wait3A_192 = arith.constant 0 : i32
      %dma_wait3A_193 = tpu.memref_slice %arg2[%dma_wait3A_191, %dma_wait3A_192] : memref<10016x128xf32, #tpu.memory_space<hbm>> -> memref<10016x128xf32, #tpu.memory_space<hbm>>
      tpu.wait_indirect_dma semaphore(%arg12 : memref<!tpu.dma_semaphore, #tpu.memory_space<semaphore_mem>>) src(%dma_wait3A_193 : memref<10016x128xf32, #tpu.memory_space<hbm>>) dst(%arg5 : memref<128x128xf32, #tpu.memory_space<vmem>>)
      %dma_start3A_194 = arith.constant 1 : i32
      %dma_start3A_195 = arith.constant 0 : i32
      %dma_start3A_196 = tpu.memref_slice %arg9[%dma_start3A_194, %dma_start3A_195] : memref<2x128xi32, #tpu.memory_space<vmem>> -> memref<1x128xi32, #tpu.memory_space<vmem>>
      %dma_start3A_197 = tpu.memref_squeeze %dma_start3A_196 : memref<1x128xi32, #tpu.memory_space<vmem>> -> memref<128xi32, #tpu.memory_space<vmem>>
      %dma_start3A_198 = arith.constant 0 : i32
      %dma_start3A_199 = arith.constant 0 : i32
      %dma_start3A_200 = tpu.memref_slice %arg11[%dma_start3A_198, %dma_start3A_199] : memref<10000x128xf32, #tpu.memory_space<vmem_shared>> -> memref<10000x128xf32, #tpu.memory_space<vmem_shared>>
      tpu.enqueue_indirect_dma source(%arg5 : memref<128x128xf32, #tpu.memory_space<vmem>>) target(%dma_start3A_200 : memref<10000x128xf32, #tpu.memory_space<vmem_shared>>) offsets(%dma_start3A_197 : memref<128xi32, #tpu.memory_space<vmem>>) semaphore(%arg14 : memref<!tpu.dma_semaphore, #tpu.memory_space<semaphore_mem>>) {add = true}
      %dma_wait3A_201 = arith.constant 1 : i32
      %dma_wait3A_202 = arith.constant 0 : i32
      %dma_wait3A_203 = tpu.memref_slice %arg9[%dma_wait3A_201, %dma_wait3A_202] : memref<2x128xi32, #tpu.memory_space<vmem>> -> memref<1x128xi32, #tpu.memory_space<vmem>>
      %dma_wait3A_204 = tpu.memref_squeeze %dma_wait3A_203 : memref<1x128xi32, #tpu.memory_space<vmem>> -> memref<128xi32, #tpu.memory_space<vmem>>
      %dma_wait3A_205 = arith.constant 0 : i32
      %dma_wait3A_206 = arith.constant 0 : i32
      %dma_wait3A_207 = tpu.memref_slice %arg11[%dma_wait3A_205, %dma_wait3A_206] : memref<10000x128xf32, #tpu.memory_space<vmem_shared>> -> memref<10000x128xf32, #tpu.memory_space<vmem_shared>>
      tpu.wait_indirect_dma semaphore(%arg14 : memref<!tpu.dma_semaphore, #tpu.memory_space<semaphore_mem>>) src(%arg5 : memref<128x128xf32, #tpu.memory_space<vmem>>) dst(%dma_wait3A_207 : memref<10000x128xf32, #tpu.memory_space<vmem_shared>>)
      %lt3A_208 = arith.constant 19 : i32
      %lt3A_209 = arith.cmpi slt, %add3A_91, %lt3A_208 : i32
      %convert_element_type3A_210 = arith.extui %lt3A_209 : i1 to i32
      %cond3A_211 = arith.constant 0 : i32
      %cond3A_212 = arith.cmpi ne, %convert_element_type3A_210, %cond3A_211 : i32
      scf.if %cond3A_212 {
        %add3A_253 = arith.constant 4 : i32
        %add3A_254 = arith.addi %add3A_186, %add3A_253 : i32
        %dma_start3A_255 = arith.constant 0 : i32
        %dma_start3A_256 = arith.constant 0 : i32
        %dma_start3A_257 = tpu.memref_slice %arg3[%add3A, %add3A_254, %dma_start3A_255, %dma_start3A_256] : memref<32x80x2x128xi32, #tpu.memory_space<hbm>> -> memref<1x1x2x128xi32, #tpu.memory_space<hbm>>
        %dma_start3A_258 = tpu.memref_squeeze %dma_start3A_257 : memref<1x1x2x128xi32, #tpu.memory_space<hbm>> -> memref<2x128xi32, #tpu.memory_space<hbm>>
        %dma_start3A_259 = arith.constant 0 : i32
        %dma_start3A_260 = arith.constant 0 : i32
        %dma_start3A_261 = tpu.memref_slice %arg3[%add3A, %add3A_254, %dma_start3A_259, %dma_start3A_260] : memref<32x80x2x128xi32, #tpu.memory_space<hbm>> -> memref<1x1x2x128xi32, #tpu.memory_space<hbm>>
        %dma_start3A_262 = tpu.memref_squeeze %dma_start3A_261 : memref<1x1x2x128xi32, #tpu.memory_space<hbm>> -> memref<2x128xi32, #tpu.memory_space<hbm>>
        tpu.enqueue_dma source(%dma_start3A_262 : memref<2x128xi32, #tpu.memory_space<hbm>>) target(%arg9 : memref<2x128xi32, #tpu.memory_space<vmem>>) target_semaphore(%arg18 : memref<!tpu.dma_semaphore, #tpu.memory_space<semaphore_mem>>)
      } else {
      }
      %lt3A_213 = arith.constant 19 : i32
      %lt3A_214 = arith.cmpi slt, %add3A_91, %lt3A_213 : i32
      %convert_element_type3A_215 = arith.extui %lt3A_214 : i1 to i32
      %cond3A_216 = arith.constant 0 : i32
      %cond3A_217 = arith.cmpi ne, %convert_element_type3A_215, %cond3A_216 : i32
      scf.if %cond3A_217 {
        %add3A_253 = arith.constant 2 : i32
        %add3A_254 = arith.addi %add3A_186, %add3A_253 : i32
        %dma_wait3A_255 = arith.constant 0 : i32
        %dma_wait3A_256 = arith.constant 0 : i32
        %dma_wait3A_257 = tpu.memref_slice %arg3[%add3A, %add3A_254, %dma_wait3A_255, %dma_wait3A_256] : memref<32x80x2x128xi32, #tpu.memory_space<hbm>> -> memref<1x1x2x128xi32, #tpu.memory_space<hbm>>
        %dma_wait3A_258 = tpu.memref_squeeze %dma_wait3A_257 : memref<1x1x2x128xi32, #tpu.memory_space<hbm>> -> memref<2x128xi32, #tpu.memory_space<hbm>>
        %dma_wait3A_259 = arith.constant 0 : i32
        %dma_wait3A_260 = arith.constant 0 : i32
        %dma_wait3A_261 = tpu.memref_slice %arg3[%add3A, %add3A_254, %dma_wait3A_259, %dma_wait3A_260] : memref<32x80x2x128xi32, #tpu.memory_space<hbm>> -> memref<1x1x2x128xi32, #tpu.memory_space<hbm>>
        %dma_wait3A_262 = tpu.memref_squeeze %dma_wait3A_261 : memref<1x1x2x128xi32, #tpu.memory_space<hbm>> -> memref<2x128xi32, #tpu.memory_space<hbm>>
        tpu.wait_dma2 semaphore(%arg16 : memref<!tpu.dma_semaphore, #tpu.memory_space<semaphore_mem>>) src(%dma_wait3A_262 : memref<2x128xi32, #tpu.memory_space<hbm>>) dst(%arg7 : memref<2x128xi32, #tpu.memory_space<vmem>>)
        %dma_start3A_263 = arith.constant 0 : i32
        %dma_start3A_264 = arith.constant 0 : i32
        %dma_start3A_265 = tpu.memref_slice %arg7[%dma_start3A_263, %dma_start3A_264] : memref<2x128xi32, #tpu.memory_space<vmem>> -> memref<1x128xi32, #tpu.memory_space<vmem>>
        %dma_start3A_266 = tpu.memref_squeeze %dma_start3A_265 : memref<1x128xi32, #tpu.memory_space<vmem>> -> memref<128xi32, #tpu.memory_space<vmem>>
        %dma_start3A_267 = arith.constant 0 : i32
        %dma_start3A_268 = arith.constant 0 : i32
        %dma_start3A_269 = tpu.memref_slice %arg2[%dma_start3A_267, %dma_start3A_268] : memref<10016x128xf32, #tpu.memory_space<hbm>> -> memref<10016x128xf32, #tpu.memory_space<hbm>>
        tpu.enqueue_indirect_dma source(%dma_start3A_269 : memref<10016x128xf32, #tpu.memory_space<hbm>>) target(%arg5 : memref<128x128xf32, #tpu.memory_space<vmem>>) offsets(%dma_start3A_266 : memref<128xi32, #tpu.memory_space<vmem>>) semaphore(%arg12 : memref<!tpu.dma_semaphore, #tpu.memory_space<semaphore_mem>>)
      } else {
      }
      %mul3A_218 = arith.constant 4 : i32
      %mul3A_219 = arith.muli %add3A_91, %mul3A_218 : i32
      %add3A_220 = arith.constant 3 : i32
      %add3A_221 = arith.addi %mul3A_219, %add3A_220 : i32
      %dma_wait3A_222 = arith.constant 0 : i32
      %dma_wait3A_223 = arith.constant 0 : i32
      %dma_wait3A_224 = tpu.memref_slice %arg10[%dma_wait3A_222, %dma_wait3A_223] : memref<2x128xi32, #tpu.memory_space<vmem>> -> memref<1x128xi32, #tpu.memory_space<vmem>>
      %dma_wait3A_225 = tpu.memref_squeeze %dma_wait3A_224 : memref<1x128xi32, #tpu.memory_space<vmem>> -> memref<128xi32, #tpu.memory_space<vmem>>
      %dma_wait3A_226 = arith.constant 0 : i32
      %dma_wait3A_227 = arith.constant 0 : i32
      %dma_wait3A_228 = tpu.memref_slice %arg2[%dma_wait3A_226, %dma_wait3A_227] : memref<10016x128xf32, #tpu.memory_space<hbm>> -> memref<10016x128xf32, #tpu.memory_space<hbm>>
      tpu.wait_indirect_dma semaphore(%arg13 : memref<!tpu.dma_semaphore, #tpu.memory_space<semaphore_mem>>) src(%dma_wait3A_228 : memref<10016x128xf32, #tpu.memory_space<hbm>>) dst(%arg6 : memref<128x128xf32, #tpu.memory_space<vmem>>)
      %dma_start3A_229 = arith.constant 1 : i32
      %dma_start3A_230 = arith.constant 0 : i32
      %dma_start3A_231 = tpu.memref_slice %arg10[%dma_start3A_229, %dma_start3A_230] : memref<2x128xi32, #tpu.memory_space<vmem>> -> memref<1x128xi32, #tpu.memory_space<vmem>>
      %dma_start3A_232 = tpu.memref_squeeze %dma_start3A_231 : memref<1x128xi32, #tpu.memory_space<vmem>> -> memref<128xi32, #tpu.memory_space<vmem>>
      %dma_start3A_233 = arith.constant 0 : i32
      %dma_start3A_234 = arith.constant 0 : i32
      %dma_start3A_235 = tpu.memref_slice %arg11[%dma_start3A_233, %dma_start3A_234] : memref<10000x128xf32, #tpu.memory_space<vmem_shared>> -> memref<10000x128xf32, #tpu.memory_space<vmem_shared>>
      tpu.enqueue_indirect_dma source(%arg6 : memref<128x128xf32, #tpu.memory_space<vmem>>) target(%dma_start3A_235 : memref<10000x128xf32, #tpu.memory_space<vmem_shared>>) offsets(%dma_start3A_232 : memref<128xi32, #tpu.memory_space<vmem>>) semaphore(%arg15 : memref<!tpu.dma_semaphore, #tpu.memory_space<semaphore_mem>>) {add = true}
      %dma_wait3A_236 = arith.constant 1 : i32
      %dma_wait3A_237 = arith.constant 0 : i32
      %dma_wait3A_238 = tpu.memref_slice %arg10[%dma_wait3A_236, %dma_wait3A_237] : memref<2x128xi32, #tpu.memory_space<vmem>> -> memref<1x128xi32, #tpu.memory_space<vmem>>
      %dma_wait3A_239 = tpu.memref_squeeze %dma_wait3A_238 : memref<1x128xi32, #tpu.memory_space<vmem>> -> memref<128xi32, #tpu.memory_space<vmem>>
      %dma_wait3A_240 = arith.constant 0 : i32
      %dma_wait3A_241 = arith.constant 0 : i32
      %dma_wait3A_242 = tpu.memref_slice %arg11[%dma_wait3A_240, %dma_wait3A_241] : memref<10000x128xf32, #tpu.memory_space<vmem_shared>> -> memref<10000x128xf32, #tpu.memory_space<vmem_shared>>
      tpu.wait_indirect_dma semaphore(%arg15 : memref<!tpu.dma_semaphore, #tpu.memory_space<semaphore_mem>>) src(%arg6 : memref<128x128xf32, #tpu.memory_space<vmem>>) dst(%dma_wait3A_242 : memref<10000x128xf32, #tpu.memory_space<vmem_shared>>)
      %lt3A_243 = arith.constant 19 : i32
      %lt3A_244 = arith.cmpi slt, %add3A_91, %lt3A_243 : i32
      %convert_element_type3A_245 = arith.extui %lt3A_244 : i1 to i32
      %cond3A_246 = arith.constant 0 : i32
      %cond3A_247 = arith.cmpi ne, %convert_element_type3A_245, %cond3A_246 : i32
      scf.if %cond3A_247 {
        %add3A_253 = arith.constant 4 : i32
        %add3A_254 = arith.addi %add3A_221, %add3A_253 : i32
        %dma_start3A_255 = arith.constant 0 : i32
        %dma_start3A_256 = arith.constant 0 : i32
        %dma_start3A_257 = tpu.memref_slice %arg3[%add3A, %add3A_254, %dma_start3A_255, %dma_start3A_256] : memref<32x80x2x128xi32, #tpu.memory_space<hbm>> -> memref<1x1x2x128xi32, #tpu.memory_space<hbm>>
        %dma_start3A_258 = tpu.memref_squeeze %dma_start3A_257 : memref<1x1x2x128xi32, #tpu.memory_space<hbm>> -> memref<2x128xi32, #tpu.memory_space<hbm>>
        %dma_start3A_259 = arith.constant 0 : i32
        %dma_start3A_260 = arith.constant 0 : i32
        %dma_start3A_261 = tpu.memref_slice %arg3[%add3A, %add3A_254, %dma_start3A_259, %dma_start3A_260] : memref<32x80x2x128xi32, #tpu.memory_space<hbm>> -> memref<1x1x2x128xi32, #tpu.memory_space<hbm>>
        %dma_start3A_262 = tpu.memref_squeeze %dma_start3A_261 : memref<1x1x2x128xi32, #tpu.memory_space<hbm>> -> memref<2x128xi32, #tpu.memory_space<hbm>>
        tpu.enqueue_dma source(%dma_start3A_262 : memref<2x128xi32, #tpu.memory_space<hbm>>) target(%arg10 : memref<2x128xi32, #tpu.memory_space<vmem>>) target_semaphore(%arg19 : memref<!tpu.dma_semaphore, #tpu.memory_space<semaphore_mem>>)
      } else {
      }
      %lt3A_248 = arith.constant 19 : i32
      %lt3A_249 = arith.cmpi slt, %add3A_91, %lt3A_248 : i32
      %convert_element_type3A_250 = arith.extui %lt3A_249 : i1 to i32
      %cond3A_251 = arith.constant 0 : i32
      %cond3A_252 = arith.cmpi ne, %convert_element_type3A_250, %cond3A_251 : i32
      scf.if %cond3A_252 {
        %add3A_253 = arith.constant 2 : i32
        %add3A_254 = arith.addi %add3A_221, %add3A_253 : i32
        %dma_wait3A_255 = arith.constant 0 : i32
        %dma_wait3A_256 = arith.constant 0 : i32
        %dma_wait3A_257 = tpu.memref_slice %arg3[%add3A, %add3A_254, %dma_wait3A_255, %dma_wait3A_256] : memref<32x80x2x128xi32, #tpu.memory_space<hbm>> -> memref<1x1x2x128xi32, #tpu.memory_space<hbm>>
        %dma_wait3A_258 = tpu.memref_squeeze %dma_wait3A_257 : memref<1x1x2x128xi32, #tpu.memory_space<hbm>> -> memref<2x128xi32, #tpu.memory_space<hbm>>
        %dma_wait3A_259 = arith.constant 0 : i32
        %dma_wait3A_260 = arith.constant 0 : i32
        %dma_wait3A_261 = tpu.memref_slice %arg3[%add3A, %add3A_254, %dma_wait3A_259, %dma_wait3A_260] : memref<32x80x2x128xi32, #tpu.memory_space<hbm>> -> memref<1x1x2x128xi32, #tpu.memory_space<hbm>>
        %dma_wait3A_262 = tpu.memref_squeeze %dma_wait3A_261 : memref<1x1x2x128xi32, #tpu.memory_space<hbm>> -> memref<2x128xi32, #tpu.memory_space<hbm>>
        tpu.wait_dma2 semaphore(%arg17 : memref<!tpu.dma_semaphore, #tpu.memory_space<semaphore_mem>>) src(%dma_wait3A_262 : memref<2x128xi32, #tpu.memory_space<hbm>>) dst(%arg8 : memref<2x128xi32, #tpu.memory_space<vmem>>)
        %dma_start3A_263 = arith.constant 0 : i32
        %dma_start3A_264 = arith.constant 0 : i32
        %dma_start3A_265 = tpu.memref_slice %arg8[%dma_start3A_263, %dma_start3A_264] : memref<2x128xi32, #tpu.memory_space<vmem>> -> memref<1x128xi32, #tpu.memory_space<vmem>>
        %dma_start3A_266 = tpu.memref_squeeze %dma_start3A_265 : memref<1x128xi32, #tpu.memory_space<vmem>> -> memref<128xi32, #tpu.memory_space<vmem>>
        %dma_start3A_267 = arith.constant 0 : i32
        %dma_start3A_268 = arith.constant 0 : i32
        %dma_start3A_269 = tpu.memref_slice %arg2[%dma_start3A_267, %dma_start3A_268] : memref<10016x128xf32, #tpu.memory_space<hbm>> -> memref<10016x128xf32, #tpu.memory_space<hbm>>
        tpu.enqueue_indirect_dma source(%dma_start3A_269 : memref<10016x128xf32, #tpu.memory_space<hbm>>) target(%arg6 : memref<128x128xf32, #tpu.memory_space<vmem>>) offsets(%dma_start3A_266 : memref<128xi32, #tpu.memory_space<vmem>>) semaphore(%arg13 : memref<!tpu.dma_semaphore, #tpu.memory_space<semaphore_mem>>)
      } else {
      }
    }
    %scan3A_81 = arith.constant 20 : i32
    %barrier3A_82 = arith.constant 0 : index
    tpu.barrier barrier_id(%barrier3A_82)
    %mul3A_83 = arith.constant 625 : i32
    %mul3A_84 = arith.muli %arg1, %mul3A_83 : i32
    %mul3A_85 = arith.constant 625 : i32
    %mul3A_86 = arith.muli %arg1, %mul3A_85 : i32
    "tpu.region"() ({
      %run_scoped3A = tpu.sem_alloc : memref<!tpu.dma_semaphore, #tpu.memory_space<semaphore_mem>>
      %dma_start3A_87 = arith.constant 0 : i32
      %dma_start3A_88 = tpu.memref_slice %arg4[%arg0, %mul3A_86, %dma_start3A_87] : memref<2x10000x128xf32, #tpu.memory_space<hbm>> -> memref<1x625x128xf32, #tpu.memory_space<hbm>>
      %dma_start3A_89 = tpu.memref_squeeze %dma_start3A_88 : memref<1x625x128xf32, #tpu.memory_space<hbm>> -> memref<625x128xf32, #tpu.memory_space<hbm>>
      %dma_start3A_90 = arith.constant 0 : i32
      %dma_start3A_91 = tpu.memref_slice %arg11[%mul3A_84, %dma_start3A_90] : memref<10000x128xf32, #tpu.memory_space<vmem_shared>> -> memref<625x128xf32, #tpu.memory_space<vmem_shared>>
      tpu.enqueue_dma source(%dma_start3A_91 : memref<625x128xf32, #tpu.memory_space<vmem_shared>>) target(%dma_start3A_89 : memref<625x128xf32, #tpu.memory_space<hbm>>) target_semaphore(%run_scoped3A : memref<!tpu.dma_semaphore, #tpu.memory_space<semaphore_mem>>)
      %dma_wait3A_92 = arith.constant 0 : i32
      %dma_wait3A_93 = tpu.memref_slice %arg4[%arg0, %mul3A_86, %dma_wait3A_92] : memref<2x10000x128xf32, #tpu.memory_space<hbm>> -> memref<1x625x128xf32, #tpu.memory_space<hbm>>
      %dma_wait3A_94 = tpu.memref_squeeze %dma_wait3A_93 : memref<1x625x128xf32, #tpu.memory_space<hbm>> -> memref<625x128xf32, #tpu.memory_space<hbm>>
      %dma_wait3A_95 = arith.constant 0 : i32
      %dma_wait3A_96 = tpu.memref_slice %arg11[%mul3A_84, %dma_wait3A_95] : memref<10000x128xf32, #tpu.memory_space<vmem_shared>> -> memref<625x128xf32, #tpu.memory_space<vmem_shared>>
      tpu.wait_dma2 semaphore(%run_scoped3A : memref<!tpu.dma_semaphore, #tpu.memory_space<semaphore_mem>>) src(%dma_wait3A_96 : memref<625x128xf32, #tpu.memory_space<vmem_shared>>) dst(%dma_wait3A_94 : memref<625x128xf32, #tpu.memory_space<hbm>>)
      tpu.yield
    }) : () -> ()
    return
  }
}

#map = affine_map<(d0, d1) -> (0, 0, 0)>
module attributes {stable_mosaic.version = 14 : i64} {
  func.func @_deg_kernel(%arg0: i32, %arg1: i32, %arg2: memref<32x125x80xi32, #tpu.memory_space<hbm>>, %arg3: memref<2x10000x16xf32, #tpu.memory_space<hbm>>, %arg4: memref<125x80xi32, #tpu.memory_space<vmem>>, %arg5: memref<80x16xf32, #tpu.memory_space<vmem>>, %arg6: memref<125x16xf32, #tpu.memory_space<vmem>>, %arg7: memref<10000x16xf32, #tpu.memory_space<vmem_shared>>) attributes {dimension_semantics = [#tpu.dimension_semantics<core_parallel>, #tpu.dimension_semantics<subcore_parallel>], iteration_bounds = array<i64: 2, 16>, scalar_prefetch = 0 : i64, scratch_operands = 4 : i64, tpu.core_type = #tpu.core_type<sc_vector_subcore>, window_params = [{transform_indices = #map}, {transform_indices = #map}]} {
    %mul3A = arith.constant 16 : i32
    %mul3A_0 = arith.muli %arg0, %mul3A : i32
    %add3A = arith.addi %mul3A_0, %arg1 : i32
    %broadcast_in_dim3A = arith.constant 0.000000e+00 : f32
    %broadcast_in_dim3A_1 = vector.broadcast %broadcast_in_dim3A : f32 to vector<16xf32>
    %broadcast_in_dim3A_2 = arith.constant 1.000000e+00 : f32
    %broadcast_in_dim3A_3 = vector.broadcast %broadcast_in_dim3A_2 : f32 to vector<16xf32>
    %scan3A = arith.constant 0 : i32
    %scan3A_4 = arith.constant 125 : i32
    %scan3A_5 = arith.addi %scan3A, %scan3A_4 : i32
    %scan3A_6 = arith.constant 1 : i32
    scf.for %scan3A_28 = %scan3A to %scan3A_5 step %scan3A_6  : i32 {
      %mul3A_29 = arith.constant 1 : i32
      %mul3A_30 = arith.muli %scan3A_28, %mul3A_29 : i32
      %add3A_31 = arith.constant 0 : i32
      %add3A_32 = arith.addi %add3A_31, %mul3A_30 : i32
      %swap3A = arith.index_cast %add3A_32 : i32 to index
      %swap3A_33 = arith.constant 0 : index
      %swap3A_34 = tpu.vector_load %arg6[%swap3A, %swap3A_33] {strides = array<i32>} : memref<125x16xf32, #tpu.memory_space<vmem>>, vector<1x16xf32>,
      %swap3A_35 = vector.shape_cast %swap3A_34 : vector<1x16xf32> to vector<16xf32>
      %swap3A_36 = vector.shape_cast %broadcast_in_dim3A_1 : vector<16xf32> to vector<1x16xf32>
      tpu.vector_store %arg6[%swap3A, %swap3A_33], %swap3A_36 {strides = array<i32>} : memref<125x16xf32, #tpu.memory_space<vmem>>, vector<1x16xf32>,
    }
    %scan3A_7 = arith.constant 125 : i32
    %scan3A_8 = arith.constant 0 : i32
    %scan3A_9 = arith.constant 80 : i32
    %scan3A_10 = arith.addi %scan3A_8, %scan3A_9 : i32
    %scan3A_11 = arith.constant 1 : i32
    scf.for %scan3A_28 = %scan3A_8 to %scan3A_10 step %scan3A_11  : i32 {
      %mul3A_29 = arith.constant 1 : i32
      %mul3A_30 = arith.muli %scan3A_28, %mul3A_29 : i32
      %add3A_31 = arith.constant 0 : i32
      %add3A_32 = arith.addi %add3A_31, %mul3A_30 : i32
      %swap3A = arith.index_cast %add3A_32 : i32 to index
      %swap3A_33 = arith.constant 0 : index
      %swap3A_34 = tpu.vector_load %arg5[%swap3A, %swap3A_33] {strides = array<i32>} : memref<80x16xf32, #tpu.memory_space<vmem>>, vector<1x16xf32>,
      %swap3A_35 = vector.shape_cast %swap3A_34 : vector<1x16xf32> to vector<16xf32>
      %swap3A_36 = vector.shape_cast %broadcast_in_dim3A_3 : vector<16xf32> to vector<1x16xf32>
      tpu.vector_store %arg5[%swap3A, %swap3A_33], %swap3A_36 {strides = array<i32>} : memref<80x16xf32, #tpu.memory_space<vmem>>, vector<1x16xf32>,
    }
    %scan3A_12 = arith.constant 80 : i32
    %scan3A_13 = arith.constant 0 : i32
    %scan3A_14 = arith.constant 5 : i32
    %scan3A_15 = arith.addi %scan3A_13, %scan3A_14 : i32
    %scan3A_16 = arith.constant 1 : i32
    scf.for %scan3A_28 = %scan3A_13 to %scan3A_15 step %scan3A_16  : i32 {
      %mul3A_29 = arith.constant 1 : i32
      %mul3A_30 = arith.muli %scan3A_28, %mul3A_29 : i32
      %add3A_31 = arith.constant 0 : i32
      %add3A_32 = arith.addi %add3A_31, %mul3A_30 : i32
      %mul3A_33 = arith.constant 625 : i32
      %mul3A_34 = arith.muli %arg1, %mul3A_33 : i32
      %mul3A_35 = arith.constant 125 : i32
      %mul3A_36 = arith.muli %add3A_32, %mul3A_35 : i32
      %add3A_37 = arith.addi %mul3A_34, %mul3A_36 : i32
      "tpu.region"() ({
        %run_scoped3A = tpu.sem_alloc : memref<!tpu.dma_semaphore, #tpu.memory_space<semaphore_mem>>
        %dma_start3A = arith.constant 0 : i32
        %dma_start3A_38 = tpu.memref_slice %arg7[%add3A_37, %dma_start3A] : memref<10000x16xf32, #tpu.memory_space<vmem_shared>> -> memref<125x16xf32, #tpu.memory_space<vmem_shared>>
        %dma_start3A_39 = arith.constant 0 : i32
        %dma_start3A_40 = tpu.memref_slice %arg7[%add3A_37, %dma_start3A_39] : memref<10000x16xf32, #tpu.memory_space<vmem_shared>> -> memref<125x16xf32, #tpu.memory_space<vmem_shared>>
        tpu.enqueue_dma source(%arg6 : memref<125x16xf32, #tpu.memory_space<vmem>>) target(%dma_start3A_40 : memref<125x16xf32, #tpu.memory_space<vmem_shared>>) target_semaphore(%run_scoped3A : memref<!tpu.dma_semaphore, #tpu.memory_space<semaphore_mem>>)
        %dma_wait3A = arith.constant 0 : i32
        %dma_wait3A_41 = tpu.memref_slice %arg7[%add3A_37, %dma_wait3A] : memref<10000x16xf32, #tpu.memory_space<vmem_shared>> -> memref<125x16xf32, #tpu.memory_space<vmem_shared>>
        %dma_wait3A_42 = arith.constant 0 : i32
        %dma_wait3A_43 = tpu.memref_slice %arg7[%add3A_37, %dma_wait3A_42] : memref<10000x16xf32, #tpu.memory_space<vmem_shared>> -> memref<125x16xf32, #tpu.memory_space<vmem_shared>>
        tpu.wait_dma2 semaphore(%run_scoped3A : memref<!tpu.dma_semaphore, #tpu.memory_space<semaphore_mem>>) src(%arg6 : memref<125x16xf32, #tpu.memory_space<vmem>>) dst(%dma_wait3A_43 : memref<125x16xf32, #tpu.memory_space<vmem_shared>>)
        tpu.yield
      }) : () -> ()
    }
    %scan3A_17 = arith.constant 5 : i32
    "tpu.region"() ({
      %run_scoped3A = tpu.sem_alloc : memref<!tpu.dma_semaphore, #tpu.memory_space<semaphore_mem>>
      %dma_start3A = arith.constant 0 : i32
      %dma_start3A_28 = arith.constant 0 : i32
      %dma_start3A_29 = tpu.memref_slice %arg2[%add3A, %dma_start3A, %dma_start3A_28] : memref<32x125x80xi32, #tpu.memory_space<hbm>> -> memref<1x125x80xi32, #tpu.memory_space<hbm>>
      %dma_start3A_30 = tpu.memref_squeeze %dma_start3A_29 : memref<1x125x80xi32, #tpu.memory_space<hbm>> -> memref<125x80xi32, #tpu.memory_space<hbm>>
      %dma_start3A_31 = arith.constant 0 : i32
      %dma_start3A_32 = arith.constant 0 : i32
      %dma_start3A_33 = tpu.memref_slice %arg2[%add3A, %dma_start3A_31, %dma_start3A_32] : memref<32x125x80xi32, #tpu.memory_space<hbm>> -> memref<1x125x80xi32, #tpu.memory_space<hbm>>
      %dma_start3A_34 = tpu.memref_squeeze %dma_start3A_33 : memref<1x125x80xi32, #tpu.memory_space<hbm>> -> memref<125x80xi32, #tpu.memory_space<hbm>>
      tpu.enqueue_dma source(%dma_start3A_34 : memref<125x80xi32, #tpu.memory_space<hbm>>) target(%arg4 : memref<125x80xi32, #tpu.memory_space<vmem>>) target_semaphore(%run_scoped3A : memref<!tpu.dma_semaphore, #tpu.memory_space<semaphore_mem>>)
      %dma_wait3A = arith.constant 0 : i32
      %dma_wait3A_35 = arith.constant 0 : i32
      %dma_wait3A_36 = tpu.memref_slice %arg2[%add3A, %dma_wait3A, %dma_wait3A_35] : memref<32x125x80xi32, #tpu.memory_space<hbm>> -> memref<1x125x80xi32, #tpu.memory_space<hbm>>
      %dma_wait3A_37 = tpu.memref_squeeze %dma_wait3A_36 : memref<1x125x80xi32, #tpu.memory_space<hbm>> -> memref<125x80xi32, #tpu.memory_space<hbm>>
      %dma_wait3A_38 = arith.constant 0 : i32
      %dma_wait3A_39 = arith.constant 0 : i32
      %dma_wait3A_40 = tpu.memref_slice %arg2[%add3A, %dma_wait3A_38, %dma_wait3A_39] : memref<32x125x80xi32, #tpu.memory_space<hbm>> -> memref<1x125x80xi32, #tpu.memory_space<hbm>>
      %dma_wait3A_41 = tpu.memref_squeeze %dma_wait3A_40 : memref<1x125x80xi32, #tpu.memory_space<hbm>> -> memref<125x80xi32, #tpu.memory_space<hbm>>
      tpu.wait_dma2 semaphore(%run_scoped3A : memref<!tpu.dma_semaphore, #tpu.memory_space<semaphore_mem>>) src(%dma_wait3A_41 : memref<125x80xi32, #tpu.memory_space<hbm>>) dst(%arg4 : memref<125x80xi32, #tpu.memory_space<vmem>>)
      tpu.yield
    }) : () -> ()
    %barrier3A = arith.constant 0 : index
    tpu.barrier barrier_id(%barrier3A)
    %scan3A_18 = arith.constant 0 : i32
    %scan3A_19 = arith.constant 125 : i32
    %scan3A_20 = arith.addi %scan3A_18, %scan3A_19 : i32
    %scan3A_21 = arith.constant 1 : i32
    scf.for %scan3A_28 = %scan3A_18 to %scan3A_20 step %scan3A_21  : i32 {
      %mul3A_29 = arith.constant 1 : i32
      %mul3A_30 = arith.muli %scan3A_28, %mul3A_29 : i32
      %add3A_31 = arith.constant 0 : i32
      %add3A_32 = arith.addi %add3A_31, %mul3A_30 : i32
      "tpu.region"() ({
        %run_scoped3A = tpu.sem_alloc : memref<!tpu.dma_semaphore, #tpu.memory_space<semaphore_mem>>
        %dma_start3A = arith.constant 0 : i32
        %dma_start3A_33 = tpu.memref_slice %arg4[%add3A_32, %dma_start3A] : memref<125x80xi32, #tpu.memory_space<vmem>> -> memref<1x80xi32, #tpu.memory_space<vmem>>
        %dma_start3A_34 = tpu.memref_squeeze %dma_start3A_33 : memref<1x80xi32, #tpu.memory_space<vmem>> -> memref<80xi32, #tpu.memory_space<vmem>>
        %dma_start3A_35 = arith.constant 0 : i32
        %dma_start3A_36 = arith.constant 0 : i32
        %dma_start3A_37 = tpu.memref_slice %arg7[%dma_start3A_35, %dma_start3A_36] : memref<10000x16xf32, #tpu.memory_space<vmem_shared>> -> memref<10000x16xf32, #tpu.memory_space<vmem_shared>>
        tpu.enqueue_indirect_dma source(%arg5 : memref<80x16xf32, #tpu.memory_space<vmem>>) target(%dma_start3A_37 : memref<10000x16xf32, #tpu.memory_space<vmem_shared>>) offsets(%dma_start3A_34 : memref<80xi32, #tpu.memory_space<vmem>>) semaphore(%run_scoped3A : memref<!tpu.dma_semaphore, #tpu.memory_space<semaphore_mem>>) {add = true}
        %dma_wait3A = arith.constant 0 : i32
        %dma_wait3A_38 = tpu.memref_slice %arg4[%add3A_32, %dma_wait3A] : memref<125x80xi32, #tpu.memory_space<vmem>> -> memref<1x80xi32, #tpu.memory_space<vmem>>
        %dma_wait3A_39 = tpu.memref_squeeze %dma_wait3A_38 : memref<1x80xi32, #tpu.memory_space<vmem>> -> memref<80xi32, #tpu.memory_space<vmem>>
        %dma_wait3A_40 = arith.constant 0 : i32
        %dma_wait3A_41 = arith.constant 0 : i32
        %dma_wait3A_42 = tpu.memref_slice %arg7[%dma_wait3A_40, %dma_wait3A_41] : memref<10000x16xf32, #tpu.memory_space<vmem_shared>> -> memref<10000x16xf32, #tpu.memory_space<vmem_shared>>
        tpu.wait_indirect_dma semaphore(%run_scoped3A : memref<!tpu.dma_semaphore, #tpu.memory_space<semaphore_mem>>) src(%arg5 : memref<80x16xf32, #tpu.memory_space<vmem>>) dst(%dma_wait3A_42 : memref<10000x16xf32, #tpu.memory_space<vmem_shared>>)
        tpu.yield
      }) : () -> ()
    }
    %scan3A_22 = arith.constant 125 : i32
    %barrier3A_23 = arith.constant 0 : index
    tpu.barrier barrier_id(%barrier3A_23)
    %mul3A_24 = arith.constant 625 : i32
    %mul3A_25 = arith.muli %arg1, %mul3A_24 : i32
    %mul3A_26 = arith.constant 625 : i32
    %mul3A_27 = arith.muli %arg1, %mul3A_26 : i32
    "tpu.region"() ({
      %run_scoped3A = tpu.sem_alloc : memref<!tpu.dma_semaphore, #tpu.memory_space<semaphore_mem>>
      %dma_start3A = arith.constant 0 : i32
      %dma_start3A_28 = tpu.memref_slice %arg3[%arg0, %mul3A_27, %dma_start3A] : memref<2x10000x16xf32, #tpu.memory_space<hbm>> -> memref<1x625x16xf32, #tpu.memory_space<hbm>>
      %dma_start3A_29 = tpu.memref_squeeze %dma_start3A_28 : memref<1x625x16xf32, #tpu.memory_space<hbm>> -> memref<625x16xf32, #tpu.memory_space<hbm>>
      %dma_start3A_30 = arith.constant 0 : i32
      %dma_start3A_31 = tpu.memref_slice %arg7[%mul3A_25, %dma_start3A_30] : memref<10000x16xf32, #tpu.memory_space<vmem_shared>> -> memref<625x16xf32, #tpu.memory_space<vmem_shared>>
      tpu.enqueue_dma source(%dma_start3A_31 : memref<625x16xf32, #tpu.memory_space<vmem_shared>>) target(%dma_start3A_29 : memref<625x16xf32, #tpu.memory_space<hbm>>) target_semaphore(%run_scoped3A : memref<!tpu.dma_semaphore, #tpu.memory_space<semaphore_mem>>)
      %dma_wait3A = arith.constant 0 : i32
      %dma_wait3A_32 = tpu.memref_slice %arg3[%arg0, %mul3A_27, %dma_wait3A] : memref<2x10000x16xf32, #tpu.memory_space<hbm>> -> memref<1x625x16xf32, #tpu.memory_space<hbm>>
      %dma_wait3A_33 = tpu.memref_squeeze %dma_wait3A_32 : memref<1x625x16xf32, #tpu.memory_space<hbm>> -> memref<625x16xf32, #tpu.memory_space<hbm>>
      %dma_wait3A_34 = arith.constant 0 : i32
      %dma_wait3A_35 = tpu.memref_slice %arg7[%mul3A_25, %dma_wait3A_34] : memref<10000x16xf32, #tpu.memory_space<vmem_shared>> -> memref<625x16xf32, #tpu.memory_space<vmem_shared>>
      tpu.wait_dma2 semaphore(%run_scoped3A : memref<!tpu.dma_semaphore, #tpu.memory_space<semaphore_mem>>) src(%dma_wait3A_35 : memref<625x16xf32, #tpu.memory_space<vmem_shared>>) dst(%dma_wait3A_33 : memref<625x16xf32, #tpu.memory_space<hbm>>)
      tpu.yield
    }) : () -> ()
    return
  }
}

#map = affine_map<(d0, d1) -> (0, 0)>
#map1 = affine_map<(d0, d1) -> (0, 0, 0, 0)>
#map2 = affine_map<(d0, d1) -> (0, 0, 0)>
module attributes {stable_mosaic.version = 14 : i64} {
  func.func @prop(%arg0: i32, %arg1: i32, %arg2: memref<10016x128xf32, #tpu.memory_space<hbm>>, %arg3: memref<32x80x2x128xi32, #tpu.memory_space<hbm>>, %arg4: memref<2x10000x128xf32, #tpu.memory_space<hbm>>, %arg5: memref<128x128xf32, #tpu.memory_space<vmem>>, %arg6: memref<128x128xf32, #tpu.memory_space<vmem>>, %arg7: memref<2x128xi32, #tpu.memory_space<vmem>>, %arg8: memref<2x128xi32, #tpu.memory_space<vmem>>, %arg9: memref<2x128xi32, #tpu.memory_space<vmem>>, %arg10: memref<2x128xi32, #tpu.memory_space<vmem>>, %arg11: memref<10000x128xf32, #tpu.memory_space<vmem_shared>>, %arg12: memref<!tpu.dma_semaphore, #tpu.memory_space<semaphore_mem>>, %arg13: memref<!tpu.dma_semaphore, #tpu.memory_space<semaphore_mem>>, %arg14: memref<!tpu.dma_semaphore, #tpu.memory_space<semaphore_mem>>, %arg15: memref<!tpu.dma_semaphore, #tpu.memory_space<semaphore_mem>>, %arg16: memref<!tpu.dma_semaphore, #tpu.memory_space<semaphore_mem>>, %arg17: memref<!tpu.dma_semaphore, #tpu.memory_space<semaphore_mem>>, %arg18: memref<!tpu.dma_semaphore, #tpu.memory_space<semaphore_mem>>, %arg19: memref<!tpu.dma_semaphore, #tpu.memory_space<semaphore_mem>>) attributes {dimension_semantics = [#tpu.dimension_semantics<core_parallel>, #tpu.dimension_semantics<subcore_parallel>], iteration_bounds = array<i64: 2, 16>, scalar_prefetch = 0 : i64, scratch_operands = 15 : i64, tpu.core_type = #tpu.core_type<sc_vector_subcore>, window_params = [{transform_indices = #map}, {transform_indices = #map1}, {transform_indices = #map2}]} {
    %mul3A = arith.constant 16 : i32
    %mul3A_0 = arith.muli %arg0, %mul3A : i32
    %add3A = arith.addi %mul3A_0, %arg1 : i32
    %broadcast_in_dim3A = arith.constant 0.000000e+00 : f32
    %broadcast_in_dim3A_1 = vector.broadcast %broadcast_in_dim3A : f32 to vector<16xf32>
    %scan3A = arith.constant 0 : i32
    %scan3A_2 = arith.constant 125 : i32
    %scan3A_3 = arith.addi %scan3A, %scan3A_2 : i32
    %scan3A_4 = arith.constant 1 : i32
    scf.for %scan3A_87 = %scan3A to %scan3A_3 step %scan3A_4  : i32 {
      %mul3A_88 = arith.constant 1 : i32
      %mul3A_89 = arith.muli %scan3A_87, %mul3A_88 : i32
      %add3A_90 = arith.constant 0 : i32
      %add3A_91 = arith.addi %add3A_90, %mul3A_89 : i32
      %swap3A = arith.index_cast %add3A_91 : i32 to index
      %swap3A_92 = arith.constant 0 : index
      %swap3A_93 = tpu.vector_load %arg5[%swap3A, %swap3A_92] {strides = array<i32>} : memref<128x128xf32, #tpu.memory_space<vmem>>, vector<1x16xf32>,
      %swap3A_94 = vector.shape_cast %swap3A_93 : vector<1x16xf32> to vector<16xf32>
      %swap3A_95 = vector.shape_cast %broadcast_in_dim3A_1 : vector<16xf32> to vector<1x16xf32>
      tpu.vector_store %arg5[%swap3A, %swap3A_92], %swap3A_95 {strides = array<i32>} : memref<128x128xf32, #tpu.memory_space<vmem>>, vector<1x16xf32>,
      %swap3A_96 = arith.index_cast %add3A_91 : i32 to index
      %swap3A_97 = arith.constant 16 : index
      %swap3A_98 = tpu.vector_load %arg5[%swap3A_96, %swap3A_97] {strides = array<i32>} : memref<128x128xf32, #tpu.memory_space<vmem>>, vector<1x16xf32>,
      %swap3A_99 = vector.shape_cast %swap3A_98 : vector<1x16xf32> to vector<16xf32>
      %swap3A_100 = vector.shape_cast %broadcast_in_dim3A_1 : vector<16xf32> to vector<1x16xf32>
      tpu.vector_store %arg5[%swap3A_96, %swap3A_97], %swap3A_100 {strides = array<i32>} : memref<128x128xf32, #tpu.memory_space<vmem>>, vector<1x16xf32>,
      %swap3A_101 = arith.index_cast %add3A_91 : i32 to index
      %swap3A_102 = arith.constant 32 : index
      %swap3A_103 = tpu.vector_load %arg5[%swap3A_101, %swap3A_102] {strides = array<i32>} : memref<128x128xf32, #tpu.memory_space<vmem>>, vector<1x16xf32>,
      %swap3A_104 = vector.shape_cast %swap3A_103 : vector<1x16xf32> to vector<16xf32>
      %swap3A_105 = vector.shape_cast %broadcast_in_dim3A_1 : vector<16xf32> to vector<1x16xf32>
      tpu.vector_store %arg5[%swap3A_101, %swap3A_102], %swap3A_105 {strides = array<i32>} : memref<128x128xf32, #tpu.memory_space<vmem>>, vector<1x16xf32>,
      %swap3A_106 = arith.index_cast %add3A_91 : i32 to index
      %swap3A_107 = arith.constant 48 : index
      %swap3A_108 = tpu.vector_load %arg5[%swap3A_106, %swap3A_107] {strides = array<i32>} : memref<128x128xf32, #tpu.memory_space<vmem>>, vector<1x16xf32>,
      %swap3A_109 = vector.shape_cast %swap3A_108 : vector<1x16xf32> to vector<16xf32>
      %swap3A_110 = vector.shape_cast %broadcast_in_dim3A_1 : vector<16xf32> to vector<1x16xf32>
      tpu.vector_store %arg5[%swap3A_106, %swap3A_107], %swap3A_110 {strides = array<i32>} : memref<128x128xf32, #tpu.memory_space<vmem>>, vector<1x16xf32>,
      %swap3A_111 = arith.index_cast %add3A_91 : i32 to index
      %swap3A_112 = arith.constant 64 : index
      %swap3A_113 = tpu.vector_load %arg5[%swap3A_111, %swap3A_112] {strides = array<i32>} : memref<128x128xf32, #tpu.memory_space<vmem>>, vector<1x16xf32>,
      %swap3A_114 = vector.shape_cast %swap3A_113 : vector<1x16xf32> to vector<16xf32>
      %swap3A_115 = vector.shape_cast %broadcast_in_dim3A_1 : vector<16xf32> to vector<1x16xf32>
      tpu.vector_store %arg5[%swap3A_111, %swap3A_112], %swap3A_115 {strides = array<i32>} : memref<128x128xf32, #tpu.memory_space<vmem>>, vector<1x16xf32>,
      %swap3A_116 = arith.index_cast %add3A_91 : i32 to index
      %swap3A_117 = arith.constant 80 : index
      %swap3A_118 = tpu.vector_load %arg5[%swap3A_116, %swap3A_117] {strides = array<i32>} : memref<128x128xf32, #tpu.memory_space<vmem>>, vector<1x16xf32>,
      %swap3A_119 = vector.shape_cast %swap3A_118 : vector<1x16xf32> to vector<16xf32>
      %swap3A_120 = vector.shape_cast %broadcast_in_dim3A_1 : vector<16xf32> to vector<1x16xf32>
      tpu.vector_store %arg5[%swap3A_116, %swap3A_117], %swap3A_120 {strides = array<i32>} : memref<128x128xf32, #tpu.memory_space<vmem>>, vector<1x16xf32>,
      %swap3A_121 = arith.index_cast %add3A_91 : i32 to index
      %swap3A_122 = arith.constant 96 : index
      %swap3A_123 = tpu.vector_load %arg5[%swap3A_121, %swap3A_122] {strides = array<i32>} : memref<128x128xf32, #tpu.memory_space<vmem>>, vector<1x16xf32>,
      %swap3A_124 = vector.shape_cast %swap3A_123 : vector<1x16xf32> to vector<16xf32>
      %swap3A_125 = vector.shape_cast %broadcast_in_dim3A_1 : vector<16xf32> to vector<1x16xf32>
      tpu.vector_store %arg5[%swap3A_121, %swap3A_122], %swap3A_125 {strides = array<i32>} : memref<128x128xf32, #tpu.memory_space<vmem>>, vector<1x16xf32>,
      %swap3A_126 = arith.index_cast %add3A_91 : i32 to index
      %swap3A_127 = arith.constant 112 : index
      %swap3A_128 = tpu.vector_load %arg5[%swap3A_126, %swap3A_127] {strides = array<i32>} : memref<128x128xf32, #tpu.memory_space<vmem>>, vector<1x16xf32>,
      %swap3A_129 = vector.shape_cast %swap3A_128 : vector<1x16xf32> to vector<16xf32>
      %swap3A_130 = vector.shape_cast %broadcast_in_dim3A_1 : vector<16xf32> to vector<1x16xf32>
      tpu.vector_store %arg5[%swap3A_126, %swap3A_127], %swap3A_130 {strides = array<i32>} : memref<128x128xf32, #tpu.memory_space<vmem>>, vector<1x16xf32>,
    }
    %scan3A_5 = arith.constant 125 : i32
    %scan3A_6 = arith.constant 0 : i32
    %scan3A_7 = arith.constant 5 : i32
    %scan3A_8 = arith.addi %scan3A_6, %scan3A_7 : i32
    %scan3A_9 = arith.constant 1 : i32
    scf.for %scan3A_87 = %scan3A_6 to %scan3A_8 step %scan3A_9  : i32 {
      %mul3A_88 = arith.constant 1 : i32
      %mul3A_89 = arith.muli %scan3A_87, %mul3A_88 : i32
      %add3A_90 = arith.constant 0 : i32
      %add3A_91 = arith.addi %add3A_90, %mul3A_89 : i32
      %mul3A_92 = arith.constant 625 : i32
      %mul3A_93 = arith.muli %arg1, %mul3A_92 : i32
      %mul3A_94 = arith.constant 125 : i32
      %mul3A_95 = arith.muli %add3A_91, %mul3A_94 : i32
      %add3A_96 = arith.addi %mul3A_93, %mul3A_95 : i32
      "tpu.region"() ({
        %run_scoped3A = tpu.sem_alloc : memref<!tpu.dma_semaphore, #tpu.memory_space<semaphore_mem>>
        %dma_start3A_97 = arith.constant 0 : i32
        %dma_start3A_98 = arith.constant 0 : i32
        %dma_start3A_99 = tpu.memref_slice %arg5[%dma_start3A_97, %dma_start3A_98] : memref<128x128xf32, #tpu.memory_space<vmem>> -> memref<125x128xf32, #tpu.memory_space<vmem>>
        %dma_start3A_100 = arith.constant 0 : i32
        %dma_start3A_101 = tpu.memref_slice %arg11[%add3A_96, %dma_start3A_100] : memref<10000x128xf32, #tpu.memory_space<vmem_shared>> -> memref<125x128xf32, #tpu.memory_space<vmem_shared>>
        %dma_start3A_102 = arith.constant 0 : i32
        %dma_start3A_103 = tpu.memref_slice %arg11[%add3A_96, %dma_start3A_102] : memref<10000x128xf32, #tpu.memory_space<vmem_shared>> -> memref<125x128xf32, #tpu.memory_space<vmem_shared>>
        %dma_start3A_104 = arith.constant 0 : i32
        %dma_start3A_105 = arith.constant 0 : i32
        %dma_start3A_106 = tpu.memref_slice %arg5[%dma_start3A_104, %dma_start3A_105] : memref<128x128xf32, #tpu.memory_space<vmem>> -> memref<125x128xf32, #tpu.memory_space<vmem>>
        tpu.enqueue_dma source(%dma_start3A_106 : memref<125x128xf32, #tpu.memory_space<vmem>>) target(%dma_start3A_103 : memref<125x128xf32, #tpu.memory_space<vmem_shared>>) target_semaphore(%run_scoped3A : memref<!tpu.dma_semaphore, #tpu.memory_space<semaphore_mem>>)
        %dma_wait3A_107 = arith.constant 0 : i32
        %dma_wait3A_108 = arith.constant 0 : i32
        %dma_wait3A_109 = tpu.memref_slice %arg5[%dma_wait3A_107, %dma_wait3A_108] : memref<128x128xf32, #tpu.memory_space<vmem>> -> memref<125x128xf32, #tpu.memory_space<vmem>>
        %dma_wait3A_110 = arith.constant 0 : i32
        %dma_wait3A_111 = tpu.memref_slice %arg11[%add3A_96, %dma_wait3A_110] : memref<10000x128xf32, #tpu.memory_space<vmem_shared>> -> memref<125x128xf32, #tpu.memory_space<vmem_shared>>
        %dma_wait3A_112 = arith.constant 0 : i32
        %dma_wait3A_113 = tpu.memref_slice %arg11[%add3A_96, %dma_wait3A_112] : memref<10000x128xf32, #tpu.memory_space<vmem_shared>> -> memref<125x128xf32, #tpu.memory_space<vmem_shared>>
        %dma_wait3A_114 = arith.constant 0 : i32
        %dma_wait3A_115 = arith.constant 0 : i32
        %dma_wait3A_116 = tpu.memref_slice %arg5[%dma_wait3A_114, %dma_wait3A_115] : memref<128x128xf32, #tpu.memory_space<vmem>> -> memref<125x128xf32, #tpu.memory_space<vmem>>
        tpu.wait_dma2 semaphore(%run_scoped3A : memref<!tpu.dma_semaphore, #tpu.memory_space<semaphore_mem>>) src(%dma_wait3A_116 : memref<125x128xf32, #tpu.memory_space<vmem>>) dst(%dma_wait3A_113 : memref<125x128xf32, #tpu.memory_space<vmem_shared>>)
        tpu.yield
      }) : () -> ()
    }
    %scan3A_10 = arith.constant 5 : i32
    %barrier3A = arith.constant 0 : index
    tpu.barrier barrier_id(%barrier3A)
    %dma_start3A = arith.constant 0 : i32
    %dma_start3A_11 = arith.constant 0 : i32
    %dma_start3A_12 = arith.constant 0 : i32
    %dma_start3A_13 = tpu.memref_slice %arg3[%add3A, %dma_start3A, %dma_start3A_11, %dma_start3A_12] : memref<32x80x2x128xi32, #tpu.memory_space<hbm>> -> memref<1x1x2x128xi32, #tpu.memory_space<hbm>>
    %dma_start3A_14 = tpu.memref_squeeze %dma_start3A_13 : memref<1x1x2x128xi32, #tpu.memory_space<hbm>> -> memref<2x128xi32, #tpu.memory_space<hbm>>
    %dma_start3A_15 = arith.constant 0 : i32
    %dma_start3A_16 = arith.constant 0 : i32
    %dma_start3A_17 = tpu.memref_slice %arg3[%add3A, %dma_start3A, %dma_start3A_15, %dma_start3A_16] : memref<32x80x2x128xi32, #tpu.memory_space<hbm>> -> memref<1x1x2x128xi32, #tpu.memory_space<hbm>>
    %dma_start3A_18 = tpu.memref_squeeze %dma_start3A_17 : memref<1x1x2x128xi32, #tpu.memory_space<hbm>> -> memref<2x128xi32, #tpu.memory_space<hbm>>
    tpu.enqueue_dma source(%dma_start3A_18 : memref<2x128xi32, #tpu.memory_space<hbm>>) target(%arg7 : memref<2x128xi32, #tpu.memory_space<vmem>>) target_semaphore(%arg16 : memref<!tpu.dma_semaphore, #tpu.memory_space<semaphore_mem>>)
    %dma_start3A_19 = arith.constant 1 : i32
    %dma_start3A_20 = arith.constant 0 : i32
    %dma_start3A_21 = arith.constant 0 : i32
    %dma_start3A_22 = tpu.memref_slice %arg3[%add3A, %dma_start3A_19, %dma_start3A_20, %dma_start3A_21] : memref<32x80x2x128xi32, #tpu.memory_space<hbm>> -> memref<1x1x2x128xi32, #tpu.memory_space<hbm>>
    %dma_start3A_23 = tpu.memref_squeeze %dma_start3A_22 : memref<1x1x2x128xi32, #tpu.memory_space<hbm>> -> memref<2x128xi32, #tpu.memory_space<hbm>>
    %dma_start3A_24 = arith.constant 0 : i32
    %dma_start3A_25 = arith.constant 0 : i32
    %dma_start3A_26 = tpu.memref_slice %arg3[%add3A, %dma_start3A_19, %dma_start3A_24, %dma_start3A_25] : memref<32x80x2x128xi32, #tpu.memory_space<hbm>> -> memref<1x1x2x128xi32, #tpu.memory_space<hbm>>
    %dma_start3A_27 = tpu.memref_squeeze %dma_start3A_26 : memref<1x1x2x128xi32, #tpu.memory_space<hbm>> -> memref<2x128xi32, #tpu.memory_space<hbm>>
    tpu.enqueue_dma source(%dma_start3A_27 : memref<2x128xi32, #tpu.memory_space<hbm>>) target(%arg8 : memref<2x128xi32, #tpu.memory_space<vmem>>) target_semaphore(%arg17 : memref<!tpu.dma_semaphore, #tpu.memory_space<semaphore_mem>>)
    %dma_start3A_28 = arith.constant 2 : i32
    %dma_start3A_29 = arith.constant 0 : i32
    %dma_start3A_30 = arith.constant 0 : i32
    %dma_start3A_31 = tpu.memref_slice %arg3[%add3A, %dma_start3A_28, %dma_start3A_29, %dma_start3A_30] : memref<32x80x2x128xi32, #tpu.memory_space<hbm>> -> memref<1x1x2x128xi32, #tpu.memory_space<hbm>>
    %dma_start3A_32 = tpu.memref_squeeze %dma_start3A_31 : memref<1x1x2x128xi32, #tpu.memory_space<hbm>> -> memref<2x128xi32, #tpu.memory_space<hbm>>
    %dma_start3A_33 = arith.constant 0 : i32
    %dma_start3A_34 = arith.constant 0 : i32
    %dma_start3A_35 = tpu.memref_slice %arg3[%add3A, %dma_start3A_28, %dma_start3A_33, %dma_start3A_34] : memref<32x80x2x128xi32, #tpu.memory_space<hbm>> -> memref<1x1x2x128xi32, #tpu.memory_space<hbm>>
    %dma_start3A_36 = tpu.memref_squeeze %dma_start3A_35 : memref<1x1x2x128xi32, #tpu.memory_space<hbm>> -> memref<2x128xi32, #tpu.memory_space<hbm>>
    tpu.enqueue_dma source(%dma_start3A_36 : memref<2x128xi32, #tpu.memory_space<hbm>>) target(%arg9 : memref<2x128xi32, #tpu.memory_space<vmem>>) target_semaphore(%arg18 : memref<!tpu.dma_semaphore, #tpu.memory_space<semaphore_mem>>)
    %dma_start3A_37 = arith.constant 3 : i32
    %dma_start3A_38 = arith.constant 0 : i32
    %dma_start3A_39 = arith.constant 0 : i32
    %dma_start3A_40 = tpu.memref_slice %arg3[%add3A, %dma_start3A_37, %dma_start3A_38, %dma_start3A_39] : memref<32x80x2x128xi32, #tpu.memory_space<hbm>> -> memref<1x1x2x128xi32, #tpu.memory_space<hbm>>
    %dma_start3A_41 = tpu.memref_squeeze %dma_start3A_40 : memref<1x1x2x128xi32, #tpu.memory_space<hbm>> -> memref<2x128xi32, #tpu.memory_space<hbm>>
    %dma_start3A_42 = arith.constant 0 : i32
    %dma_start3A_43 = arith.constant 0 : i32
    %dma_start3A_44 = tpu.memref_slice %arg3[%add3A, %dma_start3A_37, %dma_start3A_42, %dma_start3A_43] : memref<32x80x2x128xi32, #tpu.memory_space<hbm>> -> memref<1x1x2x128xi32, #tpu.memory_space<hbm>>
    %dma_start3A_45 = tpu.memref_squeeze %dma_start3A_44 : memref<1x1x2x128xi32, #tpu.memory_space<hbm>> -> memref<2x128xi32, #tpu.memory_space<hbm>>
    tpu.enqueue_dma source(%dma_start3A_45 : memref<2x128xi32, #tpu.memory_space<hbm>>) target(%arg10 : memref<2x128xi32, #tpu.memory_space<vmem>>) target_semaphore(%arg19 : memref<!tpu.dma_semaphore, #tpu.memory_space<semaphore_mem>>)
    %dma_wait3A = arith.constant 0 : i32
    %dma_wait3A_46 = arith.constant 0 : i32
    %dma_wait3A_47 = arith.constant 0 : i32
    %dma_wait3A_48 = tpu.memref_slice %arg3[%add3A, %dma_wait3A, %dma_wait3A_46, %dma_wait3A_47] : memref<32x80x2x128xi32, #tpu.memory_space<hbm>> -> memref<1x1x2x128xi32, #tpu.memory_space<hbm>>
    %dma_wait3A_49 = tpu.memref_squeeze %dma_wait3A_48 : memref<1x1x2x128xi32, #tpu.memory_space<hbm>> -> memref<2x128xi32, #tpu.memory_space<hbm>>
    %dma_wait3A_50 = arith.constant 0 : i32
    %dma_wait3A_51 = arith.constant 0 : i32
    %dma_wait3A_52 = tpu.memref_slice %arg3[%add3A, %dma_wait3A, %dma_wait3A_50, %dma_wait3A_51] : memref<32x80x2x128xi32, #tpu.memory_space<hbm>> -> memref<1x1x2x128xi32, #tpu.memory_space<hbm>>
    %dma_wait3A_53 = tpu.memref_squeeze %dma_wait3A_52 : memref<1x1x2x128xi32, #tpu.memory_space<hbm>> -> memref<2x128xi32, #tpu.memory_space<hbm>>
    tpu.wait_dma2 semaphore(%arg16 : memref<!tpu.dma_semaphore, #tpu.memory_space<semaphore_mem>>) src(%dma_wait3A_53 : memref<2x128xi32, #tpu.memory_space<hbm>>) dst(%arg7 : memref<2x128xi32, #tpu.memory_space<vmem>>)
    %dma_start3A_54 = arith.constant 0 : i32
    %dma_start3A_55 = arith.constant 0 : i32
    %dma_start3A_56 = tpu.memref_slice %arg7[%dma_start3A_54, %dma_start3A_55] : memref<2x128xi32, #tpu.memory_space<vmem>> -> memref<1x128xi32, #tpu.memory_space<vmem>>
    %dma_start3A_57 = tpu.memref_squeeze %dma_start3A_56 : memref<1x128xi32, #tpu.memory_space<vmem>> -> memref<128xi32, #tpu.memory_space<vmem>>
    %dma_start3A_58 = arith.constant 0 : i32
    %dma_start3A_59 = arith.constant 0 : i32
    %dma_start3A_60 = tpu.memref_slice %arg2[%dma_start3A_58, %dma_start3A_59] : memref<10016x128xf32, #tpu.memory_space<hbm>> -> memref<10016x128xf32, #tpu.memory_space<hbm>>
    tpu.enqueue_indirect_dma source(%dma_start3A_60 : memref<10016x128xf32, #tpu.memory_space<hbm>>) target(%arg5 : memref<128x128xf32, #tpu.memory_space<vmem>>) offsets(%dma_start3A_57 : memref<128xi32, #tpu.memory_space<vmem>>) semaphore(%arg12 : memref<!tpu.dma_semaphore, #tpu.memory_space<semaphore_mem>>)
    %dma_wait3A_61 = arith.constant 1 : i32
    %dma_wait3A_62 = arith.constant 0 : i32
    %dma_wait3A_63 = arith.constant 0 : i32
    %dma_wait3A_64 = tpu.memref_slice %arg3[%add3A, %dma_wait3A_61, %dma_wait3A_62, %dma_wait3A_63] : memref<32x80x2x128xi32, #tpu.memory_space<hbm>> -> memref<1x1x2x128xi32, #tpu.memory_space<hbm>>
    %dma_wait3A_65 = tpu.memref_squeeze %dma_wait3A_64 : memref<1x1x2x128xi32, #tpu.memory_space<hbm>> -> memref<2x128xi32, #tpu.memory_space<hbm>>
    %dma_wait3A_66 = arith.constant 0 : i32
    %dma_wait3A_67 = arith.constant 0 : i32
    %dma_wait3A_68 = tpu.memref_slice %arg3[%add3A, %dma_wait3A_61, %dma_wait3A_66, %dma_wait3A_67] : memref<32x80x2x128xi32, #tpu.memory_space<hbm>> -> memref<1x1x2x128xi32, #tpu.memory_space<hbm>>
    %dma_wait3A_69 = tpu.memref_squeeze %dma_wait3A_68 : memref<1x1x2x128xi32, #tpu.memory_space<hbm>> -> memref<2x128xi32, #tpu.memory_space<hbm>>
    tpu.wait_dma2 semaphore(%arg17 : memref<!tpu.dma_semaphore, #tpu.memory_space<semaphore_mem>>) src(%dma_wait3A_69 : memref<2x128xi32, #tpu.memory_space<hbm>>) dst(%arg8 : memref<2x128xi32, #tpu.memory_space<vmem>>)
    %dma_start3A_70 = arith.constant 0 : i32
    %dma_start3A_71 = arith.constant 0 : i32
    %dma_start3A_72 = tpu.memref_slice %arg8[%dma_start3A_70, %dma_start3A_71] : memref<2x128xi32, #tpu.memory_space<vmem>> -> memref<1x128xi32, #tpu.memory_space<vmem>>
    %dma_start3A_73 = tpu.memref_squeeze %dma_start3A_72 : memref<1x128xi32, #tpu.memory_space<vmem>> -> memref<128xi32, #tpu.memory_space<vmem>>
    %dma_start3A_74 = arith.constant 0 : i32
    %dma_start3A_75 = arith.constant 0 : i32
    %dma_start3A_76 = tpu.memref_slice %arg2[%dma_start3A_74, %dma_start3A_75] : memref<10016x128xf32, #tpu.memory_space<hbm>> -> memref<10016x128xf32, #tpu.memory_space<hbm>>
    tpu.enqueue_indirect_dma source(%dma_start3A_76 : memref<10016x128xf32, #tpu.memory_space<hbm>>) target(%arg6 : memref<128x128xf32, #tpu.memory_space<vmem>>) offsets(%dma_start3A_73 : memref<128xi32, #tpu.memory_space<vmem>>) semaphore(%arg13 : memref<!tpu.dma_semaphore, #tpu.memory_space<semaphore_mem>>)
    %scan3A_77 = arith.constant 0 : i32
    %scan3A_78 = arith.constant 20 : i32
    %scan3A_79 = arith.addi %scan3A_77, %scan3A_78 : i32
    %scan3A_80 = arith.constant 1 : i32
    scf.for %scan3A_87 = %scan3A_77 to %scan3A_79 step %scan3A_80  : i32 {
      %mul3A_88 = arith.constant 1 : i32
      %mul3A_89 = arith.muli %scan3A_87, %mul3A_88 : i32
      %add3A_90 = arith.constant 0 : i32
      %add3A_91 = arith.addi %add3A_90, %mul3A_89 : i32
      %mul3A_92 = arith.constant 4 : i32
      %mul3A_93 = arith.muli %add3A_91, %mul3A_92 : i32
      %add3A_94 = arith.constant 0 : i32
      %add3A_95 = arith.addi %mul3A_93, %add3A_94 : i32
      %dma_wait3A_96 = arith.constant 0 : i32
      %dma_wait3A_97 = arith.constant 0 : i32
      %dma_wait3A_98 = tpu.memref_slice %arg7[%dma_wait3A_96, %dma_wait3A_97] : memref<2x128xi32, #tpu.memory_space<vmem>> -> memref<1x128xi32, #tpu.memory_space<vmem>>
      %dma_wait3A_99 = tpu.memref_squeeze %dma_wait3A_98 : memref<1x128xi32, #tpu.memory_space<vmem>> -> memref<128xi32, #tpu.memory_space<vmem>>
      %dma_wait3A_100 = arith.constant 0 : i32
      %dma_wait3A_101 = arith.constant 0 : i32
      %dma_wait3A_102 = tpu.memref_slice %arg2[%dma_wait3A_100, %dma_wait3A_101] : memref<10016x128xf32, #tpu.memory_space<hbm>> -> memref<10016x128xf32, #tpu.memory_space<hbm>>
      tpu.wait_indirect_dma semaphore(%arg12 : memref<!tpu.dma_semaphore, #tpu.memory_space<semaphore_mem>>) src(%dma_wait3A_102 : memref<10016x128xf32, #tpu.memory_space<hbm>>) dst(%arg5 : memref<128x128xf32, #tpu.memory_space<vmem>>)
      %dma_start3A_103 = arith.constant 1 : i32
      %dma_start3A_104 = arith.constant 0 : i32
      %dma_start3A_105 = tpu.memref_slice %arg7[%dma_start3A_103, %dma_start3A_104] : memref<2x128xi32, #tpu.memory_space<vmem>> -> memref<1x128xi32, #tpu.memory_space<vmem>>
      %dma_start3A_106 = tpu.memref_squeeze %dma_start3A_105 : memref<1x128xi32, #tpu.memory_space<vmem>> -> memref<128xi32, #tpu.memory_space<vmem>>
      %dma_start3A_107 = arith.constant 0 : i32
      %dma_start3A_108 = arith.constant 0 : i32
      %dma_start3A_109 = tpu.memref_slice %arg11[%dma_start3A_107, %dma_start3A_108] : memref<10000x128xf32, #tpu.memory_space<vmem_shared>> -> memref<10000x128xf32, #tpu.memory_space<vmem_shared>>
      tpu.enqueue_indirect_dma source(%arg5 : memref<128x128xf32, #tpu.memory_space<vmem>>) target(%dma_start3A_109 : memref<10000x128xf32, #tpu.memory_space<vmem_shared>>) offsets(%dma_start3A_106 : memref<128xi32, #tpu.memory_space<vmem>>) semaphore(%arg14 : memref<!tpu.dma_semaphore, #tpu.memory_space<semaphore_mem>>) {add = true}
      %dma_wait3A_110 = arith.constant 1 : i32
      %dma_wait3A_111 = arith.constant 0 : i32
      %dma_wait3A_112 = tpu.memref_slice %arg7[%dma_wait3A_110, %dma_wait3A_111] : memref<2x128xi32, #tpu.memory_space<vmem>> -> memref<1x128xi32, #tpu.memory_space<vmem>>
      %dma_wait3A_113 = tpu.memref_squeeze %dma_wait3A_112 : memref<1x128xi32, #tpu.memory_space<vmem>> -> memref<128xi32, #tpu.memory_space<vmem>>
      %dma_wait3A_114 = arith.constant 0 : i32
      %dma_wait3A_115 = arith.constant 0 : i32
      %dma_wait3A_116 = tpu.memref_slice %arg11[%dma_wait3A_114, %dma_wait3A_115] : memref<10000x128xf32, #tpu.memory_space<vmem_shared>> -> memref<10000x128xf32, #tpu.memory_space<vmem_shared>>
      tpu.wait_indirect_dma semaphore(%arg14 : memref<!tpu.dma_semaphore, #tpu.memory_space<semaphore_mem>>) src(%arg5 : memref<128x128xf32, #tpu.memory_space<vmem>>) dst(%dma_wait3A_116 : memref<10000x128xf32, #tpu.memory_space<vmem_shared>>)
      %lt3A = arith.constant 19 : i32
      %lt3A_117 = arith.cmpi slt, %add3A_91, %lt3A : i32
      %convert_element_type3A = arith.extui %lt3A_117 : i1 to i32
      %cond3A = arith.constant 0 : i32
      %cond3A_118 = arith.cmpi ne, %convert_element_type3A, %cond3A : i32
      scf.if %cond3A_118 {
        %add3A_253 = arith.constant 4 : i32
        %add3A_254 = arith.addi %add3A_95, %add3A_253 : i32
        %dma_start3A_255 = arith.constant 0 : i32
        %dma_start3A_256 = arith.constant 0 : i32
        %dma_start3A_257 = tpu.memref_slice %arg3[%add3A, %add3A_254, %dma_start3A_255, %dma_start3A_256] : memref<32x80x2x128xi32, #tpu.memory_space<hbm>> -> memref<1x1x2x128xi32, #tpu.memory_space<hbm>>
        %dma_start3A_258 = tpu.memref_squeeze %dma_start3A_257 : memref<1x1x2x128xi32, #tpu.memory_space<hbm>> -> memref<2x128xi32, #tpu.memory_space<hbm>>
        %dma_start3A_259 = arith.constant 0 : i32
        %dma_start3A_260 = arith.constant 0 : i32
        %dma_start3A_261 = tpu.memref_slice %arg3[%add3A, %add3A_254, %dma_start3A_259, %dma_start3A_260] : memref<32x80x2x128xi32, #tpu.memory_space<hbm>> -> memref<1x1x2x128xi32, #tpu.memory_space<hbm>>
        %dma_start3A_262 = tpu.memref_squeeze %dma_start3A_261 : memref<1x1x2x128xi32, #tpu.memory_space<hbm>> -> memref<2x128xi32, #tpu.memory_space<hbm>>
        tpu.enqueue_dma source(%dma_start3A_262 : memref<2x128xi32, #tpu.memory_space<hbm>>) target(%arg7 : memref<2x128xi32, #tpu.memory_space<vmem>>) target_semaphore(%arg16 : memref<!tpu.dma_semaphore, #tpu.memory_space<semaphore_mem>>)
      } else {
      }
      %add3A_119 = arith.constant 2 : i32
      %add3A_120 = arith.addi %add3A_95, %add3A_119 : i32
      %dma_wait3A_121 = arith.constant 0 : i32
      %dma_wait3A_122 = arith.constant 0 : i32
      %dma_wait3A_123 = tpu.memref_slice %arg3[%add3A, %add3A_120, %dma_wait3A_121, %dma_wait3A_122] : memref<32x80x2x128xi32, #tpu.memory_space<hbm>> -> memref<1x1x2x128xi32, #tpu.memory_space<hbm>>
      %dma_wait3A_124 = tpu.memref_squeeze %dma_wait3A_123 : memref<1x1x2x128xi32, #tpu.memory_space<hbm>> -> memref<2x128xi32, #tpu.memory_space<hbm>>
      %dma_wait3A_125 = arith.constant 0 : i32
      %dma_wait3A_126 = arith.constant 0 : i32
      %dma_wait3A_127 = tpu.memref_slice %arg3[%add3A, %add3A_120, %dma_wait3A_125, %dma_wait3A_126] : memref<32x80x2x128xi32, #tpu.memory_space<hbm>> -> memref<1x1x2x128xi32, #tpu.memory_space<hbm>>
      %dma_wait3A_128 = tpu.memref_squeeze %dma_wait3A_127 : memref<1x1x2x128xi32, #tpu.memory_space<hbm>> -> memref<2x128xi32, #tpu.memory_space<hbm>>
      tpu.wait_dma2 semaphore(%arg18 : memref<!tpu.dma_semaphore, #tpu.memory_space<semaphore_mem>>) src(%dma_wait3A_128 : memref<2x128xi32, #tpu.memory_space<hbm>>) dst(%arg9 : memref<2x128xi32, #tpu.memory_space<vmem>>)
      %dma_start3A_129 = arith.constant 0 : i32
      %dma_start3A_130 = arith.constant 0 : i32
      %dma_start3A_131 = tpu.memref_slice %arg9[%dma_start3A_129, %dma_start3A_130] : memref<2x128xi32, #tpu.memory_space<vmem>> -> memref<1x128xi32, #tpu.memory_space<vmem>>
      %dma_start3A_132 = tpu.memref_squeeze %dma_start3A_131 : memref<1x128xi32, #tpu.memory_space<vmem>> -> memref<128xi32, #tpu.memory_space<vmem>>
      %dma_start3A_133 = arith.constant 0 : i32
      %dma_start3A_134 = arith.constant 0 : i32
      %dma_start3A_135 = tpu.memref_slice %arg2[%dma_start3A_133, %dma_start3A_134] : memref<10016x128xf32, #tpu.memory_space<hbm>> -> memref<10016x128xf32, #tpu.memory_space<hbm>>
      tpu.enqueue_indirect_dma source(%dma_start3A_135 : memref<10016x128xf32, #tpu.memory_space<hbm>>) target(%arg5 : memref<128x128xf32, #tpu.memory_space<vmem>>) offsets(%dma_start3A_132 : memref<128xi32, #tpu.memory_space<vmem>>) semaphore(%arg12 : memref<!tpu.dma_semaphore, #tpu.memory_space<semaphore_mem>>)
      %mul3A_136 = arith.constant 4 : i32
      %mul3A_137 = arith.muli %add3A_91, %mul3A_136 : i32
      %add3A_138 = arith.constant 1 : i32
      %add3A_139 = arith.addi %mul3A_137, %add3A_138 : i32
      %dma_wait3A_140 = arith.constant 0 : i32
      %dma_wait3A_141 = arith.constant 0 : i32
      %dma_wait3A_142 = tpu.memref_slice %arg8[%dma_wait3A_140, %dma_wait3A_141] : memref<2x128xi32, #tpu.memory_space<vmem>> -> memref<1x128xi32, #tpu.memory_space<vmem>>
      %dma_wait3A_143 = tpu.memref_squeeze %dma_wait3A_142 : memref<1x128xi32, #tpu.memory_space<vmem>> -> memref<128xi32, #tpu.memory_space<vmem>>
      %dma_wait3A_144 = arith.constant 0 : i32
      %dma_wait3A_145 = arith.constant 0 : i32
      %dma_wait3A_146 = tpu.memref_slice %arg2[%dma_wait3A_144, %dma_wait3A_145] : memref<10016x128xf32, #tpu.memory_space<hbm>> -> memref<10016x128xf32, #tpu.memory_space<hbm>>
      tpu.wait_indirect_dma semaphore(%arg13 : memref<!tpu.dma_semaphore, #tpu.memory_space<semaphore_mem>>) src(%dma_wait3A_146 : memref<10016x128xf32, #tpu.memory_space<hbm>>) dst(%arg6 : memref<128x128xf32, #tpu.memory_space<vmem>>)
      %dma_start3A_147 = arith.constant 1 : i32
      %dma_start3A_148 = arith.constant 0 : i32
      %dma_start3A_149 = tpu.memref_slice %arg8[%dma_start3A_147, %dma_start3A_148] : memref<2x128xi32, #tpu.memory_space<vmem>> -> memref<1x128xi32, #tpu.memory_space<vmem>>
      %dma_start3A_150 = tpu.memref_squeeze %dma_start3A_149 : memref<1x128xi32, #tpu.memory_space<vmem>> -> memref<128xi32, #tpu.memory_space<vmem>>
      %dma_start3A_151 = arith.constant 0 : i32
      %dma_start3A_152 = arith.constant 0 : i32
      %dma_start3A_153 = tpu.memref_slice %arg11[%dma_start3A_151, %dma_start3A_152] : memref<10000x128xf32, #tpu.memory_space<vmem_shared>> -> memref<10000x128xf32, #tpu.memory_space<vmem_shared>>
      tpu.enqueue_indirect_dma source(%arg6 : memref<128x128xf32, #tpu.memory_space<vmem>>) target(%dma_start3A_153 : memref<10000x128xf32, #tpu.memory_space<vmem_shared>>) offsets(%dma_start3A_150 : memref<128xi32, #tpu.memory_space<vmem>>) semaphore(%arg15 : memref<!tpu.dma_semaphore, #tpu.memory_space<semaphore_mem>>) {add = true}
      %dma_wait3A_154 = arith.constant 1 : i32
      %dma_wait3A_155 = arith.constant 0 : i32
      %dma_wait3A_156 = tpu.memref_slice %arg8[%dma_wait3A_154, %dma_wait3A_155] : memref<2x128xi32, #tpu.memory_space<vmem>> -> memref<1x128xi32, #tpu.memory_space<vmem>>
      %dma_wait3A_157 = tpu.memref_squeeze %dma_wait3A_156 : memref<1x128xi32, #tpu.memory_space<vmem>> -> memref<128xi32, #tpu.memory_space<vmem>>
      %dma_wait3A_158 = arith.constant 0 : i32
      %dma_wait3A_159 = arith.constant 0 : i32
      %dma_wait3A_160 = tpu.memref_slice %arg11[%dma_wait3A_158, %dma_wait3A_159] : memref<10000x128xf32, #tpu.memory_space<vmem_shared>> -> memref<10000x128xf32, #tpu.memory_space<vmem_shared>>
      tpu.wait_indirect_dma semaphore(%arg15 : memref<!tpu.dma_semaphore, #tpu.memory_space<semaphore_mem>>) src(%arg6 : memref<128x128xf32, #tpu.memory_space<vmem>>) dst(%dma_wait3A_160 : memref<10000x128xf32, #tpu.memory_space<vmem_shared>>)
      %lt3A_161 = arith.constant 19 : i32
      %lt3A_162 = arith.cmpi slt, %add3A_91, %lt3A_161 : i32
      %convert_element_type3A_163 = arith.extui %lt3A_162 : i1 to i32
      %cond3A_164 = arith.constant 0 : i32
      %cond3A_165 = arith.cmpi ne, %convert_element_type3A_163, %cond3A_164 : i32
      scf.if %cond3A_165 {
        %add3A_253 = arith.constant 4 : i32
        %add3A_254 = arith.addi %add3A_139, %add3A_253 : i32
        %dma_start3A_255 = arith.constant 0 : i32
        %dma_start3A_256 = arith.constant 0 : i32
        %dma_start3A_257 = tpu.memref_slice %arg3[%add3A, %add3A_254, %dma_start3A_255, %dma_start3A_256] : memref<32x80x2x128xi32, #tpu.memory_space<hbm>> -> memref<1x1x2x128xi32, #tpu.memory_space<hbm>>
        %dma_start3A_258 = tpu.memref_squeeze %dma_start3A_257 : memref<1x1x2x128xi32, #tpu.memory_space<hbm>> -> memref<2x128xi32, #tpu.memory_space<hbm>>
        %dma_start3A_259 = arith.constant 0 : i32
        %dma_start3A_260 = arith.constant 0 : i32
        %dma_start3A_261 = tpu.memref_slice %arg3[%add3A, %add3A_254, %dma_start3A_259, %dma_start3A_260] : memref<32x80x2x128xi32, #tpu.memory_space<hbm>> -> memref<1x1x2x128xi32, #tpu.memory_space<hbm>>
        %dma_start3A_262 = tpu.memref_squeeze %dma_start3A_261 : memref<1x1x2x128xi32, #tpu.memory_space<hbm>> -> memref<2x128xi32, #tpu.memory_space<hbm>>
        tpu.enqueue_dma source(%dma_start3A_262 : memref<2x128xi32, #tpu.memory_space<hbm>>) target(%arg8 : memref<2x128xi32, #tpu.memory_space<vmem>>) target_semaphore(%arg17 : memref<!tpu.dma_semaphore, #tpu.memory_space<semaphore_mem>>)
      } else {
      }
      %add3A_166 = arith.constant 2 : i32
      %add3A_167 = arith.addi %add3A_139, %add3A_166 : i32
      %dma_wait3A_168 = arith.constant 0 : i32
      %dma_wait3A_169 = arith.constant 0 : i32
      %dma_wait3A_170 = tpu.memref_slice %arg3[%add3A, %add3A_167, %dma_wait3A_168, %dma_wait3A_169] : memref<32x80x2x128xi32, #tpu.memory_space<hbm>> -> memref<1x1x2x128xi32, #tpu.memory_space<hbm>>
      %dma_wait3A_171 = tpu.memref_squeeze %dma_wait3A_170 : memref<1x1x2x128xi32, #tpu.memory_space<hbm>> -> memref<2x128xi32, #tpu.memory_space<hbm>>
      %dma_wait3A_172 = arith.constant 0 : i32
      %dma_wait3A_173 = arith.constant 0 : i32
      %dma_wait3A_174 = tpu.memref_slice %arg3[%add3A, %add3A_167, %dma_wait3A_172, %dma_wait3A_173] : memref<32x80x2x128xi32, #tpu.memory_space<hbm>> -> memref<1x1x2x128xi32, #tpu.memory_space<hbm>>
      %dma_wait3A_175 = tpu.memref_squeeze %dma_wait3A_174 : memref<1x1x2x128xi32, #tpu.memory_space<hbm>> -> memref<2x128xi32, #tpu.memory_space<hbm>>
      tpu.wait_dma2 semaphore(%arg19 : memref<!tpu.dma_semaphore, #tpu.memory_space<semaphore_mem>>) src(%dma_wait3A_175 : memref<2x128xi32, #tpu.memory_space<hbm>>) dst(%arg10 : memref<2x128xi32, #tpu.memory_space<vmem>>)
      %dma_start3A_176 = arith.constant 0 : i32
      %dma_start3A_177 = arith.constant 0 : i32
      %dma_start3A_178 = tpu.memref_slice %arg10[%dma_start3A_176, %dma_start3A_177] : memref<2x128xi32, #tpu.memory_space<vmem>> -> memref<1x128xi32, #tpu.memory_space<vmem>>
      %dma_start3A_179 = tpu.memref_squeeze %dma_start3A_178 : memref<1x128xi32, #tpu.memory_space<vmem>> -> memref<128xi32, #tpu.memory_space<vmem>>
      %dma_start3A_180 = arith.constant 0 : i32
      %dma_start3A_181 = arith.constant 0 : i32
      %dma_start3A_182 = tpu.memref_slice %arg2[%dma_start3A_180, %dma_start3A_181] : memref<10016x128xf32, #tpu.memory_space<hbm>> -> memref<10016x128xf32, #tpu.memory_space<hbm>>
      tpu.enqueue_indirect_dma source(%dma_start3A_182 : memref<10016x128xf32, #tpu.memory_space<hbm>>) target(%arg6 : memref<128x128xf32, #tpu.memory_space<vmem>>) offsets(%dma_start3A_179 : memref<128xi32, #tpu.memory_space<vmem>>) semaphore(%arg13 : memref<!tpu.dma_semaphore, #tpu.memory_space<semaphore_mem>>)
      %mul3A_183 = arith.constant 4 : i32
      %mul3A_184 = arith.muli %add3A_91, %mul3A_183 : i32
      %add3A_185 = arith.constant 2 : i32
      %add3A_186 = arith.addi %mul3A_184, %add3A_185 : i32
      %dma_wait3A_187 = arith.constant 0 : i32
      %dma_wait3A_188 = arith.constant 0 : i32
      %dma_wait3A_189 = tpu.memref_slice %arg9[%dma_wait3A_187, %dma_wait3A_188] : memref<2x128xi32, #tpu.memory_space<vmem>> -> memref<1x128xi32, #tpu.memory_space<vmem>>
      %dma_wait3A_190 = tpu.memref_squeeze %dma_wait3A_189 : memref<1x128xi32, #tpu.memory_space<vmem>> -> memref<128xi32, #tpu.memory_space<vmem>>
      %dma_wait3A_191 = arith.constant 0 : i32
      %dma_wait3A_192 = arith.constant 0 : i32
      %dma_wait3A_193 = tpu.memref_slice %arg2[%dma_wait3A_191, %dma_wait3A_192] : memref<10016x128xf32, #tpu.memory_space<hbm>> -> memref<10016x128xf32, #tpu.memory_space<hbm>>
      tpu.wait_indirect_dma semaphore(%arg12 : memref<!tpu.dma_semaphore, #tpu.memory_space<semaphore_mem>>) src(%dma_wait3A_193 : memref<10016x128xf32, #tpu.memory_space<hbm>>) dst(%arg5 : memref<128x128xf32, #tpu.memory_space<vmem>>)
      %dma_start3A_194 = arith.constant 1 : i32
      %dma_start3A_195 = arith.constant 0 : i32
      %dma_start3A_196 = tpu.memref_slice %arg9[%dma_start3A_194, %dma_start3A_195] : memref<2x128xi32, #tpu.memory_space<vmem>> -> memref<1x128xi32, #tpu.memory_space<vmem>>
      %dma_start3A_197 = tpu.memref_squeeze %dma_start3A_196 : memref<1x128xi32, #tpu.memory_space<vmem>> -> memref<128xi32, #tpu.memory_space<vmem>>
      %dma_start3A_198 = arith.constant 0 : i32
      %dma_start3A_199 = arith.constant 0 : i32
      %dma_start3A_200 = tpu.memref_slice %arg11[%dma_start3A_198, %dma_start3A_199] : memref<10000x128xf32, #tpu.memory_space<vmem_shared>> -> memref<10000x128xf32, #tpu.memory_space<vmem_shared>>
      tpu.enqueue_indirect_dma source(%arg5 : memref<128x128xf32, #tpu.memory_space<vmem>>) target(%dma_start3A_200 : memref<10000x128xf32, #tpu.memory_space<vmem_shared>>) offsets(%dma_start3A_197 : memref<128xi32, #tpu.memory_space<vmem>>) semaphore(%arg14 : memref<!tpu.dma_semaphore, #tpu.memory_space<semaphore_mem>>) {add = true}
      %dma_wait3A_201 = arith.constant 1 : i32
      %dma_wait3A_202 = arith.constant 0 : i32
      %dma_wait3A_203 = tpu.memref_slice %arg9[%dma_wait3A_201, %dma_wait3A_202] : memref<2x128xi32, #tpu.memory_space<vmem>> -> memref<1x128xi32, #tpu.memory_space<vmem>>
      %dma_wait3A_204 = tpu.memref_squeeze %dma_wait3A_203 : memref<1x128xi32, #tpu.memory_space<vmem>> -> memref<128xi32, #tpu.memory_space<vmem>>
      %dma_wait3A_205 = arith.constant 0 : i32
      %dma_wait3A_206 = arith.constant 0 : i32
      %dma_wait3A_207 = tpu.memref_slice %arg11[%dma_wait3A_205, %dma_wait3A_206] : memref<10000x128xf32, #tpu.memory_space<vmem_shared>> -> memref<10000x128xf32, #tpu.memory_space<vmem_shared>>
      tpu.wait_indirect_dma semaphore(%arg14 : memref<!tpu.dma_semaphore, #tpu.memory_space<semaphore_mem>>) src(%arg5 : memref<128x128xf32, #tpu.memory_space<vmem>>) dst(%dma_wait3A_207 : memref<10000x128xf32, #tpu.memory_space<vmem_shared>>)
      %lt3A_208 = arith.constant 19 : i32
      %lt3A_209 = arith.cmpi slt, %add3A_91, %lt3A_208 : i32
      %convert_element_type3A_210 = arith.extui %lt3A_209 : i1 to i32
      %cond3A_211 = arith.constant 0 : i32
      %cond3A_212 = arith.cmpi ne, %convert_element_type3A_210, %cond3A_211 : i32
      scf.if %cond3A_212 {
        %add3A_253 = arith.constant 4 : i32
        %add3A_254 = arith.addi %add3A_186, %add3A_253 : i32
        %dma_start3A_255 = arith.constant 0 : i32
        %dma_start3A_256 = arith.constant 0 : i32
        %dma_start3A_257 = tpu.memref_slice %arg3[%add3A, %add3A_254, %dma_start3A_255, %dma_start3A_256] : memref<32x80x2x128xi32, #tpu.memory_space<hbm>> -> memref<1x1x2x128xi32, #tpu.memory_space<hbm>>
        %dma_start3A_258 = tpu.memref_squeeze %dma_start3A_257 : memref<1x1x2x128xi32, #tpu.memory_space<hbm>> -> memref<2x128xi32, #tpu.memory_space<hbm>>
        %dma_start3A_259 = arith.constant 0 : i32
        %dma_start3A_260 = arith.constant 0 : i32
        %dma_start3A_261 = tpu.memref_slice %arg3[%add3A, %add3A_254, %dma_start3A_259, %dma_start3A_260] : memref<32x80x2x128xi32, #tpu.memory_space<hbm>> -> memref<1x1x2x128xi32, #tpu.memory_space<hbm>>
        %dma_start3A_262 = tpu.memref_squeeze %dma_start3A_261 : memref<1x1x2x128xi32, #tpu.memory_space<hbm>> -> memref<2x128xi32, #tpu.memory_space<hbm>>
        tpu.enqueue_dma source(%dma_start3A_262 : memref<2x128xi32, #tpu.memory_space<hbm>>) target(%arg9 : memref<2x128xi32, #tpu.memory_space<vmem>>) target_semaphore(%arg18 : memref<!tpu.dma_semaphore, #tpu.memory_space<semaphore_mem>>)
      } else {
      }
      %lt3A_213 = arith.constant 19 : i32
      %lt3A_214 = arith.cmpi slt, %add3A_91, %lt3A_213 : i32
      %convert_element_type3A_215 = arith.extui %lt3A_214 : i1 to i32
      %cond3A_216 = arith.constant 0 : i32
      %cond3A_217 = arith.cmpi ne, %convert_element_type3A_215, %cond3A_216 : i32
      scf.if %cond3A_217 {
        %add3A_253 = arith.constant 2 : i32
        %add3A_254 = arith.addi %add3A_186, %add3A_253 : i32
        %dma_wait3A_255 = arith.constant 0 : i32
        %dma_wait3A_256 = arith.constant 0 : i32
        %dma_wait3A_257 = tpu.memref_slice %arg3[%add3A, %add3A_254, %dma_wait3A_255, %dma_wait3A_256] : memref<32x80x2x128xi32, #tpu.memory_space<hbm>> -> memref<1x1x2x128xi32, #tpu.memory_space<hbm>>
        %dma_wait3A_258 = tpu.memref_squeeze %dma_wait3A_257 : memref<1x1x2x128xi32, #tpu.memory_space<hbm>> -> memref<2x128xi32, #tpu.memory_space<hbm>>
        %dma_wait3A_259 = arith.constant 0 : i32
        %dma_wait3A_260 = arith.constant 0 : i32
        %dma_wait3A_261 = tpu.memref_slice %arg3[%add3A, %add3A_254, %dma_wait3A_259, %dma_wait3A_260] : memref<32x80x2x128xi32, #tpu.memory_space<hbm>> -> memref<1x1x2x128xi32, #tpu.memory_space<hbm>>
        %dma_wait3A_262 = tpu.memref_squeeze %dma_wait3A_261 : memref<1x1x2x128xi32, #tpu.memory_space<hbm>> -> memref<2x128xi32, #tpu.memory_space<hbm>>
        tpu.wait_dma2 semaphore(%arg16 : memref<!tpu.dma_semaphore, #tpu.memory_space<semaphore_mem>>) src(%dma_wait3A_262 : memref<2x128xi32, #tpu.memory_space<hbm>>) dst(%arg7 : memref<2x128xi32, #tpu.memory_space<vmem>>)
        %dma_start3A_263 = arith.constant 0 : i32
        %dma_start3A_264 = arith.constant 0 : i32
        %dma_start3A_265 = tpu.memref_slice %arg7[%dma_start3A_263, %dma_start3A_264] : memref<2x128xi32, #tpu.memory_space<vmem>> -> memref<1x128xi32, #tpu.memory_space<vmem>>
        %dma_start3A_266 = tpu.memref_squeeze %dma_start3A_265 : memref<1x128xi32, #tpu.memory_space<vmem>> -> memref<128xi32, #tpu.memory_space<vmem>>
        %dma_start3A_267 = arith.constant 0 : i32
        %dma_start3A_268 = arith.constant 0 : i32
        %dma_start3A_269 = tpu.memref_slice %arg2[%dma_start3A_267, %dma_start3A_268] : memref<10016x128xf32, #tpu.memory_space<hbm>> -> memref<10016x128xf32, #tpu.memory_space<hbm>>
        tpu.enqueue_indirect_dma source(%dma_start3A_269 : memref<10016x128xf32, #tpu.memory_space<hbm>>) target(%arg5 : memref<128x128xf32, #tpu.memory_space<vmem>>) offsets(%dma_start3A_266 : memref<128xi32, #tpu.memory_space<vmem>>) semaphore(%arg12 : memref<!tpu.dma_semaphore, #tpu.memory_space<semaphore_mem>>)
      } else {
      }
      %mul3A_218 = arith.constant 4 : i32
      %mul3A_219 = arith.muli %add3A_91, %mul3A_218 : i32
      %add3A_220 = arith.constant 3 : i32
      %add3A_221 = arith.addi %mul3A_219, %add3A_220 : i32
      %dma_wait3A_222 = arith.constant 0 : i32
      %dma_wait3A_223 = arith.constant 0 : i32
      %dma_wait3A_224 = tpu.memref_slice %arg10[%dma_wait3A_222, %dma_wait3A_223] : memref<2x128xi32, #tpu.memory_space<vmem>> -> memref<1x128xi32, #tpu.memory_space<vmem>>
      %dma_wait3A_225 = tpu.memref_squeeze %dma_wait3A_224 : memref<1x128xi32, #tpu.memory_space<vmem>> -> memref<128xi32, #tpu.memory_space<vmem>>
      %dma_wait3A_226 = arith.constant 0 : i32
      %dma_wait3A_227 = arith.constant 0 : i32
      %dma_wait3A_228 = tpu.memref_slice %arg2[%dma_wait3A_226, %dma_wait3A_227] : memref<10016x128xf32, #tpu.memory_space<hbm>> -> memref<10016x128xf32, #tpu.memory_space<hbm>>
      tpu.wait_indirect_dma semaphore(%arg13 : memref<!tpu.dma_semaphore, #tpu.memory_space<semaphore_mem>>) src(%dma_wait3A_228 : memref<10016x128xf32, #tpu.memory_space<hbm>>) dst(%arg6 : memref<128x128xf32, #tpu.memory_space<vmem>>)
      %dma_start3A_229 = arith.constant 1 : i32
      %dma_start3A_230 = arith.constant 0 : i32
      %dma_start3A_231 = tpu.memref_slice %arg10[%dma_start3A_229, %dma_start3A_230] : memref<2x128xi32, #tpu.memory_space<vmem>> -> memref<1x128xi32, #tpu.memory_space<vmem>>
      %dma_start3A_232 = tpu.memref_squeeze %dma_start3A_231 : memref<1x128xi32, #tpu.memory_space<vmem>> -> memref<128xi32, #tpu.memory_space<vmem>>
      %dma_start3A_233 = arith.constant 0 : i32
      %dma_start3A_234 = arith.constant 0 : i32
      %dma_start3A_235 = tpu.memref_slice %arg11[%dma_start3A_233, %dma_start3A_234] : memref<10000x128xf32, #tpu.memory_space<vmem_shared>> -> memref<10000x128xf32, #tpu.memory_space<vmem_shared>>
      tpu.enqueue_indirect_dma source(%arg6 : memref<128x128xf32, #tpu.memory_space<vmem>>) target(%dma_start3A_235 : memref<10000x128xf32, #tpu.memory_space<vmem_shared>>) offsets(%dma_start3A_232 : memref<128xi32, #tpu.memory_space<vmem>>) semaphore(%arg15 : memref<!tpu.dma_semaphore, #tpu.memory_space<semaphore_mem>>) {add = true}
      %dma_wait3A_236 = arith.constant 1 : i32
      %dma_wait3A_237 = arith.constant 0 : i32
      %dma_wait3A_238 = tpu.memref_slice %arg10[%dma_wait3A_236, %dma_wait3A_237] : memref<2x128xi32, #tpu.memory_space<vmem>> -> memref<1x128xi32, #tpu.memory_space<vmem>>
      %dma_wait3A_239 = tpu.memref_squeeze %dma_wait3A_238 : memref<1x128xi32, #tpu.memory_space<vmem>> -> memref<128xi32, #tpu.memory_space<vmem>>
      %dma_wait3A_240 = arith.constant 0 : i32
      %dma_wait3A_241 = arith.constant 0 : i32
      %dma_wait3A_242 = tpu.memref_slice %arg11[%dma_wait3A_240, %dma_wait3A_241] : memref<10000x128xf32, #tpu.memory_space<vmem_shared>> -> memref<10000x128xf32, #tpu.memory_space<vmem_shared>>
      tpu.wait_indirect_dma semaphore(%arg15 : memref<!tpu.dma_semaphore, #tpu.memory_space<semaphore_mem>>) src(%arg6 : memref<128x128xf32, #tpu.memory_space<vmem>>) dst(%dma_wait3A_242 : memref<10000x128xf32, #tpu.memory_space<vmem_shared>>)
      %lt3A_243 = arith.constant 19 : i32
      %lt3A_244 = arith.cmpi slt, %add3A_91, %lt3A_243 : i32
      %convert_element_type3A_245 = arith.extui %lt3A_244 : i1 to i32
      %cond3A_246 = arith.constant 0 : i32
      %cond3A_247 = arith.cmpi ne, %convert_element_type3A_245, %cond3A_246 : i32
      scf.if %cond3A_247 {
        %add3A_253 = arith.constant 4 : i32
        %add3A_254 = arith.addi %add3A_221, %add3A_253 : i32
        %dma_start3A_255 = arith.constant 0 : i32
        %dma_start3A_256 = arith.constant 0 : i32
        %dma_start3A_257 = tpu.memref_slice %arg3[%add3A, %add3A_254, %dma_start3A_255, %dma_start3A_256] : memref<32x80x2x128xi32, #tpu.memory_space<hbm>> -> memref<1x1x2x128xi32, #tpu.memory_space<hbm>>
        %dma_start3A_258 = tpu.memref_squeeze %dma_start3A_257 : memref<1x1x2x128xi32, #tpu.memory_space<hbm>> -> memref<2x128xi32, #tpu.memory_space<hbm>>
        %dma_start3A_259 = arith.constant 0 : i32
        %dma_start3A_260 = arith.constant 0 : i32
        %dma_start3A_261 = tpu.memref_slice %arg3[%add3A, %add3A_254, %dma_start3A_259, %dma_start3A_260] : memref<32x80x2x128xi32, #tpu.memory_space<hbm>> -> memref<1x1x2x128xi32, #tpu.memory_space<hbm>>
        %dma_start3A_262 = tpu.memref_squeeze %dma_start3A_261 : memref<1x1x2x128xi32, #tpu.memory_space<hbm>> -> memref<2x128xi32, #tpu.memory_space<hbm>>
        tpu.enqueue_dma source(%dma_start3A_262 : memref<2x128xi32, #tpu.memory_space<hbm>>) target(%arg10 : memref<2x128xi32, #tpu.memory_space<vmem>>) target_semaphore(%arg19 : memref<!tpu.dma_semaphore, #tpu.memory_space<semaphore_mem>>)
      } else {
      }
      %lt3A_248 = arith.constant 19 : i32
      %lt3A_249 = arith.cmpi slt, %add3A_91, %lt3A_248 : i32
      %convert_element_type3A_250 = arith.extui %lt3A_249 : i1 to i32
      %cond3A_251 = arith.constant 0 : i32
      %cond3A_252 = arith.cmpi ne, %convert_element_type3A_250, %cond3A_251 : i32
      scf.if %cond3A_252 {
        %add3A_253 = arith.constant 2 : i32
        %add3A_254 = arith.addi %add3A_221, %add3A_253 : i32
        %dma_wait3A_255 = arith.constant 0 : i32
        %dma_wait3A_256 = arith.constant 0 : i32
        %dma_wait3A_257 = tpu.memref_slice %arg3[%add3A, %add3A_254, %dma_wait3A_255, %dma_wait3A_256] : memref<32x80x2x128xi32, #tpu.memory_space<hbm>> -> memref<1x1x2x128xi32, #tpu.memory_space<hbm>>
        %dma_wait3A_258 = tpu.memref_squeeze %dma_wait3A_257 : memref<1x1x2x128xi32, #tpu.memory_space<hbm>> -> memref<2x128xi32, #tpu.memory_space<hbm>>
        %dma_wait3A_259 = arith.constant 0 : i32
        %dma_wait3A_260 = arith.constant 0 : i32
        %dma_wait3A_261 = tpu.memref_slice %arg3[%add3A, %add3A_254, %dma_wait3A_259, %dma_wait3A_260] : memref<32x80x2x128xi32, #tpu.memory_space<hbm>> -> memref<1x1x2x128xi32, #tpu.memory_space<hbm>>
        %dma_wait3A_262 = tpu.memref_squeeze %dma_wait3A_261 : memref<1x1x2x128xi32, #tpu.memory_space<hbm>> -> memref<2x128xi32, #tpu.memory_space<hbm>>
        tpu.wait_dma2 semaphore(%arg17 : memref<!tpu.dma_semaphore, #tpu.memory_space<semaphore_mem>>) src(%dma_wait3A_262 : memref<2x128xi32, #tpu.memory_space<hbm>>) dst(%arg8 : memref<2x128xi32, #tpu.memory_space<vmem>>)
        %dma_start3A_263 = arith.constant 0 : i32
        %dma_start3A_264 = arith.constant 0 : i32
        %dma_start3A_265 = tpu.memref_slice %arg8[%dma_start3A_263, %dma_start3A_264] : memref<2x128xi32, #tpu.memory_space<vmem>> -> memref<1x128xi32, #tpu.memory_space<vmem>>
        %dma_start3A_266 = tpu.memref_squeeze %dma_start3A_265 : memref<1x128xi32, #tpu.memory_space<vmem>> -> memref<128xi32, #tpu.memory_space<vmem>>
        %dma_start3A_267 = arith.constant 0 : i32
        %dma_start3A_268 = arith.constant 0 : i32
        %dma_start3A_269 = tpu.memref_slice %arg2[%dma_start3A_267, %dma_start3A_268] : memref<10016x128xf32, #tpu.memory_space<hbm>> -> memref<10016x128xf32, #tpu.memory_space<hbm>>
        tpu.enqueue_indirect_dma source(%dma_start3A_269 : memref<10016x128xf32, #tpu.memory_space<hbm>>) target(%arg6 : memref<128x128xf32, #tpu.memory_space<vmem>>) offsets(%dma_start3A_266 : memref<128xi32, #tpu.memory_space<vmem>>) semaphore(%arg13 : memref<!tpu.dma_semaphore, #tpu.memory_space<semaphore_mem>>)
      } else {
      }
    }
    %scan3A_81 = arith.constant 20 : i32
    %barrier3A_82 = arith.constant 0 : index
    tpu.barrier barrier_id(%barrier3A_82)
    %mul3A_83 = arith.constant 625 : i32
    %mul3A_84 = arith.muli %arg1, %mul3A_83 : i32
    %mul3A_85 = arith.constant 625 : i32
    %mul3A_86 = arith.muli %arg1, %mul3A_85 : i32
    "tpu.region"() ({
      %run_scoped3A = tpu.sem_alloc : memref<!tpu.dma_semaphore, #tpu.memory_space<semaphore_mem>>
      %dma_start3A_87 = arith.constant 0 : i32
      %dma_start3A_88 = tpu.memref_slice %arg4[%arg0, %mul3A_86, %dma_start3A_87] : memref<2x10000x128xf32, #tpu.memory_space<hbm>> -> memref<1x625x128xf32, #tpu.memory_space<hbm>>
      %dma_start3A_89 = tpu.memref_squeeze %dma_start3A_88 : memref<1x625x128xf32, #tpu.memory_space<hbm>> -> memref<625x128xf32, #tpu.memory_space<hbm>>
      %dma_start3A_90 = arith.constant 0 : i32
      %dma_start3A_91 = tpu.memref_slice %arg11[%mul3A_84, %dma_start3A_90] : memref<10000x128xf32, #tpu.memory_space<vmem_shared>> -> memref<625x128xf32, #tpu.memory_space<vmem_shared>>
      tpu.enqueue_dma source(%dma_start3A_91 : memref<625x128xf32, #tpu.memory_space<vmem_shared>>) target(%dma_start3A_89 : memref<625x128xf32, #tpu.memory_space<hbm>>) target_semaphore(%run_scoped3A : memref<!tpu.dma_semaphore, #tpu.memory_space<semaphore_mem>>)
      %dma_wait3A_92 = arith.constant 0 : i32
      %dma_wait3A_93 = tpu.memref_slice %arg4[%arg0, %mul3A_86, %dma_wait3A_92] : memref<2x10000x128xf32, #tpu.memory_space<hbm>> -> memref<1x625x128xf32, #tpu.memory_space<hbm>>
      %dma_wait3A_94 = tpu.memref_squeeze %dma_wait3A_93 : memref<1x625x128xf32, #tpu.memory_space<hbm>> -> memref<625x128xf32, #tpu.memory_space<hbm>>
      %dma_wait3A_95 = arith.constant 0 : i32
      %dma_wait3A_96 = tpu.memref_slice %arg11[%mul3A_84, %dma_wait3A_95] : memref<10000x128xf32, #tpu.memory_space<vmem_shared>> -> memref<625x128xf32, #tpu.memory_space<vmem_shared>>
      tpu.wait_dma2 semaphore(%run_scoped3A : memref<!tpu.dma_semaphore, #tpu.memory_space<semaphore_mem>>) src(%dma_wait3A_96 : memref<625x128xf32, #tpu.memory_space<vmem_shared>>) dst(%dma_wait3A_94 : memref<625x128xf32, #tpu.memory_space<hbm>>)
      tpu.yield
    }) : () -> ()
    return
  }
}

module attributes {stable_mosaic.version = 14 : i64} {
  func.func @_first_body(%arg0: i32, %arg1: memref<2x200x16xf32, #tpu.memory_space<vmem>>, %arg2: memref<200x128xf32, #tpu.memory_space<vmem>>, %arg3: memref<128x128xf32, #tpu.memory_space<vmem>>, %arg4: memref<200x128xf32, #tpu.memory_space<vmem>>, %arg5: memref<200x16xf32, #tpu.memory_space<vmem>>) attributes {dimension_semantics = [#tpu.dimension_semantics<arbitrary>], iteration_bounds = array<i64: 50>, scalar_prefetch = 0 : i64, scratch_operands = 0 : i64, tpu.core_type = #tpu.core_type<tc>, window_params = [{transform_indices = @transform_0, window_bounds = array<i64: 2, 200, 16>}, {transform_indices = @transform_1, window_bounds = array<i64: 200, 128>}, {pipeline_mode = #tpu.pipeline_mode<synchronous>, transform_indices = @transform_2, window_bounds = array<i64: 128, 128>}, {transform_indices = @transform_3, window_bounds = array<i64: 200, 128>}, {transform_indices = @transform_4, window_bounds = array<i64: 200, 16>}]} {
    %get3A = arith.constant 0 : index
    %get3A_0 = arith.constant 0 : index
    %get3A_1 = arith.constant 0 : index
    %get3A_2 = vector.load %arg1[%get3A, %get3A_0, %get3A_1] : memref<2x200x16xf32, #tpu.memory_space<vmem>>, vector<1x200x16xf32>
    %get3A_3 = vector.shape_cast %get3A_2 : vector<1x200x16xf32> to vector<200x16xf32>
    %get3A_4 = arith.constant 1 : index
    %get3A_5 = arith.constant 0 : index
    %get3A_6 = arith.constant 0 : index
    %get3A_7 = vector.load %arg1[%get3A_4, %get3A_5, %get3A_6] : memref<2x200x16xf32, #tpu.memory_space<vmem>>, vector<1x200x16xf32>
    %get3A_8 = vector.shape_cast %get3A_7 : vector<1x200x16xf32> to vector<200x16xf32>
    %add3A = arith.addf %get3A_3, %get3A_8 : vector<200x16xf32>
    %add3A_9 = arith.constant 1.000000e+00 : f32
    %add3A_10 = vector.broadcast %add3A_9 : f32 to vector<200x16xf32>
    %add3A_11 = arith.addf %add3A, %add3A_10 : vector<200x16xf32>
    %rsqrt3A = math.rsqrt %add3A_11 : vector<200x16xf32>
    %swap3A = arith.constant 0 : index
    %swap3A_12 = arith.constant 0 : index
    %swap3A_13 = vector.load %arg5[%swap3A, %swap3A_12] : memref<200x16xf32, #tpu.memory_space<vmem>>, vector<200x16xf32>
    tpu.vector_store %arg5[%swap3A, %swap3A_12], %rsqrt3A {strides = array<i32>} : memref<200x16xf32, #tpu.memory_space<vmem>>, vector<200x16xf32>,
    %get3A_14 = arith.constant 0 : index
    %get3A_15 = arith.constant 0 : index
    %get3A_16 = vector.load %arg2[%get3A_14, %get3A_15] : memref<200x128xf32, #tpu.memory_space<vmem>>, vector<200x128xf32>
    %get3A_17 = arith.constant 0 : index
    %get3A_18 = arith.constant 0 : index
    %get3A_19 = vector.load %arg3[%get3A_17, %get3A_18] : memref<128x128xf32, #tpu.memory_space<vmem>>, vector<128x128xf32>
    %dot_general3A = arith.constant dense<0.000000e+00> : vector<200x128xf32>
    %dot_general3A_20 = tpu.matmul %get3A_16, %get3A_19, %dot_general3A {dimension_numbers = #tpu.dot_dimension_numbers<[1], [0], [0], [1], [0, 0, 1, 1], [], []>, transpose_lhs_hint = false} : vector<200x128xf32>, vector<128x128xf32>, vector<200x128xf32> -> vector<200x128xf32>
    %slice3A = vector.extract_strided_slice %rsqrt3A {offsets = [0, 0], sizes = [200, 1], strides = [1, 1]} : vector<200x16xf32> to vector<200x1xf32>
    %mul3A = vector.broadcast %slice3A : vector<200x1xf32> to vector<200x128xf32>
    %mul3A_21 = arith.mulf %dot_general3A_20, %mul3A : vector<200x128xf32>
    %swap3A_22 = arith.constant 0 : index
    %swap3A_23 = arith.constant 0 : index
    %swap3A_24 = vector.load %arg4[%swap3A_22, %swap3A_23] : memref<200x128xf32, #tpu.memory_space<vmem>>, vector<200x128xf32>
    tpu.vector_store %arg4[%swap3A_22, %swap3A_23], %mul3A_21 {strides = array<i32>} : memref<200x128xf32, #tpu.memory_space<vmem>>, vector<200x128xf32>,
    return
  }
  func.func @transform_0(%arg0: i32) -> (i32, i32, i32) {
    %c0_i32 = arith.constant 0 : i32
    %c0_i32_0 = arith.constant 0 : i32
    %c0_i32_1 = arith.constant 0 : i32
    return %c0_i32, %arg0, %c0_i32_0 : i32, i32, i32
  }
  func.func @transform_1(%arg0: i32) -> (i32, i32) {
    %c0_i32 = arith.constant 0 : i32
    %c0_i32_0 = arith.constant 0 : i32
    return %arg0, %c0_i32 : i32, i32
  }
  func.func @transform_2(%arg0: i32) -> (i32, i32) {
    %c0_i32 = arith.constant 0 : i32
    %c0_i32_0 = arith.constant 0 : i32
    %c0_i32_1 = arith.constant 0 : i32
    return %c0_i32, %c0_i32_0 : i32, i32
  }
  func.func @transform_3(%arg0: i32) -> (i32, i32) {
    %c0_i32 = arith.constant 0 : i32
    %c0_i32_0 = arith.constant 0 : i32
    return %arg0, %c0_i32 : i32, i32
  }
  func.func @transform_4(%arg0: i32) -> (i32, i32) {
    %c0_i32 = arith.constant 0 : i32
    %c0_i32_0 = arith.constant 0 : i32
    return %arg0, %c0_i32 : i32, i32
  }
}

module attributes {stable_mosaic.version = 14 : i64} {
  func.func @_mid_body(%arg0: i32, %arg1: memref<2x200x128xf32, #tpu.memory_space<vmem>>, %arg2: memref<200x128xf32, #tpu.memory_space<vmem>>, %arg3: memref<200x16xf32, #tpu.memory_space<vmem>>, %arg4: memref<1x128xf32, #tpu.memory_space<vmem>>, %arg5: memref<1x128xf32, #tpu.memory_space<vmem>>, %arg6: memref<1x128xf32, #tpu.memory_space<vmem>>, %arg7: memref<128x128xf32, #tpu.memory_space<vmem>>, %arg8: memref<200x128xf32, #tpu.memory_space<vmem>>) attributes {dimension_semantics = [#tpu.dimension_semantics<arbitrary>], iteration_bounds = array<i64: 50>, scalar_prefetch = 0 : i64, scratch_operands = 0 : i64, tpu.core_type = #tpu.core_type<tc>, window_params = [{transform_indices = @transform_0, window_bounds = array<i64: 2, 200, 128>}, {transform_indices = @transform_1, window_bounds = array<i64: 200, 128>}, {transform_indices = @transform_2, window_bounds = array<i64: 200, 16>}, {pipeline_mode = #tpu.pipeline_mode<synchronous>, transform_indices = @transform_3, window_bounds = array<i64: 1, 128>}, {pipeline_mode = #tpu.pipeline_mode<synchronous>, transform_indices = @transform_4, window_bounds = array<i64: 1, 128>}, {pipeline_mode = #tpu.pipeline_mode<synchronous>, transform_indices = @transform_5, window_bounds = array<i64: 1, 128>}, {pipeline_mode = #tpu.pipeline_mode<synchronous>, transform_indices = @transform_6, window_bounds = array<i64: 128, 128>}, {transform_indices = @transform_7, window_bounds = array<i64: 200, 128>}]} {
    %get3A = arith.constant 0 : index
    %get3A_0 = arith.constant 0 : index
    %get3A_1 = vector.load %arg3[%get3A, %get3A_0] : memref<200x16xf32, #tpu.memory_space<vmem>>, vector<200x16xf32>
    %slice3A = vector.extract_strided_slice %get3A_1 {offsets = [0, 0], sizes = [200, 1], strides = [1, 1]} : vector<200x16xf32> to vector<200x1xf32>
    %get3A_2 = arith.constant 0 : index
    %get3A_3 = arith.constant 0 : index
    %get3A_4 = arith.constant 0 : index
    %get3A_5 = vector.load %arg1[%get3A_2, %get3A_3, %get3A_4] : memref<2x200x128xf32, #tpu.memory_space<vmem>>, vector<1x200x128xf32>
    %get3A_6 = vector.shape_cast %get3A_5 : vector<1x200x128xf32> to vector<200x128xf32>
    %get3A_7 = arith.constant 1 : index
    %get3A_8 = arith.constant 0 : index
    %get3A_9 = arith.constant 0 : index
    %get3A_10 = vector.load %arg1[%get3A_7, %get3A_8, %get3A_9] : memref<2x200x128xf32, #tpu.memory_space<vmem>>, vector<1x200x128xf32>
    %get3A_11 = vector.shape_cast %get3A_10 : vector<1x200x128xf32> to vector<200x128xf32>
    %add3A = arith.addf %get3A_6, %get3A_11 : vector<200x128xf32>
    %get3A_12 = arith.constant 0 : index
    %get3A_13 = arith.constant 0 : index
    %get3A_14 = vector.load %arg2[%get3A_12, %get3A_13] : memref<200x128xf32, #tpu.memory_space<vmem>>, vector<200x128xf32>
    %add3A_15 = arith.addf %add3A, %get3A_14 : vector<200x128xf32>
    %mul3A = vector.broadcast %slice3A : vector<200x1xf32> to vector<200x128xf32>
    %mul3A_16 = arith.mulf %add3A_15, %mul3A : vector<200x128xf32>
    %get3A_17 = arith.constant 0 : index
    %get3A_18 = arith.constant 0 : index
    %get3A_19 = vector.load %arg4[%get3A_17, %get3A_18] : memref<1x128xf32, #tpu.memory_space<vmem>>, vector<1x128xf32>
    %add3A_20 = vector.broadcast %get3A_19 : vector<1x128xf32> to vector<200x128xf32>
    %add3A_21 = arith.addf %mul3A_16, %add3A_20 : vector<200x128xf32>
    %gt3A = arith.constant 0.000000e+00 : f32
    %gt3A_22 = vector.broadcast %gt3A : f32 to vector<200x128xf32>
    %gt3A_23 = arith.cmpf ogt, %add3A_21, %gt3A_22 : vector<200x128xf32>
    %min3A = arith.constant 0.000000e+00 : f32
    %min3A_24 = vector.broadcast %min3A : f32 to vector<200x128xf32>
    %min3A_25 = arith.minimumf %add3A_21, %min3A_24 : vector<200x128xf32>
    %exp3A = math.exp %min3A_25 : vector<200x128xf32>
    %sub3A = arith.constant 1.000000e+00 : f32
    %sub3A_26 = vector.broadcast %sub3A : f32 to vector<200x128xf32>
    %sub3A_27 = arith.subf %exp3A, %sub3A_26 : vector<200x128xf32>
    %select_n3A = arith.select %gt3A_23, %add3A_21, %sub3A_27 : vector<200x128xi1>, vector<200x128xf32>
    %reduce_sum3A = arith.constant dense<0.000000e+00> : vector<200xf32>
    %reduce_sum3A_28 = vector.multi_reduction <add>, %select_n3A, %reduce_sum3A [1] : vector<200x128xf32> to vector<200xf32>
    %broadcast_in_dim3A = vector.shape_cast %reduce_sum3A_28 : vector<200xf32> to vector<200x1xf32>
    %div3A = arith.constant 1.280000e+02 : f32
    %div3A_29 = vector.broadcast %div3A : f32 to vector<200x1xf32>
    %div3A_30 = arith.divf %broadcast_in_dim3A, %div3A_29 : vector<200x1xf32>
    %sub3A_31 = vector.broadcast %div3A_30 : vector<200x1xf32> to vector<200x128xf32>
    %sub3A_32 = arith.subf %select_n3A, %sub3A_31 : vector<200x128xf32>
    %mul3A_33 = arith.mulf %sub3A_32, %sub3A_32 : vector<200x128xf32>
    %reduce_sum3A_34 = arith.constant dense<0.000000e+00> : vector<200xf32>
    %reduce_sum3A_35 = vector.multi_reduction <add>, %mul3A_33, %reduce_sum3A_34 [1] : vector<200x128xf32> to vector<200xf32>
    %broadcast_in_dim3A_36 = vector.shape_cast %reduce_sum3A_35 : vector<200xf32> to vector<200x1xf32>
    %div3A_37 = arith.constant 1.280000e+02 : f32
    %div3A_38 = vector.broadcast %div3A_37 : f32 to vector<200x1xf32>
    %div3A_39 = arith.divf %broadcast_in_dim3A_36, %div3A_38 : vector<200x1xf32>
    %add3A_40 = arith.constant 9.99999974E-6 : f32
    %add3A_41 = vector.broadcast %add3A_40 : f32 to vector<200x1xf32>
    %add3A_42 = arith.addf %div3A_39, %add3A_41 : vector<200x1xf32>
    %rsqrt3A = math.rsqrt %add3A_42 : vector<200x1xf32>
    %mul3A_43 = vector.broadcast %rsqrt3A : vector<200x1xf32> to vector<200x128xf32>
    %mul3A_44 = arith.mulf %sub3A_32, %mul3A_43 : vector<200x128xf32>
    %get3A_45 = arith.constant 0 : index
    %get3A_46 = arith.constant 0 : index
    %get3A_47 = vector.load %arg5[%get3A_45, %get3A_46] : memref<1x128xf32, #tpu.memory_space<vmem>>, vector<1x128xf32>
    %mul3A_48 = vector.broadcast %get3A_47 : vector<1x128xf32> to vector<200x128xf32>
    %mul3A_49 = arith.mulf %mul3A_44, %mul3A_48 : vector<200x128xf32>
    %get3A_50 = arith.constant 0 : index
    %get3A_51 = arith.constant 0 : index
    %get3A_52 = vector.load %arg6[%get3A_50, %get3A_51] : memref<1x128xf32, #tpu.memory_space<vmem>>, vector<1x128xf32>
    %add3A_53 = vector.broadcast %get3A_52 : vector<1x128xf32> to vector<200x128xf32>
    %add3A_54 = arith.addf %mul3A_49, %add3A_53 : vector<200x128xf32>
    %get3A_55 = arith.constant 0 : index
    %get3A_56 = arith.constant 0 : index
    %get3A_57 = vector.load %arg7[%get3A_55, %get3A_56] : memref<128x128xf32, #tpu.memory_space<vmem>>, vector<128x128xf32>
    %dot_general3A = arith.constant dense<0.000000e+00> : vector<200x128xf32>
    %dot_general3A_58 = tpu.matmul %add3A_54, %get3A_57, %dot_general3A {dimension_numbers = #tpu.dot_dimension_numbers<[1], [0], [0], [1], [0, 0, 1, 1], [], []>, transpose_lhs_hint = false} : vector<200x128xf32>, vector<128x128xf32>, vector<200x128xf32> -> vector<200x128xf32>
    %mul3A_59 = vector.broadcast %slice3A : vector<200x1xf32> to vector<200x128xf32>
    %mul3A_60 = arith.mulf %dot_general3A_58, %mul3A_59 : vector<200x128xf32>
    %swap3A = arith.constant 0 : index
    %swap3A_61 = arith.constant 0 : index
    %swap3A_62 = vector.load %arg8[%swap3A, %swap3A_61] : memref<200x128xf32, #tpu.memory_space<vmem>>, vector<200x128xf32>
    tpu.vector_store %arg8[%swap3A, %swap3A_61], %mul3A_60 {strides = array<i32>} : memref<200x128xf32, #tpu.memory_space<vmem>>, vector<200x128xf32>,
    return
  }
  func.func @transform_0(%arg0: i32) -> (i32, i32, i32) {
    %c0_i32 = arith.constant 0 : i32
    %c0_i32_0 = arith.constant 0 : i32
    %c0_i32_1 = arith.constant 0 : i32
    return %c0_i32, %arg0, %c0_i32_0 : i32, i32, i32
  }
  func.func @transform_1(%arg0: i32) -> (i32, i32) {
    %c0_i32 = arith.constant 0 : i32
    %c0_i32_0 = arith.constant 0 : i32
    return %arg0, %c0_i32 : i32, i32
  }
  func.func @transform_2(%arg0: i32) -> (i32, i32) {
    %c0_i32 = arith.constant 0 : i32
    %c0_i32_0 = arith.constant 0 : i32
    return %arg0, %c0_i32 : i32, i32
  }
  func.func @transform_3(%arg0: i32) -> (i32, i32) {
    %c0_i32 = arith.constant 0 : i32
    %c0_i32_0 = arith.constant 0 : i32
    %c0_i32_1 = arith.constant 0 : i32
    return %c0_i32, %c0_i32_0 : i32, i32
  }
  func.func @transform_4(%arg0: i32) -> (i32, i32) {
    %c0_i32 = arith.constant 0 : i32
    %c0_i32_0 = arith.constant 0 : i32
    %c0_i32_1 = arith.constant 0 : i32
    return %c0_i32, %c0_i32_0 : i32, i32
  }
  func.func @transform_5(%arg0: i32) -> (i32, i32) {
    %c0_i32 = arith.constant 0 : i32
    %c0_i32_0 = arith.constant 0 : i32
    %c0_i32_1 = arith.constant 0 : i32
    return %c0_i32, %c0_i32_0 : i32, i32
  }
  func.func @transform_6(%arg0: i32) -> (i32, i32) {
    %c0_i32 = arith.constant 0 : i32
    %c0_i32_0 = arith.constant 0 : i32
    %c0_i32_1 = arith.constant 0 : i32
    return %c0_i32, %c0_i32_0 : i32, i32
  }
  func.func @transform_7(%arg0: i32) -> (i32, i32) {
    %c0_i32 = arith.constant 0 : i32
    %c0_i32_0 = arith.constant 0 : i32
    return %arg0, %c0_i32 : i32, i32
  }
}

module attributes {stable_mosaic.version = 14 : i64} {
  func.func @_mid_body(%arg0: i32, %arg1: memref<2x200x128xf32, #tpu.memory_space<vmem>>, %arg2: memref<200x128xf32, #tpu.memory_space<vmem>>, %arg3: memref<200x16xf32, #tpu.memory_space<vmem>>, %arg4: memref<1x128xf32, #tpu.memory_space<vmem>>, %arg5: memref<1x128xf32, #tpu.memory_space<vmem>>, %arg6: memref<1x128xf32, #tpu.memory_space<vmem>>, %arg7: memref<128x48xf32, #tpu.memory_space<vmem>>, %arg8: memref<200x48xf32, #tpu.memory_space<vmem>>) attributes {dimension_semantics = [#tpu.dimension_semantics<arbitrary>], iteration_bounds = array<i64: 50>, scalar_prefetch = 0 : i64, scratch_operands = 0 : i64, tpu.core_type = #tpu.core_type<tc>, window_params = [{transform_indices = @transform_0, window_bounds = array<i64: 2, 200, 128>}, {transform_indices = @transform_1, window_bounds = array<i64: 200, 128>}, {transform_indices = @transform_2, window_bounds = array<i64: 200, 16>}, {pipeline_mode = #tpu.pipeline_mode<synchronous>, transform_indices = @transform_3, window_bounds = array<i64: 1, 128>}, {pipeline_mode = #tpu.pipeline_mode<synchronous>, transform_indices = @transform_4, window_bounds = array<i64: 1, 128>}, {pipeline_mode = #tpu.pipeline_mode<synchronous>, transform_indices = @transform_5, window_bounds = array<i64: 1, 128>}, {pipeline_mode = #tpu.pipeline_mode<synchronous>, transform_indices = @transform_6, window_bounds = array<i64: 128, 48>}, {transform_indices = @transform_7, window_bounds = array<i64: 200, 48>}]} {
    %get3A = arith.constant 0 : index
    %get3A_0 = arith.constant 0 : index
    %get3A_1 = vector.load %arg3[%get3A, %get3A_0] : memref<200x16xf32, #tpu.memory_space<vmem>>, vector<200x16xf32>
    %slice3A = vector.extract_strided_slice %get3A_1 {offsets = [0, 0], sizes = [200, 1], strides = [1, 1]} : vector<200x16xf32> to vector<200x1xf32>
    %get3A_2 = arith.constant 0 : index
    %get3A_3 = arith.constant 0 : index
    %get3A_4 = arith.constant 0 : index
    %get3A_5 = vector.load %arg1[%get3A_2, %get3A_3, %get3A_4] : memref<2x200x128xf32, #tpu.memory_space<vmem>>, vector<1x200x128xf32>
    %get3A_6 = vector.shape_cast %get3A_5 : vector<1x200x128xf32> to vector<200x128xf32>
    %get3A_7 = arith.constant 1 : index
    %get3A_8 = arith.constant 0 : index
    %get3A_9 = arith.constant 0 : index
    %get3A_10 = vector.load %arg1[%get3A_7, %get3A_8, %get3A_9] : memref<2x200x128xf32, #tpu.memory_space<vmem>>, vector<1x200x128xf32>
    %get3A_11 = vector.shape_cast %get3A_10 : vector<1x200x128xf32> to vector<200x128xf32>
    %add3A = arith.addf %get3A_6, %get3A_11 : vector<200x128xf32>
    %get3A_12 = arith.constant 0 : index
    %get3A_13 = arith.constant 0 : index
    %get3A_14 = vector.load %arg2[%get3A_12, %get3A_13] : memref<200x128xf32, #tpu.memory_space<vmem>>, vector<200x128xf32>
    %add3A_15 = arith.addf %add3A, %get3A_14 : vector<200x128xf32>
    %mul3A = vector.broadcast %slice3A : vector<200x1xf32> to vector<200x128xf32>
    %mul3A_16 = arith.mulf %add3A_15, %mul3A : vector<200x128xf32>
    %get3A_17 = arith.constant 0 : index
    %get3A_18 = arith.constant 0 : index
    %get3A_19 = vector.load %arg4[%get3A_17, %get3A_18] : memref<1x128xf32, #tpu.memory_space<vmem>>, vector<1x128xf32>
    %add3A_20 = vector.broadcast %get3A_19 : vector<1x128xf32> to vector<200x128xf32>
    %add3A_21 = arith.addf %mul3A_16, %add3A_20 : vector<200x128xf32>
    %gt3A = arith.constant 0.000000e+00 : f32
    %gt3A_22 = vector.broadcast %gt3A : f32 to vector<200x128xf32>
    %gt3A_23 = arith.cmpf ogt, %add3A_21, %gt3A_22 : vector<200x128xf32>
    %min3A = arith.constant 0.000000e+00 : f32
    %min3A_24 = vector.broadcast %min3A : f32 to vector<200x128xf32>
    %min3A_25 = arith.minimumf %add3A_21, %min3A_24 : vector<200x128xf32>
    %exp3A = math.exp %min3A_25 : vector<200x128xf32>
    %sub3A = arith.constant 1.000000e+00 : f32
    %sub3A_26 = vector.broadcast %sub3A : f32 to vector<200x128xf32>
    %sub3A_27 = arith.subf %exp3A, %sub3A_26 : vector<200x128xf32>
    %select_n3A = arith.select %gt3A_23, %add3A_21, %sub3A_27 : vector<200x128xi1>, vector<200x128xf32>
    %reduce_sum3A = arith.constant dense<0.000000e+00> : vector<200xf32>
    %reduce_sum3A_28 = vector.multi_reduction <add>, %select_n3A, %reduce_sum3A [1] : vector<200x128xf32> to vector<200xf32>
    %broadcast_in_dim3A = vector.shape_cast %reduce_sum3A_28 : vector<200xf32> to vector<200x1xf32>
    %div3A = arith.constant 1.280000e+02 : f32
    %div3A_29 = vector.broadcast %div3A : f32 to vector<200x1xf32>
    %div3A_30 = arith.divf %broadcast_in_dim3A, %div3A_29 : vector<200x1xf32>
    %sub3A_31 = vector.broadcast %div3A_30 : vector<200x1xf32> to vector<200x128xf32>
    %sub3A_32 = arith.subf %select_n3A, %sub3A_31 : vector<200x128xf32>
    %mul3A_33 = arith.mulf %sub3A_32, %sub3A_32 : vector<200x128xf32>
    %reduce_sum3A_34 = arith.constant dense<0.000000e+00> : vector<200xf32>
    %reduce_sum3A_35 = vector.multi_reduction <add>, %mul3A_33, %reduce_sum3A_34 [1] : vector<200x128xf32> to vector<200xf32>
    %broadcast_in_dim3A_36 = vector.shape_cast %reduce_sum3A_35 : vector<200xf32> to vector<200x1xf32>
    %div3A_37 = arith.constant 1.280000e+02 : f32
    %div3A_38 = vector.broadcast %div3A_37 : f32 to vector<200x1xf32>
    %div3A_39 = arith.divf %broadcast_in_dim3A_36, %div3A_38 : vector<200x1xf32>
    %add3A_40 = arith.constant 9.99999974E-6 : f32
    %add3A_41 = vector.broadcast %add3A_40 : f32 to vector<200x1xf32>
    %add3A_42 = arith.addf %div3A_39, %add3A_41 : vector<200x1xf32>
    %rsqrt3A = math.rsqrt %add3A_42 : vector<200x1xf32>
    %mul3A_43 = vector.broadcast %rsqrt3A : vector<200x1xf32> to vector<200x128xf32>
    %mul3A_44 = arith.mulf %sub3A_32, %mul3A_43 : vector<200x128xf32>
    %get3A_45 = arith.constant 0 : index
    %get3A_46 = arith.constant 0 : index
    %get3A_47 = vector.load %arg5[%get3A_45, %get3A_46] : memref<1x128xf32, #tpu.memory_space<vmem>>, vector<1x128xf32>
    %mul3A_48 = vector.broadcast %get3A_47 : vector<1x128xf32> to vector<200x128xf32>
    %mul3A_49 = arith.mulf %mul3A_44, %mul3A_48 : vector<200x128xf32>
    %get3A_50 = arith.constant 0 : index
    %get3A_51 = arith.constant 0 : index
    %get3A_52 = vector.load %arg6[%get3A_50, %get3A_51] : memref<1x128xf32, #tpu.memory_space<vmem>>, vector<1x128xf32>
    %add3A_53 = vector.broadcast %get3A_52 : vector<1x128xf32> to vector<200x128xf32>
    %add3A_54 = arith.addf %mul3A_49, %add3A_53 : vector<200x128xf32>
    %get3A_55 = arith.constant 0 : index
    %get3A_56 = arith.constant 0 : index
    %get3A_57 = vector.load %arg7[%get3A_55, %get3A_56] : memref<128x48xf32, #tpu.memory_space<vmem>>, vector<128x48xf32>
    %dot_general3A = arith.constant dense<0.000000e+00> : vector<200x48xf32>
    %dot_general3A_58 = tpu.matmul %add3A_54, %get3A_57, %dot_general3A {dimension_numbers = #tpu.dot_dimension_numbers<[1], [0], [0], [1], [0, 0, 1, 1], [], []>, transpose_lhs_hint = false} : vector<200x128xf32>, vector<128x48xf32>, vector<200x48xf32> -> vector<200x48xf32>
    %mul3A_59 = vector.broadcast %slice3A : vector<200x1xf32> to vector<200x48xf32>
    %mul3A_60 = arith.mulf %dot_general3A_58, %mul3A_59 : vector<200x48xf32>
    %swap3A = arith.constant 0 : index
    %swap3A_61 = arith.constant 0 : index
    %swap3A_62 = vector.load %arg8[%swap3A, %swap3A_61] : memref<200x48xf32, #tpu.memory_space<vmem>>, vector<200x48xf32>
    tpu.vector_store %arg8[%swap3A, %swap3A_61], %mul3A_60 {strides = array<i32>} : memref<200x48xf32, #tpu.memory_space<vmem>>, vector<200x48xf32>,
    return
  }
  func.func @transform_0(%arg0: i32) -> (i32, i32, i32) {
    %c0_i32 = arith.constant 0 : i32
    %c0_i32_0 = arith.constant 0 : i32
    %c0_i32_1 = arith.constant 0 : i32
    return %c0_i32, %arg0, %c0_i32_0 : i32, i32, i32
  }
  func.func @transform_1(%arg0: i32) -> (i32, i32) {
    %c0_i32 = arith.constant 0 : i32
    %c0_i32_0 = arith.constant 0 : i32
    return %arg0, %c0_i32 : i32, i32
  }
  func.func @transform_2(%arg0: i32) -> (i32, i32) {
    %c0_i32 = arith.constant 0 : i32
    %c0_i32_0 = arith.constant 0 : i32
    return %arg0, %c0_i32 : i32, i32
  }
  func.func @transform_3(%arg0: i32) -> (i32, i32) {
    %c0_i32 = arith.constant 0 : i32
    %c0_i32_0 = arith.constant 0 : i32
    %c0_i32_1 = arith.constant 0 : i32
    return %c0_i32, %c0_i32_0 : i32, i32
  }
  func.func @transform_4(%arg0: i32) -> (i32, i32) {
    %c0_i32 = arith.constant 0 : i32
    %c0_i32_0 = arith.constant 0 : i32
    %c0_i32_1 = arith.constant 0 : i32
    return %c0_i32, %c0_i32_0 : i32, i32
  }
  func.func @transform_5(%arg0: i32) -> (i32, i32) {
    %c0_i32 = arith.constant 0 : i32
    %c0_i32_0 = arith.constant 0 : i32
    %c0_i32_1 = arith.constant 0 : i32
    return %c0_i32, %c0_i32_0 : i32, i32
  }
  func.func @transform_6(%arg0: i32) -> (i32, i32) {
    %c0_i32 = arith.constant 0 : i32
    %c0_i32_0 = arith.constant 0 : i32
    %c0_i32_1 = arith.constant 0 : i32
    return %c0_i32, %c0_i32_0 : i32, i32
  }
  func.func @transform_7(%arg0: i32) -> (i32, i32) {
    %c0_i32 = arith.constant 0 : i32
    %c0_i32_0 = arith.constant 0 : i32
    return %arg0, %c0_i32 : i32, i32
  }
}

module attributes {stable_mosaic.version = 14 : i64} {
  func.func @_final_body(%arg0: i32, %arg1: memref<2x200x48xf32, #tpu.memory_space<vmem>>, %arg2: memref<200x48xf32, #tpu.memory_space<vmem>>, %arg3: memref<200x16xf32, #tpu.memory_space<vmem>>, %arg4: memref<1x48xf32, #tpu.memory_space<vmem>>, %arg5: memref<200x48xf32, #tpu.memory_space<vmem>>) attributes {dimension_semantics = [#tpu.dimension_semantics<arbitrary>], iteration_bounds = array<i64: 50>, scalar_prefetch = 0 : i64, scratch_operands = 0 : i64, tpu.core_type = #tpu.core_type<tc>, window_params = [{transform_indices = @transform_0, window_bounds = array<i64: 2, 200, 48>}, {transform_indices = @transform_1, window_bounds = array<i64: 200, 48>}, {transform_indices = @transform_2, window_bounds = array<i64: 200, 16>}, {pipeline_mode = #tpu.pipeline_mode<synchronous>, transform_indices = @transform_3, window_bounds = array<i64: 1, 48>}, {transform_indices = @transform_4, window_bounds = array<i64: 200, 48>}]} {
    %get3A = arith.constant 0 : index
    %get3A_0 = arith.constant 0 : index
    %get3A_1 = vector.load %arg3[%get3A, %get3A_0] : memref<200x16xf32, #tpu.memory_space<vmem>>, vector<200x16xf32>
    %slice3A = vector.extract_strided_slice %get3A_1 {offsets = [0, 0], sizes = [200, 1], strides = [1, 1]} : vector<200x16xf32> to vector<200x1xf32>
    %get3A_2 = arith.constant 0 : index
    %get3A_3 = arith.constant 0 : index
    %get3A_4 = arith.constant 0 : index
    %get3A_5 = vector.load %arg1[%get3A_2, %get3A_3, %get3A_4] : memref<2x200x48xf32, #tpu.memory_space<vmem>>, vector<1x200x48xf32>
    %get3A_6 = vector.shape_cast %get3A_5 : vector<1x200x48xf32> to vector<200x48xf32>
    %get3A_7 = arith.constant 1 : index
    %get3A_8 = arith.constant 0 : index
    %get3A_9 = arith.constant 0 : index
    %get3A_10 = vector.load %arg1[%get3A_7, %get3A_8, %get3A_9] : memref<2x200x48xf32, #tpu.memory_space<vmem>>, vector<1x200x48xf32>
    %get3A_11 = vector.shape_cast %get3A_10 : vector<1x200x48xf32> to vector<200x48xf32>
    %add3A = arith.addf %get3A_6, %get3A_11 : vector<200x48xf32>
    %get3A_12 = arith.constant 0 : index
    %get3A_13 = arith.constant 0 : index
    %get3A_14 = vector.load %arg2[%get3A_12, %get3A_13] : memref<200x48xf32, #tpu.memory_space<vmem>>, vector<200x48xf32>
    %add3A_15 = arith.addf %add3A, %get3A_14 : vector<200x48xf32>
    %mul3A = vector.broadcast %slice3A : vector<200x1xf32> to vector<200x48xf32>
    %mul3A_16 = arith.mulf %add3A_15, %mul3A : vector<200x48xf32>
    %get3A_17 = arith.constant 0 : index
    %get3A_18 = arith.constant 0 : index
    %get3A_19 = vector.load %arg4[%get3A_17, %get3A_18] : memref<1x48xf32, #tpu.memory_space<vmem>>, vector<1x48xf32>
    %add3A_20 = vector.broadcast %get3A_19 : vector<1x48xf32> to vector<200x48xf32>
    %add3A_21 = arith.addf %mul3A_16, %add3A_20 : vector<200x48xf32>
    %swap3A = arith.constant 0 : index
    %swap3A_22 = arith.constant 0 : index
    %swap3A_23 = vector.load %arg5[%swap3A, %swap3A_22] : memref<200x48xf32, #tpu.memory_space<vmem>>, vector<200x48xf32>
    tpu.vector_store %arg5[%swap3A, %swap3A_22], %add3A_21 {strides = array<i32>} : memref<200x48xf32, #tpu.memory_space<vmem>>, vector<200x48xf32>,
    return
  }
  func.func @transform_0(%arg0: i32) -> (i32, i32, i32) {
    %c0_i32 = arith.constant 0 : i32
    %c0_i32_0 = arith.constant 0 : i32
    %c0_i32_1 = arith.constant 0 : i32
    return %c0_i32, %arg0, %c0_i32_0 : i32, i32, i32
  }
  func.func @transform_1(%arg0: i32) -> (i32, i32) {
    %c0_i32 = arith.constant 0 : i32
    %c0_i32_0 = arith.constant 0 : i32
    return %arg0, %c0_i32 : i32, i32
  }
  func.func @transform_2(%arg0: i32) -> (i32, i32) {
    %c0_i32 = arith.constant 0 : i32
    %c0_i32_0 = arith.constant 0 : i32
    return %arg0, %c0_i32 : i32, i32
  }
  func.func @transform_3(%arg0: i32) -> (i32, i32) {
    %c0_i32 = arith.constant 0 : i32
    %c0_i32_0 = arith.constant 0 : i32
    %c0_i32_1 = arith.constant 0 : i32
    return %c0_i32, %c0_i32_0 : i32, i32
  }
  func.func @transform_4(%arg0: i32) -> (i32, i32) {
    %c0_i32 = arith.constant 0 : i32
    %c0_i32_0 = arith.constant 0 : i32
    return %arg0, %c0_i32 : i32, i32
  }
}

</mosaic_0001>

<sc_bundles>
// kernel: kernel.10.cloned.1.call-start
scs
__scs_entry_jumppad:
0x0: {  	(pc) =	sbr.rel $0x88, $3  }
0x1: {  	(tag) =	ssettag $0x0;
	lr =	simm.s32 $0x1  }
0x2: {  	[smem:$0x3F95] =	sst lr;
	_ =	strace $0xD0000000  }
0x3: {  	_ = 	snop  }
0x4: {  	_ = 	snop  }
0x5: {  	_ = 	snop  }
0x6: {  	_ = 	snop  }
0x7: {  	_ = 	snop  }
__scs_overlays_trampoline_lowered:
0x8: {  	[smem:$0x3FA4] =	sst s0  }
0x9: {  	[smem:$0x3FA5] =	sst s1  }
0xa: {  	[smem:$0x3FA6] =	sst s2  }
0xb: {  	[smem:$0x3FA7] =	sst s3  }
0xc: {  	[smem:$0x3FA8] =	sst s4  }
0xd: {  	[smem:$0x3FA9] =	sst s5  }
0xe: {  	[smem:$0x3FAA] =	sst s6  }
0xf: {  	[smem:$0x3FAB] =	sst s7  }
0x10: {  	[smem:$0x3FAC] =	sst s8  }
0x11: {  	[smem:$0x3FAD] =	sst s9;
	s0 =	simm.s32 @!p0 $0x0  }
0x12: {  	s1 =	sld [smem:$0x3F93];
	s0 =	simm.s32 @p0 $0x1  }
0x13: {  	[smem:$0x3FAE] =	sst s0;
	s0 =	simm.s32 @!p1 $0x0  }
0x14: {  	s2 =	sld [smem:$0x3F92];
	s0 =	simm.s32 @p1 $0x1  }
0x15: {  	[smem:$0x3FAF] =	sst s0;
	s0 =	simm.s32 @!p2 $0x0  }
0x16: {  	s3 =	sld [smem:$0x3FDB];
	s0 =	simm.s32 @p2 $0x1  }
0x17: {  	s4 =	simm.s32 $0x1BF5;
	[smem:$0x3FB1] =	sst s0  }
0x18: {  	s0 =	sld [smem:$0x3F94];
	_ =	swait.ge [sflag:s4], $0x0  }
0x19: {  	s7 =	sld [smem:$0x3F95]  }
0x1a: {  	s8 =	sadd.s32 $0xFFFFE003, lr  }
0x1b: {  	s9 =	sadd.s32 $0xFFFFFEF7, lr;
	s5 =	simm.s32 $0xFFFFFFFF;
	p2 =	slt.u32 s8, $0xFFFFF086  }
0x1c: {  	p1 =	slt.u32 s9, $0xF7A;
	s5 =	simm.s32 @!p2 $0x0  }
0x1d: {  	s5 =	simm.s32 @p1 $0x1;
	p0 =	seq.s32 s7, s2  }
0x1e: {  	s7 =	smul.u32 @!p0 $0xF7A, s2;
	p2 =	seq.s32 @!p0 s5, $0x0  }
0x1f: {  	s9 =	smul.u32 $0xF7A, s1;
	s8 =	simm.s32 @!p0 $0x1BF5;
	p2 =	por !p2, p0  }
0x20: {  	[sflag:s8] =	ssyncset.s32 @!p0 $0xFFFFF086;
	s6 =	sadd.s32 @!p0 s3, s7;
	s7 =	simm.s32 @!p0 $0x108  }
0x21: {  	s3 =	sadd.s32 s3, s9;
	s6 =	sadd.s32 @!p0 $0x88, s6;
	s7 =	simm.s32 @p2 $0x1082  }
0x22: {  	[simem:s7], [sflag:s8] =	dma.local @!p0 [hbm:s6], $0xF7A  }
0x23: {  	s9 =	sor.u32 $0xD0000000, s2;
	s6 =	simm.s32 $0x108;
	_ =	swait.ge @!p0 [sflag:s8], $0x0  }
0x24: {  	s3 =	sadd.s32 $0x88, s3;
	s6 =	simm.s32 @!p1 $0x1082;
	[sflag:s4] =	ssyncset.s32 $0xFFFFF086  }
0x25: {  	[simem:s6], [sflag:s4] =	dma.local [hbm:s3], $0xF7A  }
0x26: {  	[smem:$0x3F95] =	sst s1;
	(tag) =	ssettag s2;
	_ =	strace s9  }
0x27: {  	s1 =	sld [smem:$0x3FA5]  }
0x28: {  	s2 =	sld [smem:$0x3FA6]  }
0x29: {  	s4 =	sld [smem:$0x3FA8]  }
0x2a: {  	p0 =	seq.s32 s5, $0x0;
	s5 =	sld [smem:$0x3FA9]  }
0x2b: {  	s6 =	sld [smem:$0x3FAA]  }
0x2c: {  	s7 =	sld [smem:$0x3FAB]  }
0x2d: {  	s3 =	simm.s32 $0x108;
	s8 =	sld [smem:$0x3FAC]  }
0x2e: {  	s3 =	simm.s32 @!p0 $0x1082;
	s9 =	sld [smem:$0x3FAD]  }
0x2f: {  	lr =	sadd.s32 s0, s3;
	s0 =	sld [smem:$0x3FA4]  }
0x30: {  	s3 =	sld [smem:$0x3FA7]  }
0x31: {  	[smem:$0x3FB0] =	sst s10  }
0x32: {  	s10 =	sld [smem:$0x3FAE];
	_ =	sdelay $0x3  }
0x33: {  	p0 =	seq.s32 s10, $0x1;
	s10 =	sld [smem:$0x3FB0];
	_ =	sdelay $0x3  }
0x34: {  	[smem:$0x3FB0] =	sst s10  }
0x35: {  	s10 =	sld [smem:$0x3FAF];
	_ =	sdelay $0x3  }
0x36: {  	p1 =	seq.s32 s10, $0x1;
	s10 =	sld [smem:$0x3FB0];
	_ =	sdelay $0x3  }
0x37: {  	[smem:$0x3FB0] =	sst s10  }
0x38: {  	s10 =	sld [smem:$0x3FB1]  }
0x39: {  	_ = 	snop;
	(pc) =	sbr.ind lr, $3  }
0x3a: {  	_ = 	snop  }
0x3b: {  	_ = 	snop  }
0x3c: {  	p2 =	seq.s32 s10, $0x1;
	s10 =	sld [smem:$0x3FB0]  }
0x3d: {  	_ =	shalt  }
0x3e: {  	_ =	shalt  }
0x3f: {  	_ =	shalt  }
0x40: {  	_ =	shalt  }
0x41: {  	_ =	shalt  }
0x42: {  	_ =	shalt  }
0x43: {  	_ =	shalt  }
0x44: {  	_ =	shalt  }
0x45: {  	_ =	shalt  }
0x46: {  	_ =	shalt  }
0x47: {  	_ =	shalt  }
0x48: {  	_ =	shalt  }
0x49: {  	_ =	shalt  }
0x4a: {  	_ =	shalt  }
0x4b: {  	_ =	shalt  }
0x4c: {  	_ =	shalt  }
0x4d: {  	_ =	shalt  }
0x4e: {  	_ =	shalt  }
0x4f: {  	_ =	shalt  }
0x50: {  	_ =	shalt  }
0x51: {  	_ =	shalt  }
0x52: {  	_ =	shalt  }
0x53: {  	_ =	shalt  }
0x54: {  	_ =	shalt  }
0x55: {  	_ =	shalt  }
0x56: {  	_ =	shalt  }
0x57: {  	_ =	shalt  }
0x58: {  	_ =	shalt  }
0x59: {  	_ =	shalt  }
0x5a: {  	_ =	shalt  }
0x5b: {  	_ =	shalt  }
0x5c: {  	_ =	shalt  }
0x5d: {  	_ =	shalt  }
0x5e: {  	_ =	shalt  }
0x5f: {  	_ =	shalt  }
0x60: {  	_ =	shalt  }
0x61: {  	_ =	shalt  }
0x62: {  	_ =	shalt  }
0x63: {  	_ =	shalt  }
0x64: {  	_ =	shalt  }
0x65: {  	_ =	shalt  }
0x66: {  	_ =	shalt  }
0x67: {  	_ =	shalt  }
0x68: {  	_ =	shalt  }
0x69: {  	_ =	shalt  }
0x6a: {  	_ =	shalt  }
0x6b: {  	_ =	shalt  }
0x6c: {  	_ =	shalt  }
0x6d: {  	_ =	shalt  }
0x6e: {  	_ =	shalt  }
0x6f: {  	_ =	shalt  }
0x70: {  	_ =	shalt  }
0x71: {  	_ =	shalt  }
0x72: {  	_ =	shalt  }
0x73: {  	_ =	shalt  }
0x74: {  	_ =	shalt  }
0x75: {  	_ =	shalt  }
0x76: {  	_ =	shalt  }
0x77: {  	_ =	shalt  }
0x78: {  	_ =	shalt  }
0x79: {  	_ =	shalt  }
0x7a: {  	_ =	shalt  }
0x7b: {  	_ =	shalt  }
0x7c: {  	_ =	shalt  }
0x7d: {  	_ =	shalt  }
0x7e: {  	_ =	shalt  }
0x7f: {  	_ =	shalt  }
0x80: {  	_ =	shalt  }
0x81: {  	_ =	shalt  }
0x82: {  	_ =	shalt  }
0x83: {  	_ =	shalt  }
0x84: {  	_ =	shalt  }
0x85: {  	_ =	shalt  }
0x86: {  	_ =	shalt  }
0x87: {  	_ =	shalt  }
.Lfunc_end0:
.L_simem_size_0:
called_computation_lowered:
.L_overlay_start_0:
0x88: {  	s2 =	sld [smem:$0x3FD9]  }
0x89: {  	s3 =	sld [smem:$0x3FFE];
	_ =	sdelay $0x1  }
0x8a: {  	s1 =	srdreg.scid  }
0x8b: {  	s0 =	sand.u32 $0x1, s1  }
0x8c: {  	s17 =	sshll.u32 s0, $0xA;
	s2 =	sadd.s32 s3, s2  }
0x8d: {  	s2 =	sadd.s32 s2, s17  }
0x8e: {  	[smem:$0x3FBC] =	sst s2  }
0x8f: {  	_ = 	snop  }
0x90: {  	s2 =	sld [smem:$0x3FD0];
	(tm) =	ssettm $0x1  }
0x91: {  	s18 =	sld [smem:$0x3FFB];
	_ =	sdelay $0x3  }
0x92: {  	_ =	strace s18  }
0x93: {  	s3 =	sld [smem:$0x3FFC];
	_ =	sdelay $0x3  }
0x94: {  	_ =	strace s3  }
0x95: {  	s3 =	sld [smem:$0x3FFD];
	_ =	sdelay $0x3  }
0x96: {  	_ =	strace s3  }
0x97: {  	_ =	strace $0x8FFFFFFF  }
0x98: {  	s19 =	sld [smem:$0x3FDB];
	_ =	sdelay $0x1  }
0x99: {  	s4 =	simm.s32 $_scs_section_size  }
0x9a: {  	s5 =	simm.s32 $_size__tile_overlayer_lowered;
	s6 =	simm.s32 $_tile_overlayer_lowered  }
0x9b: {  	s22 =	simm.s32 $0x1BFF;
	s21 =	sshll.u32 s6, $0x1;
	s3 =	sadd.s32 s4, s19  }
0x9c: {  	s7 =	simm.s32 $0x0;
	s20 =	sshll.u32 s5, $0x1;
	s5 =	sadd.s32 s21, s3  }
0x9d: {  	[timem:s7], [sflag:s22] =	dma.local [hbm:s5], s20  }
0x9e: {  	_ =	swait.ge [sflag:s22], s20  }
0x9f: {  	s4 =	ssub.s32 $0x0, s20;
	[sflag:s22] =	ssyncset.done $0x0  }
0xa0: {  	[sflag:s22] =	ssyncadd.s32 s4;
	_ =	sdelay $0x1  }
0xa1: {  	s23 =	simm.s32 $0x1B8B  }
0xa2: {  	_ =	swait.ge [sflag:s23], $0x1  }
0xa3: {  	[sflag:s23] =	ssyncset.done $0x0  }
0xa4: {  	s25 =	simm.s32 $0x1B8E;
	s24 =	sld [smem:$0x3FFE];
	[sflag:s23] =	ssyncadd.s32 $0xFFFFFFFF  }
0xa5: {  	s26 =	simm.s32 $execute0_lowered;
	[smem:$0x3FD2] =	sst s25  }
0xa6: {  	s5 =	sshll.u32 s26, $0x1;
	_ =	strace $0x80000046;
	[dreg:$0x1] =	wrdreg $0xFFFFFFFF  }
0xa7: {  	s28 =	simm.s32 $_size_execute0_lowered;
	s3 =	sadd.s32 s3, s5;
	[dreg:$0x0] =	wrdreg $0x0  }
0xa8: {  	s5 =	sshll.u32 s28, $0x1;
	[dreg:$0x2] =	wrdreg s3  }
0xa9: {  	[dreg:$0x3] =	wrdreg s5  }
0xaa: {  	[dreg:$0x4] =	wrdreg $0xC0  }
0xab: {  	_ =	task [dreg:s7], $0x5FFFF  }
0xac: {  	[dreg:$0x1] =	wrdreg $0xFFFFFFFF  }
0xad: {  	[dreg:$0x0] =	wrdreg $0x60  }
0xae: {  	[dreg:$0x2] =	wrdreg s2  }
0xaf: {  	[dreg:$0x3] =	wrdreg s24  }
0xb0: {  	[dreg:$0x4] =	wrdreg $0x33E00  }
0xb1: {  	[dreg:$0x5] =	wrdreg $0x9  }
0xb2: {  	_ =	task.clear_ibuf [dreg:s7], $0x6FFFF;
	_ =	strace $0x90000046  }
0xb3: {  	s29 =	simm.s32 $0x9;
	_ =	strace $0x80000048  }
0xb4: {  	_ =	swait.ge [sflag:s29], $0x1  }
0xb5: {  	[sflag:s29] =	ssyncadd.s32 $0xFFFFFFFF  }
0xb6: {  	_ =	strace $0x90000048  }
0xb7: {  	_ =	sfence  }
0xb8: {  	s30 =	sld [smem:$0x0];
	_ =	sdelay $0x2  }
0xb9: {  	s31 =	sshll.u32 s1, $0xD;
	s1 =	sshrl.u32 s1, $0x2  }
0xba: {  	s3 =	sand.u32 $0x4000, s31;
	s1 =	sadd.s32 s1, s30  }
0xbb: {  	s0 =	sor.u32 s3, s0;
	s1 =	sshll.u32 s1, $0x11  }
0xbc: {  	s0 =	sor.u32 s1, s0  }
0xbd: {  	s0 =	sadd.s32 $0x8F2B, s0  }
0xbe: {  	[sflag:s0] =	ssyncadd.remote.s32 $0x1  }
0xbf: {  	_ =	sfence.sel $0xFFFF  }
0xc0: {  	[dreg:$0x0] =	wrdreg $0xFFFFFFFF;
	(pc) =	sbr.abs _section_cstart, $3  }
0xc1: {  	[dreg:$0x1] =	wrdreg $0xFFFFFFFF  }
0xc2: {  	_ =	task.clear_ibuf [dreg:s7], $0x2FFFF;
	_ =	strace $0x9FFFFFFF  }
0xc3: {  	(tm) =	ssettm $0x7FFFFFFF  }
tec
execute0_lowered:
.L_overlay_start_1:
0x0: {  	(tag) =	ssettag $0x1  }
0x1: {  	s4 =	rddreg [dreg:$0x0]  }
0x2: {  	s5 =	rddreg [dreg:$0x1]  }
0x3: {  	s2 =	rddreg [dreg:$0x2]  }
0x4: {  	s0 =	srdreg.scid;
	s1 =	rddreg [dreg:$0x3];
	s3 =	simm.s32 $0x0  }
0x5: {  	s12 =	simm.s32 $0x2C10;
	s13 =	simm.s32 $0x1;
	s6 =	sand.u32 $0x1, s0  }
0x6: {  	s14 =	simm.s32 $0x50;
	s0 =	stileid.u32;
	s7 =	smul.u32 $0x27100, s6  }
0x7: {  	s15 =	simm.s32 $0x2710;
	[smem:$0x7FF] =	sst s3;
	s8 =	smul.u32 $0x2710, s0  }
0x8: {  	s9 =	sshll.u32 s6, $0x4;
	s6 =	ssub.s32 $0x2, s6;
	s10 =	smul.u32 $0x9C40, s0  }
0x9: {  	_ =	strace $0x80000047;
	s16 =	sshll.u32 s0, $0x6;
	s9 =	sor.u32 s0, s9  }
0xa: {  	s30 =	sshrl.u32 s6, $0x1;
	s16 =	sor.u32 $0x1C01, s16;
	s7 =	sadd.s32 s8, s7  }
0xb: {  	s9 =	smul.u32 $0x4E2, s9;
	s17 =	sadd.s32 s8, s2;
	s7 =	sshrl.u32 s7, $0x3  }
0xc: {  	s31 =	sshrl.u32 s10, $0x2;
	s17 =	sshrl.u32 s17, $0x3;
	s5 =	sadd.s32 s7, s5  }
0xd: {  	s7 =	ssub.s32 s6, s30;
	s4 =	sadd.s32 s4, s9;
	s6 =	sadd.s32 s31, s2  }
0xe: {  	s5 =	sadd.s32 $0x2800, s5;
	s7 =	smax.u32 s7, $0x1;
	s8 =	sadd.s32 $0x7D0, s6  }
0xf: {  	v0 =	vimm.f32 $0.0e+00;
	v1 =	vimm.f32 $1.000000000e+00;
	s9 =	sadd.s32 $0xFA0, s6;
	s10 =	sadd.s32 $0x1770, s6;
	s11 =	sadd.s32 $0x1F40, s6  }
.LBB2_1:
0x10: {  	s18 =	simm.s32 $0x0  }
.LBB2_2:
0x11: {  	p0 =	sne.s32 s18, $0x1F00  }
.Ltmp0:
0x12: {  	_ = 	snop;
	(pc) =	sbr.rel @p0 .LBB2_2-.Ltmp0, $3  }
0x13: {  	_ =	sdelay $0x1  }
0x14: {  	s19 =	sshra.s32 s18, $0x2  }
0x15: {  	s18 =	sadd.s32 $0x40, s18;
	[tilespmem:s19+$0x2C10] =	vst v0  }
0x16: {  	s18 =	simm.s32 $0x40;
	s19 =	simm.s32 $0x0  }
.LBB2_4:
0x17: {  	p0 =	sne.s32 s18, $0x13C0;
	[tilespmem:s19+$0x2710] =	vst v1;
	s19 =	smov.u32 s18;
	s18 =	sadd.s32 $0x40, s18  }
.Ltmp1:
0x18: {  	(pc) =	sbr.rel @p0 .LBB2_4-.Ltmp1, $2  }
0x19: {  	_ =	sdelay $0x2  }
0x1a: {  	s19 =	sshra.s32 s19, $0x2  }
0x1b: {  	[tilespmem:s19+$0x2710] =	vst v1  }
0x1c: {  	[spmem:s6] =	stream.linear.scatter [tilespmem:s12], [sflag:$0x1], $0x7D0, $0x38;
	[tilespmem:$0x5AF0] =	vst v63  }
0x1d: {  	_ =	swait.ge [sflag:s13], $0x7D0  }
0x1e: {  	[sflag:s13] =	ssyncset.done $0x0  }
0x1f: {  	[sflag:s13] =	ssyncadd.s32 $0xFFFFF830  }
0x20: {  	[spmem:s8] =	stream.linear.scatter [tilespmem:s12], [sflag:$0x1], $0x7D0, $0x38;
	[tilespmem:$0x5AF0] =	vst v63  }
0x21: {  	_ =	swait.ge [sflag:s13], $0x7D0  }
0x22: {  	[sflag:s13] =	ssyncset.done $0x0  }
0x23: {  	[sflag:s13] =	ssyncadd.s32 $0xFFFFF830  }
0x24: {  	[spmem:s9] =	stream.linear.scatter [tilespmem:s12], [sflag:$0x1], $0x7D0, $0x38;
	[tilespmem:$0x5AF0] =	vst v63  }
0x25: {  	_ =	swait.ge [sflag:s13], $0x7D0  }
0x26: {  	[sflag:s13] =	ssyncset.done $0x0  }
0x27: {  	[sflag:s13] =	ssyncadd.s32 $0xFFFFF830  }
0x28: {  	[spmem:s10] =	stream.linear.scatter [tilespmem:s12], [sflag:$0x1], $0x7D0, $0x38;
	[tilespmem:$0x5AF0] =	vst v63  }
0x29: {  	_ =	swait.ge [sflag:s13], $0x7D0  }
0x2a: {  	[sflag:s13] =	ssyncset.done $0x0  }
0x2b: {  	[sflag:s13] =	ssyncadd.s32 $0xFFFFF830  }
0x2c: {  	[spmem:s11] =	stream.linear.scatter [tilespmem:s12], [sflag:$0x1], $0x7D0, $0x38;
	[tilespmem:$0x5AF0] =	vst v63  }
0x2d: {  	_ =	swait.ge [sflag:s13], $0x7D0  }
0x2e: {  	[sflag:s13] =	ssyncset.done $0x0  }
0x2f: {  	s18 =	simm.s32 $0x0;
	[sflag:s13] =	ssyncadd.s32 $0xFFFFF830  }
0x30: {  	[tilespmem:s18], [sflag:$0x1] =	stream.linear.gather [hbm4b:s4+s18], $0x2710, $0x38;
	[tilespmem:$0x5AF0] =	vst v63  }
0x31: {  	_ =	swait.ge [sflag:s13], $0x2710  }
0x32: {  	[sflag:s13] =	ssyncset.done $0x0  }
0x33: {  	[sflag:s13] =	ssyncadd.s32 $0xFFFFD8F0  }
0x34: {  	s31 =	simm.s32 $0x0;
	[bflag:$0x0] =	sbarrier.arrive $0xFFFF  }
0x35: {  	[spmem:s2] =	stream.indirect.scatter.add.f32 [tilespmem:s15], [sflag:$0x1], $0x10, s31, s14, $0xb8;
	[tilespmem:$0x5AF0] =	vst v63  }
0x36: {  	_ =	swait.ge [sflag:s13], $0x500  }
0x37: {  	s18 =	simm.s32 $0x140;
	[sflag:s13] =	ssyncset.done $0x0  }
.LBB2_6:
0x38: {  	s19 =	sshra.s32 s18, $0x2;
	[sflag:s13] =	ssyncadd.s32 $0xFFFFFB00;
	p0 =	sne.s32 s18, $0x9B00  }
0x39: {  	[spmem:s2] =	stream.indirect.scatter.add.f32 [tilespmem:s15], [sflag:$0x1], $0x10, s19, s14, $0xb8;
	[tilespmem:$0x5AF0] =	vst v63  }
.Ltmp2:
0x3a: {  	_ = 	snop;
	(pc) =	sbr.rel @p0 .LBB2_6-.Ltmp2, $4  }
0x3b: {  	_ = 	snop  }
0x3c: {  	s18 =	sadd.s32 $0x140, s18  }
0x3d: {  	_ =	swait.ge [sflag:s13], $0x500  }
0x3e: {  	[sflag:s13] =	ssyncset.done $0x0  }
0x3f: {  	s3 =	sadd.s32 $0x1, s3  }
0x40: {  	[sflag:s13] =	ssyncadd.s32 $0xFFFFFB00;
	p0 =	sne.s32 s3, s7  }
.Ltmp3:
0x41: {  	[bflag:$0x0] =	sbarrier.arrive $0xFFFF;
	(pc) =	sbr.rel @p0 .LBB2_1-.Ltmp3, $4  }
0x42: {  	[hbm:s5], [sflag:s16] =	dma.local [spmem:s17], $0x4E2  }
0x43: {  	_ =	swait.ge [sflag:s13], $0x4E2  }
0x44: {  	[sflag:s13] =	ssyncset.done $0x0  }
0x45: {  	[sflag:s13] =	ssyncadd.s32 $0xFFFFFB1E  }
0x46: {  	_ =	sfence.sel $0x180000  }
0x47: {  	[bflag:$0x0] =	sbarrier.arrive $0xFFFF  }
0x48: {  	p0 =	sne.s32 s0, $0x0;
	_ =	strace $0x90000047  }
0x49: {  	s0 =	sadd.s32 @!p0 $0x100000, s1;
	[bflag:$0x2] =	sbarrier.arrive $0xFFFF  }
0x4a: {  	[sflag:s0] =	ssyncadd.tile.s32 @!p0 $0x1;
	_ =	shalt  }
.Lfunc_end2:
_tile_overlayer_lowered:
.L_overlay_start_2:
0x4b: {  	(tag) =	ssettag $0x2  }
0x4c: {  	s0 =	rddreg [dreg:$0x0];
	s2 =	stileid.u32  }
0x4d: {  	s1 =	rddreg [dreg:$0x1];
	p0 =	sne.s32 s2, $0x0  }
0x4e: {  	s3 =	rddreg [dreg:$0x2];
	[bflag:$0x3] =	sbarrier.arrive $0xFFFF;
	s2 =	simm.s32 @!p0 $0x1C01  }
0x4f: {  	[timem:s3], [sflag:s2] =	dma.local @!p0 [hbm:s0], s1  }
0x50: {  	s0 =	simm.s32 @!p0 $0x1  }
0x51: {  	_ =	swait.ge @!p0 [sflag:s0], s1  }
0x52: {  	s1 =	ssub.s32 @!p0 $0x0, s1;
	[sflag:s0] =	ssyncset.done @!p0 $0x0  }
0x53: {  	[sflag:s0] =	ssyncadd.s32 @!p0 s1  }
0x54: {  	[bflag:$0x3] =	sbarrier.arrive $0xFFFF  }
0x55: {  	_ =	shalt  }

// kernel: kernel.13.cloned.1.call-start
scs
__scs_entry_jumppad:
0x0: {  	(pc) =	sbr.rel $0x88, $3  }
0x1: {  	(tag) =	ssettag $0x0;
	lr =	simm.s32 $0x1  }
0x2: {  	[smem:$0x3F95] =	sst lr;
	_ =	strace $0xD0000000  }
0x3: {  	_ = 	snop  }
0x4: {  	_ = 	snop  }
0x5: {  	_ = 	snop  }
0x6: {  	_ = 	snop  }
0x7: {  	_ = 	snop  }
__scs_overlays_trampoline_lowered:
0x8: {  	[smem:$0x3FA4] =	sst s0  }
0x9: {  	[smem:$0x3FA5] =	sst s1  }
0xa: {  	[smem:$0x3FA6] =	sst s2  }
0xb: {  	[smem:$0x3FA7] =	sst s3  }
0xc: {  	[smem:$0x3FA8] =	sst s4  }
0xd: {  	[smem:$0x3FA9] =	sst s5  }
0xe: {  	[smem:$0x3FAA] =	sst s6  }
0xf: {  	[smem:$0x3FAB] =	sst s7  }
0x10: {  	[smem:$0x3FAC] =	sst s8  }
0x11: {  	[smem:$0x3FAD] =	sst s9;
	s0 =	simm.s32 @!p0 $0x0  }
0x12: {  	s1 =	sld [smem:$0x3F93];
	s0 =	simm.s32 @p0 $0x1  }
0x13: {  	[smem:$0x3FAE] =	sst s0;
	s0 =	simm.s32 @!p1 $0x0  }
0x14: {  	s2 =	sld [smem:$0x3F92];
	s0 =	simm.s32 @p1 $0x1  }
0x15: {  	[smem:$0x3FAF] =	sst s0;
	s0 =	simm.s32 @!p2 $0x0  }
0x16: {  	s3 =	sld [smem:$0x3FDB];
	s0 =	simm.s32 @p2 $0x1  }
0x17: {  	s4 =	simm.s32 $0x1BF5;
	[smem:$0x3FB1] =	sst s0  }
0x18: {  	s0 =	sld [smem:$0x3F94];
	_ =	swait.ge [sflag:s4], $0x0  }
0x19: {  	s7 =	sld [smem:$0x3F95]  }
0x1a: {  	s8 =	sadd.s32 $0xFFFFE003, lr  }
0x1b: {  	s9 =	sadd.s32 $0xFFFFFEF7, lr;
	s5 =	simm.s32 $0xFFFFFFFF;
	p2 =	slt.u32 s8, $0xFFFFF086  }
0x1c: {  	p1 =	slt.u32 s9, $0xF7A;
	s5 =	simm.s32 @!p2 $0x0  }
0x1d: {  	s5 =	simm.s32 @p1 $0x1;
	p0 =	seq.s32 s7, s2  }
0x1e: {  	s7 =	smul.u32 @!p0 $0xF7A, s2;
	p2 =	seq.s32 @!p0 s5, $0x0  }
0x1f: {  	s9 =	smul.u32 $0xF7A, s1;
	s8 =	simm.s32 @!p0 $0x1BF5;
	p2 =	por !p2, p0  }
0x20: {  	[sflag:s8] =	ssyncset.s32 @!p0 $0xFFFFF086;
	s6 =	sadd.s32 @!p0 s3, s7;
	s7 =	simm.s32 @!p0 $0x108  }
0x21: {  	s3 =	sadd.s32 s3, s9;
	s6 =	sadd.s32 @!p0 $0x88, s6;
	s7 =	simm.s32 @p2 $0x1082  }
0x22: {  	[simem:s7], [sflag:s8] =	dma.local @!p0 [hbm:s6], $0xF7A  }
0x23: {  	s9 =	sor.u32 $0xD0000000, s2;
	s6 =	simm.s32 $0x108;
	_ =	swait.ge @!p0 [sflag:s8], $0x0  }
0x24: {  	s3 =	sadd.s32 $0x88, s3;
	s6 =	simm.s32 @!p1 $0x1082;
	[sflag:s4] =	ssyncset.s32 $0xFFFFF086  }
0x25: {  	[simem:s6], [sflag:s4] =	dma.local [hbm:s3], $0xF7A  }
0x26: {  	[smem:$0x3F95] =	sst s1;
	(tag) =	ssettag s2;
	_ =	strace s9  }
0x27: {  	s1 =	sld [smem:$0x3FA5]  }
0x28: {  	s2 =	sld [smem:$0x3FA6]  }
0x29: {  	s4 =	sld [smem:$0x3FA8]  }
0x2a: {  	p0 =	seq.s32 s5, $0x0;
	s5 =	sld [smem:$0x3FA9]  }
0x2b: {  	s6 =	sld [smem:$0x3FAA]  }
0x2c: {  	s7 =	sld [smem:$0x3FAB]  }
0x2d: {  	s3 =	simm.s32 $0x108;
	s8 =	sld [smem:$0x3FAC]  }
0x2e: {  	s3 =	simm.s32 @!p0 $0x1082;
	s9 =	sld [smem:$0x3FAD]  }
0x2f: {  	lr =	sadd.s32 s0, s3;
	s0 =	sld [smem:$0x3FA4]  }
0x30: {  	s3 =	sld [smem:$0x3FA7]  }
0x31: {  	[smem:$0x3FB0] =	sst s10  }
0x32: {  	s10 =	sld [smem:$0x3FAE];
	_ =	sdelay $0x3  }
0x33: {  	p0 =	seq.s32 s10, $0x1;
	s10 =	sld [smem:$0x3FB0];
	_ =	sdelay $0x3  }
0x34: {  	[smem:$0x3FB0] =	sst s10  }
0x35: {  	s10 =	sld [smem:$0x3FAF];
	_ =	sdelay $0x3  }
0x36: {  	p1 =	seq.s32 s10, $0x1;
	s10 =	sld [smem:$0x3FB0];
	_ =	sdelay $0x3  }
0x37: {  	[smem:$0x3FB0] =	sst s10  }
0x38: {  	s10 =	sld [smem:$0x3FB1]  }
0x39: {  	_ = 	snop;
	(pc) =	sbr.ind lr, $3  }
0x3a: {  	_ = 	snop  }
0x3b: {  	_ = 	snop  }
0x3c: {  	p2 =	seq.s32 s10, $0x1;
	s10 =	sld [smem:$0x3FB0]  }
0x3d: {  	_ =	shalt  }
0x3e: {  	_ =	shalt  }
0x3f: {  	_ =	shalt  }
0x40: {  	_ =	shalt  }
0x41: {  	_ =	shalt  }
0x42: {  	_ =	shalt  }
0x43: {  	_ =	shalt  }
0x44: {  	_ =	shalt  }
0x45: {  	_ =	shalt  }
0x46: {  	_ =	shalt  }
0x47: {  	_ =	shalt  }
0x48: {  	_ =	shalt  }
0x49: {  	_ =	shalt  }
0x4a: {  	_ =	shalt  }
0x4b: {  	_ =	shalt  }
0x4c: {  	_ =	shalt  }
0x4d: {  	_ =	shalt  }
0x4e: {  	_ =	shalt  }
0x4f: {  	_ =	shalt  }
0x50: {  	_ =	shalt  }
0x51: {  	_ =	shalt  }
0x52: {  	_ =	shalt  }
0x53: {  	_ =	shalt  }
0x54: {  	_ =	shalt  }
0x55: {  	_ =	shalt  }
0x56: {  	_ =	shalt  }
0x57: {  	_ =	shalt  }
0x58: {  	_ =	shalt  }
0x59: {  	_ =	shalt  }
0x5a: {  	_ =	shalt  }
0x5b: {  	_ =	shalt  }
0x5c: {  	_ =	shalt  }
0x5d: {  	_ =	shalt  }
0x5e: {  	_ =	shalt  }
0x5f: {  	_ =	shalt  }
0x60: {  	_ =	shalt  }
0x61: {  	_ =	shalt  }
0x62: {  	_ =	shalt  }
0x63: {  	_ =	shalt  }
0x64: {  	_ =	shalt  }
0x65: {  	_ =	shalt  }
0x66: {  	_ =	shalt  }
0x67: {  	_ =	shalt  }
0x68: {  	_ =	shalt  }
0x69: {  	_ =	shalt  }
0x6a: {  	_ =	shalt  }
0x6b: {  	_ =	shalt  }
0x6c: {  	_ =	shalt  }
0x6d: {  	_ =	shalt  }
0x6e: {  	_ =	shalt  }
0x6f: {  	_ =	shalt  }
0x70: {  	_ =	shalt  }
0x71: {  	_ =	shalt  }
0x72: {  	_ =	shalt  }
0x73: {  	_ =	shalt  }
0x74: {  	_ =	shalt  }
0x75: {  	_ =	shalt  }
0x76: {  	_ =	shalt  }
0x77: {  	_ =	shalt  }
0x78: {  	_ =	shalt  }
0x79: {  	_ =	shalt  }
0x7a: {  	_ =	shalt  }
0x7b: {  	_ =	shalt  }
0x7c: {  	_ =	shalt  }
0x7d: {  	_ =	shalt  }
0x7e: {  	_ =	shalt  }
0x7f: {  	_ =	shalt  }
0x80: {  	_ =	shalt  }
0x81: {  	_ =	shalt  }
0x82: {  	_ =	shalt  }
0x83: {  	_ =	shalt  }
0x84: {  	_ =	shalt  }
0x85: {  	_ =	shalt  }
0x86: {  	_ =	shalt  }
0x87: {  	_ =	shalt  }
.Lfunc_end0:
.L_simem_size_0:
called_computation.1_lowered:
.L_overlay_start_0:
0x88: {  	s2 =	sld [smem:$0x3FD9]  }
0x89: {  	s3 =	sld [smem:$0x3FFE];
	_ =	sdelay $0x1  }
0x8a: {  	s1 =	srdreg.scid  }
0x8b: {  	s0 =	sand.u32 $0x1, s1  }
0x8c: {  	s16 =	sshll.u32 s0, $0xA;
	s2 =	sadd.s32 s3, s2  }
0x8d: {  	s2 =	sadd.s32 s2, s16  }
0x8e: {  	[smem:$0x3FBC] =	sst s2  }
0x8f: {  	_ = 	snop  }
0x90: {  	(tm) =	ssettm $0x1  }
0x91: {  	s17 =	sld [smem:$0x3FFB];
	_ =	sdelay $0x3  }
0x92: {  	_ =	strace s17  }
0x93: {  	s2 =	sld [smem:$0x3FFC];
	_ =	sdelay $0x3  }
0x94: {  	_ =	strace s2  }
0x95: {  	s2 =	sld [smem:$0x3FFD];
	_ =	sdelay $0x3  }
0x96: {  	_ =	strace s2  }
0x97: {  	_ =	strace $0x8FFFFFFF  }
0x98: {  	s18 =	sld [smem:$0x3FDB];
	_ =	sdelay $0x1  }
0x99: {  	s19 =	simm.s32 $_scs_section_size  }
0x9a: {  	s4 =	simm.s32 $_size__tile_overlayer_lowered;
	s5 =	simm.s32 $_tile_overlayer_lowered  }
0x9b: {  	s22 =	simm.s32 $0x1BFF;
	s21 =	sshll.u32 s5, $0x1;
	s2 =	sadd.s32 s19, s18  }
0x9c: {  	s6 =	simm.s32 $0x0;
	s20 =	sshll.u32 s4, $0x1;
	s4 =	sadd.s32 s21, s2  }
0x9d: {  	[timem:s6], [sflag:s22] =	dma.local [hbm:s4], s20  }
0x9e: {  	_ =	swait.ge [sflag:s22], s20  }
0x9f: {  	s3 =	ssub.s32 $0x0, s20;
	[sflag:s22] =	ssyncset.done $0x0  }
0xa0: {  	[sflag:s22] =	ssyncadd.s32 s3;
	_ =	sdelay $0x1  }
0xa1: {  	s23 =	simm.s32 $0x1B8B  }
0xa2: {  	_ =	swait.ge [sflag:s23], $0x1  }
0xa3: {  	[sflag:s23] =	ssyncset.done $0x0  }
0xa4: {  	s25 =	simm.s32 $0x1B8E;
	s24 =	sld [smem:$0x3FFE];
	[sflag:s23] =	ssyncadd.s32 $0xFFFFFFFF  }
0xa5: {  	s26 =	simm.s32 $execute0_lowered;
	[smem:$0x3FD2] =	sst s25  }
0xa6: {  	s4 =	sshll.u32 s26, $0x1;
	_ =	strace $0x80000049;
	[dreg:$0x1] =	wrdreg $0xFFFFFFFF  }
0xa7: {  	s28 =	simm.s32 $_size_execute0_lowered;
	s2 =	sadd.s32 s2, s4;
	[dreg:$0x0] =	wrdreg $0x0  }
0xa8: {  	s4 =	sshll.u32 s28, $0x1;
	[dreg:$0x2] =	wrdreg s2  }
0xa9: {  	[dreg:$0x3] =	wrdreg s4  }
0xaa: {  	[dreg:$0x4] =	wrdreg $0xC0  }
0xab: {  	_ =	task [dreg:s6], $0x5FFFF  }
0xac: {  	[dreg:$0x1] =	wrdreg $0xFFFFFFFF  }
0xad: {  	[dreg:$0x0] =	wrdreg $0x60  }
0xae: {  	[dreg:$0x2] =	wrdreg s24  }
0xaf: {  	[dreg:$0x3] =	wrdreg $0x84000  }
0xb0: {  	[dreg:$0x4] =	wrdreg $0x9  }
0xb1: {  	_ =	task.clear_ibuf [dreg:s6], $0x5FFFF;
	_ =	strace $0x90000049  }
0xb2: {  	s29 =	simm.s32 $0x9;
	_ =	strace $0x8000004B  }
0xb3: {  	_ =	swait.ge [sflag:s29], $0x1  }
0xb4: {  	[sflag:s29] =	ssyncadd.s32 $0xFFFFFFFF  }
0xb5: {  	_ =	strace $0x9000004B  }
0xb6: {  	_ =	sfence  }
0xb7: {  	s30 =	sld [smem:$0x0];
	_ =	sdelay $0x2  }
0xb8: {  	s31 =	sshll.u32 s1, $0xD;
	s1 =	sshrl.u32 s1, $0x2  }
0xb9: {  	s3 =	sand.u32 $0x4000, s31;
	s1 =	sadd.s32 s1, s30  }
0xba: {  	s0 =	sor.u32 s3, s0;
	s1 =	sshll.u32 s1, $0x11  }
0xbb: {  	s0 =	sor.u32 s1, s0  }
0xbc: {  	s0 =	sadd.s32 $0x8F2B, s0  }
0xbd: {  	[sflag:s0] =	ssyncadd.remote.s32 $0x1  }
0xbe: {  	_ =	sfence.sel $0xFFFF  }
0xbf: {  	[dreg:$0x0] =	wrdreg $0xFFFFFFFF;
	(pc) =	sbr.abs _section_cstart, $3  }
0xc0: {  	[dreg:$0x1] =	wrdreg $0xFFFFFFFF  }
0xc1: {  	_ =	task.clear_ibuf [dreg:s6], $0x2FFFF;
	_ =	strace $0x9FFFFFFF  }
0xc2: {  	(tm) =	ssettm $0x7FFFFFFF  }
0xc3: {  	_ =	shalt  }
tec
execute0_lowered:
.L_overlay_start_1:
0x0: {  	(tag) =	ssettag $0x1  }
0x1: {  	s0 =	srdreg.scid;
	s1 =	rddreg [dreg:$0x0]  }
0x2: {  	s11 =	stileid.u32;
	s2 =	rddreg [dreg:$0x1]  }
0x3: {  	s3 =	simm.s32 $0x0;
	s28 =	simm.s32 $0x80;
	s29 =	simm.s32 $0x6  }
0x4: {  	s30 =	simm.s32 $0x4000;
	s31 =	simm.s32 $0x1;
	s5 =	smul.u32 $0x13880, s11  }
0x5: {  	s0 =	sand.u32 $0x1, s0;
	[smem:$0x7FF] =	sst s3;
	s9 =	smul.u32 $0x4E200, s11  }
0x6: {  	s8 =	sadd.s32 $0xC600, s1;
	s4 =	smul.u32 $0x138800, s0;
	s6 =	sshll.u32 s0, $0x4  }
0x7: {  	_ =	strace $0x8000004A;
	s25 =	ssub.s32 $0x2, s0;
	s0 =	smul.u32 $0x50000, s0  }
0x8: {  	s6 =	sor.u32 s11, s6;
	s10 =	sshrl.u32 s25, $0x1;
	s11 =	smul.u32 $0x5000, s11  }
0x9: {  	s15 =	sadd.s32 s5, s2;
	s18 =	sshrl.u32 s9, $0x2;
	s9 =	simm.s32 $0x4  }
0xa: {  	s4 =	sadd.s32 s5, s4;
	s6 =	smul.u32 $0x5000, s6;
	s26 =	ssub.s32 s25, s10  }
0xb: {  	s19 =	sadd.s32 s18, s2;
	s7 =	sshrl.u32 s4, $0x3;
	s4 =	sadd.s32 $0x20600, s1  }
0xc: {  	s0 =	sadd.s32 s11, s0;
	s21 =	sadd.s32 $0x3E80, s19;
	[dreg:$0x9] =	wrdreg s19  }
0xd: {  	s22 =	sadd.s32 $0x7D00, s19;
	s23 =	sadd.s32 $0xBB80, s19;
	[dreg:$0xa] =	wrdreg s21  }
0xe: {  	s1 =	sadd.s32 s7, s1;
	s6 =	sshrl.u32 s6, $0x3;
	[dreg:$0xb] =	wrdreg s22  }
0xf: {  	s20 =	sor.u32 $0x700, s0;
	[dreg:$0xc] =	wrdreg s23;
	s24 =	sor.u32 $0x600, s0  }
0x10: {  	s25 =	sor.u32 $0x500, s0;
	s0 =	sor.u32 $0x400, s0;
	s21 =	simm.s32 $0x8000  }
0x11: {  	s22 =	simm.s32 $0x8100;
	s23 =	simm.s32 $0x8200;
	s7 =	simm.s32 $0x2  }
0x12: {  	s12 =	sadd.s32 s8, s6;
	s1 =	sadd.s32 $0x47800, s1;
	s6 =	smax.u32 s26, $0x1  }
0x13: {  	s5 =	sshrl.u32 s20, $0x3;
	s0 =	sshrl.u32 s0, $0x3;
	s20 =	simm.s32 $0x9  }
0x14: {  	s26 =	sshrl.u32 s15, $0x3;
	s10 =	sadd.s32 $0x20, s12;
	[dreg:$0x3] =	wrdreg s12  }
0x15: {  	s13 =	sadd.s32 $0x40, s12;
	s14 =	sadd.s32 $0x60, s12;
	[dreg:$0x7] =	wrdreg s1  }
0x16: {  	[dreg:$0x8] =	wrdreg s6;
	s6 =	sadd.s32 $0xFA00, s19;
	s16 =	sadd.s32 s5, s8  }
0x17: {  	s5 =	sshrl.u32 s24, $0x3;
	s19 =	sadd.s32 s0, s8;
	[dreg:$0xe] =	wrdreg s26  }
0x18: {  	s24 =	simm.s32 $0x8300;
	s26 =	simm.s32 $0x5;
	[dreg:$0x4] =	wrdreg s10  }
.Ltmp0:
0x19: {  	s1 =	simm.s32 $0x8080;
	[dreg:$0x5] =	wrdreg s13;
	(pc) =	sbr.rel .LBB2_1-.Ltmp0, $4  }
0x1a: {  	s0 =	simm.s32 $0x3;
	s12 =	simm.s32 $0x8280;
	[dreg:$0x6] =	wrdreg s14  }
0x1b: {  	[dreg:$0xd] =	wrdreg s6;
	s6 =	sshrl.u32 s25, $0x3;
	s17 =	sadd.s32 s5, s8  }
0x1c: {  	s10 =	simm.s32 $0x8;
	s13 =	simm.s32 $0x8380;
	s14 =	simm.s32 $0x0  }
0x1d: {  	v0 =	vimm.f32 $0.0e+00;
	s18 =	sadd.s32 s6, s8;
	s6 =	simm.s32 $0x7;
	s8 =	simm.s32 $0x8180  }
.LBB2_6:
0x1e: {  	_ =	swait.ge [sflag:s7], $0x4000  }
0x1f: {  	[sflag:s7] =	ssyncset.done $0x0  }
0x20: {  	[sflag:s7] =	ssyncadd.s32 $0xFFFFC000  }
0x21: {  	[spmem:s2] =	stream.indirect.scatter.add.f32 [tilespmem:s30], [sflag:$0x4], $0x80, s13, s28, $0xb8;
	[tilespmem:$0x1BC80] =	vst v63  }
0x22: {  	_ =	swait.ge [sflag:s9], $0x4000  }
0x23: {  	[sflag:s9] =	ssyncset.done $0x0  }
0x24: {  	[sflag:s9] =	ssyncadd.s32 $0xFFFFC000  }
0x25: {  	s5 =	stileid.u32;
	[bflag:$0x0] =	sbarrier.arrive $0xFFFF  }
0x26: {  	s5 =	sshll.u32 s5, $0x6;
	s11 =	rddreg [dreg:$0x7]  }
0x27: {  	s5 =	sor.u32 $0x1C09, s5;
	s15 =	rddreg [dreg:$0xe]  }
0x28: {  	[hbm:s11], [sflag:s5] =	dma.local [spmem:s15], $0x2710  }
0x29: {  	_ =	swait.ge [sflag:s20], $0x2710  }
0x2a: {  	s14 =	sadd.s32 $0x1, s14;
	s25 =	rddreg [dreg:$0x8]  }
0x2b: {  	p0 =	sne.s32 s14, s25  }
.Ltmp1:
0x2c: {  	_ = 	snop;
	(pc) =	sbr.rel @!p0 .LBB2_7-.Ltmp1, $3  }
0x2d: {  	_ =	sdelay $0x1  }
0x2e: {  	[sflag:s20] =	ssyncset.done $0x0  }
0x2f: {  	[sflag:s20] =	ssyncadd.s32 $0xFFFFD8F0  }
.LBB2_1:
0x30: {  	s15 =	simm.s32 $0x0;
	s5 =	simm.s32 $0x200  }
.LBB2_2:
0x31: {  	p0 =	sne.s32 s5, $0xF800;
	[tilespmem:s15+$0x70] =	vst v0  }
0x32: {  	[tilespmem:s15+$0x0] =	vst v0  }
0x33: {  	[tilespmem:s15+$0x10] =	vst v0  }
.Ltmp2:
0x34: {  	[tilespmem:s15+$0x20] =	vst v0;
	(pc) =	sbr.rel @p0 .LBB2_2-.Ltmp2, $4  }
0x35: {  	[tilespmem:s15+$0x30] =	vst v0  }
0x36: {  	[tilespmem:s15+$0x40] =	vst v0  }
0x37: {  	[tilespmem:s15+$0x50] =	vst v0  }
0x38: {  	[tilespmem:s15+$0x60] =	vst v0;
	s15 =	sshra.s32 s5, $0x2;
	s5 =	sadd.s32 $0x200, s5  }
0x39: {  	[tilespmem:s15+$0x70] =	vst v0  }
0x3a: {  	[tilespmem:s15+$0x0] =	vst v0  }
0x3b: {  	[tilespmem:s15+$0x10] =	vst v0  }
0x3c: {  	[tilespmem:s15+$0x20] =	vst v0  }
0x3d: {  	[tilespmem:s15+$0x30] =	vst v0  }
0x3e: {  	[tilespmem:s15+$0x40] =	vst v0  }
0x3f: {  	[tilespmem:s15+$0x50] =	vst v0  }
0x40: {  	[tilespmem:s15+$0x60] =	vst v0;
	s15 =	simm.s32 $0x0;
	s5 =	rddreg [dreg:$0x9]  }
0x41: {  	[spmem:s5] =	stream.linear.scatter [tilespmem:s15], [sflag:$0x9], $0x3E80, $0x38;
	[tilespmem:$0x1BC80] =	vst v63  }
0x42: {  	_ =	swait.ge [sflag:s20], $0x3E80  }
0x43: {  	[sflag:s20] =	ssyncset.done $0x0  }
0x44: {  	s11 =	rddreg [dreg:$0xa];
	[sflag:s20] =	ssyncadd.s32 $0xFFFFC180  }
0x45: {  	[spmem:s11] =	stream.linear.scatter [tilespmem:s15], [sflag:$0x9], $0x3E80, $0x38;
	[tilespmem:$0x1BC80] =	vst v63  }
0x46: {  	_ =	swait.ge [sflag:s20], $0x3E80  }
0x47: {  	[sflag:s20] =	ssyncset.done $0x0  }
0x48: {  	s25 =	rddreg [dreg:$0xb];
	[sflag:s20] =	ssyncadd.s32 $0xFFFFC180  }
0x49: {  	[spmem:s25] =	stream.linear.scatter [tilespmem:s15], [sflag:$0x9], $0x3E80, $0x38;
	[tilespmem:$0x1BC80] =	vst v63  }
0x4a: {  	_ =	swait.ge [sflag:s20], $0x3E80  }
0x4b: {  	[sflag:s20] =	ssyncset.done $0x0  }
0x4c: {  	s11 =	rddreg [dreg:$0xc];
	[sflag:s20] =	ssyncadd.s32 $0xFFFFC180  }
0x4d: {  	[spmem:s11] =	stream.linear.scatter [tilespmem:s15], [sflag:$0x9], $0x3E80, $0x38;
	[tilespmem:$0x1BC80] =	vst v63  }
0x4e: {  	_ =	swait.ge [sflag:s20], $0x3E80  }
0x4f: {  	[sflag:s20] =	ssyncset.done $0x0  }
0x50: {  	s25 =	rddreg [dreg:$0xd];
	[sflag:s20] =	ssyncadd.s32 $0xFFFFC180  }
0x51: {  	[spmem:s25] =	stream.linear.scatter [tilespmem:s15], [sflag:$0x9], $0x3E80, $0x38;
	[tilespmem:$0x1BC80] =	vst v63  }
0x52: {  	_ =	swait.ge [sflag:s20], $0x3E80  }
0x53: {  	[sflag:s20] =	ssyncset.done $0x0  }
0x54: {  	[sflag:s20] =	ssyncadd.s32 $0xFFFFC180  }
0x55: {  	[bflag:$0x0] =	sbarrier.arrive $0xFFFF  }
0x56: {  	s11 =	rddreg [dreg:$0x3]  }
0x57: {  	[tilespmem:s21], [sflag:$0x5] =	stream.linear.gather [hbm4b:s11+s15], $0x100, $0x38;
	[tilespmem:$0x1BC80] =	vst v63  }
0x58: {  	s25 =	rddreg [dreg:$0x4]  }
0x59: {  	[tilespmem:s22], [sflag:$0x6] =	stream.linear.gather [hbm4b:s25+s15], $0x100, $0x38;
	[tilespmem:$0x1BC80] =	vst v63  }
0x5a: {  	s11 =	rddreg [dreg:$0x5]  }
0x5b: {  	[tilespmem:s23], [sflag:$0x7] =	stream.linear.gather [hbm4b:s11+s15], $0x100, $0x38;
	[tilespmem:$0x1BC80] =	vst v63  }
0x5c: {  	s25 =	rddreg [dreg:$0x6]  }
0x5d: {  	[tilespmem:s24], [sflag:$0x8] =	stream.linear.gather [hbm4b:s25+s15], $0x100, $0x38;
	[tilespmem:$0x1BC80] =	vst v63  }
0x5e: {  	_ =	swait.ge [sflag:s26], $0x100  }
0x5f: {  	[sflag:s26] =	ssyncset.done $0x0  }
0x60: {  	[sflag:s26] =	ssyncadd.s32 $0xFFFFFF00  }
0x61: {  	[tilespmem:s15], [sflag:$0x1] =	stream.indirect.gather [hbm4b:s4+s28], $0x80, s21, s28, $0xb8;
	[tilespmem:$0x1BC80] =	vst v63  }
0x62: {  	_ =	swait.ge [sflag:s29], $0x100  }
0x63: {  	[sflag:s29] =	ssyncset.done $0x0  }
0x64: {  	[sflag:s29] =	ssyncadd.s32 $0xFFFFFF00  }
0x65: {  	[tilespmem:s30], [sflag:$0x2] =	stream.indirect.gather [hbm4b:s4+s28], $0x80, s22, s28, $0xb8;
	[tilespmem:$0x1BC80] =	vst v63  }
.LBB2_4:
0x66: {  	_ =	swait.ge [sflag:s31], $0x4000  }
0x67: {  	[sflag:s31] =	ssyncset.done $0x0  }
0x68: {  	[sflag:s31] =	ssyncadd.s32 $0xFFFFC000  }
0x69: {  	[spmem:s2] =	stream.indirect.scatter.add.f32 [tilespmem:s3], [sflag:$0x3], $0x80, s1, s28, $0xb8;
	[tilespmem:$0x1BC80] =	vst v63  }
0x6a: {  	p0 =	seq.s32 s15, $0x980;
	_ =	swait.ge [sflag:s0], $0x4000  }
0x6b: {  	s5 =	sadd.s32 @!p0 s15, s19;
	[sflag:s0] =	ssyncset.done $0x0  }
0x6c: {  	s25 =	simm.s32 @!p0 $0x0;
	s11 =	simm.s32 @!p0 $0x8000;
	[sflag:s0] =	ssyncadd.s32 $0xFFFFC000  }
0x6d: {  	[tilespmem:s11], [sflag:$0x5] =	stream.linear.gather @!p0 [hbm4b:s5+s25], $0x100, $0x38;
	[tilespmem:$0x1BC80] =	vst v63  }
0x6e: {  	_ =	swait.ge [sflag:s6], $0x100  }
0x6f: {  	[sflag:s6] =	ssyncset.done $0x0  }
0x70: {  	[sflag:s6] =	ssyncadd.s32 $0xFFFFFF00  }
0x71: {  	[tilespmem:s3], [sflag:$0x1] =	stream.indirect.gather [hbm4b:s4+s28], $0x80, s23, s28, $0xb8;
	[tilespmem:$0x1BC80] =	vst v63  }
0x72: {  	_ =	swait.ge [sflag:s7], $0x4000  }
0x73: {  	[sflag:s7] =	ssyncset.done $0x0  }
0x74: {  	[sflag:s7] =	ssyncadd.s32 $0xFFFFC000  }
0x75: {  	[spmem:s2] =	stream.indirect.scatter.add.f32 [tilespmem:s30], [sflag:$0x4], $0x80, s8, s28, $0xb8;
	[tilespmem:$0x1BC80] =	vst v63  }
0x76: {  	_ =	swait.ge [sflag:s9], $0x4000  }
0x77: {  	[sflag:s9] =	ssyncset.done $0x0  }
0x78: {  	s5 =	sadd.s32 @!p0 s15, s18;
	s11 =	simm.s32 @!p0 $0x8100;
	[sflag:s9] =	ssyncadd.s32 $0xFFFFC000  }
0x79: {  	[tilespmem:s11], [sflag:$0x6] =	stream.linear.gather @!p0 [hbm4b:s5+s25], $0x100, $0x38;
	[tilespmem:$0x1BC80] =	vst v63  }
0x7a: {  	_ =	swait.ge [sflag:s10], $0x100  }
0x7b: {  	[sflag:s10] =	ssyncset.done $0x0  }
0x7c: {  	[sflag:s10] =	ssyncadd.s32 $0xFFFFFF00  }
0x7d: {  	[tilespmem:s30], [sflag:$0x2] =	stream.indirect.gather [hbm4b:s4+s28], $0x80, s24, s28, $0xb8;
	[tilespmem:$0x1BC80] =	vst v63  }
0x7e: {  	_ =	swait.ge [sflag:s31], $0x4000  }
0x7f: {  	[sflag:s31] =	ssyncset.done $0x0  }
.Ltmp3:
0x80: {  	[sflag:s31] =	ssyncadd.s32 $0xFFFFC000;
	(pc) =	sbr.rel @p0 .LBB2_6-.Ltmp3, $4  }
0x81: {  	[spmem:s2] =	stream.indirect.scatter.add.f32 [tilespmem:s3], [sflag:$0x3], $0x80, s12, s28, $0xb8;
	[tilespmem:$0x1BC80] =	vst v63  }
0x82: {  	_ =	swait.ge [sflag:s0], $0x4000  }
0x83: {  	[sflag:s0] =	ssyncset.done $0x0  }
0x84: {  	[sflag:s0] =	ssyncadd.s32 $0xFFFFC000  }
0x85: {  	s5 =	sadd.s32 s15, s17  }
0x86: {  	[tilespmem:s23], [sflag:$0x7] =	stream.linear.gather [hbm4b:s5+s3], $0x100, $0x38;
	[tilespmem:$0x1BC80] =	vst v63  }
0x87: {  	_ =	swait.ge [sflag:s26], $0x100  }
0x88: {  	[sflag:s26] =	ssyncset.done $0x0  }
0x89: {  	[sflag:s26] =	ssyncadd.s32 $0xFFFFFF00  }
0x8a: {  	[tilespmem:s3], [sflag:$0x1] =	stream.indirect.gather [hbm4b:s4+s28], $0x80, s21, s28, $0xb8;
	[tilespmem:$0x1BC80] =	vst v63  }
0x8b: {  	_ =	swait.ge [sflag:s7], $0x4000  }
0x8c: {  	[sflag:s7] =	ssyncset.done $0x0  }
0x8d: {  	[sflag:s7] =	ssyncadd.s32 $0xFFFFC000  }
0x8e: {  	[spmem:s2] =	stream.indirect.scatter.add.f32 [tilespmem:s30], [sflag:$0x4], $0x80, s13, s28, $0xb8;
	[tilespmem:$0x1BC80] =	vst v63  }
0x8f: {  	_ =	swait.ge [sflag:s9], $0x4000  }
0x90: {  	[sflag:s9] =	ssyncset.done $0x0  }
0x91: {  	s25 =	sadd.s32 s15, s16;
	[sflag:s9] =	ssyncadd.s32 $0xFFFFC000  }
0x92: {  	[tilespmem:s24], [sflag:$0x8] =	stream.linear.gather [hbm4b:s25+s3], $0x100, $0x38;
	[tilespmem:$0x1BC80] =	vst v63  }
.Ltmp4:
0x93: {  	_ = 	snop;
	(pc) =	sbr.rel .LBB2_4-.Ltmp4, $4  }
0x94: {  	_ =	swait.ge [sflag:s29], $0x100  }
0x95: {  	[sflag:s29] =	ssyncset.done $0x0  }
0x96: {  	s15 =	sadd.s32 $0x80, s15;
	[sflag:s29] =	ssyncadd.s32 $0xFFFFFF00  }
0x97: {  	[tilespmem:s30], [sflag:$0x2] =	stream.indirect.gather [hbm4b:s4+s28], $0x80, s22, s28, $0xb8;
	[tilespmem:$0x1BC80] =	vst v63  }
.LBB2_7:
0x98: {  	_ =	sfence.sel $0x180000  }
0x99: {  	[bflag:$0x0] =	sbarrier.arrive $0xFFFF  }
0x9a: {  	_ =	strace $0x9000004A  }
0x9b: {  	s0 =	stileid.u32;
	[bflag:$0x2] =	sbarrier.arrive $0xFFFF  }
0x9c: {  	p0 =	sne.s32 s0, $0x0;
	s0 =	rddreg [dreg:$0x2]  }
0x9d: {  	s0 =	sadd.s32 @!p0 $0x100000, s0  }
0x9e: {  	[sflag:s0] =	ssyncadd.tile.s32 @!p0 $0x1;
	_ =	shalt  }
.Lfunc_end2:
_tile_overlayer_lowered:
.L_overlay_start_2:
0x9f: {  	(tag) =	ssettag $0x2  }
0xa0: {  	s0 =	rddreg [dreg:$0x0];
	s2 =	stileid.u32  }
0xa1: {  	s1 =	rddreg [dreg:$0x1];
	p0 =	sne.s32 s2, $0x0  }
0xa2: {  	s3 =	rddreg [dreg:$0x2];
	[bflag:$0x3] =	sbarrier.arrive $0xFFFF;
	s2 =	simm.s32 @!p0 $0x1C09  }
0xa3: {  	[timem:s3], [sflag:s2] =	dma.local @!p0 [hbm:s0], s1  }
0xa4: {  	s0 =	simm.s32 @!p0 $0x9  }
0xa5: {  	_ =	swait.ge @!p0 [sflag:s0], s1  }
0xa6: {  	s1 =	ssub.s32 @!p0 $0x0, s1;
	[sflag:s0] =	ssyncset.done @!p0 $0x0  }
0xa7: {  	[sflag:s0] =	ssyncadd.s32 @!p0 s1  }
0xa8: {  	[bflag:$0x3] =	sbarrier.arrive $0xFFFF  }
0xa9: {  	_ =	shalt  }

// kernel: kernel.16.cloned.1.call-start
scs
__scs_entry_jumppad:
0x0: {  	(pc) =	sbr.rel $0x88, $3  }
0x1: {  	(tag) =	ssettag $0x0;
	lr =	simm.s32 $0x1  }
0x2: {  	[smem:$0x3F95] =	sst lr;
	_ =	strace $0xD0000000  }
0x3: {  	_ = 	snop  }
0x4: {  	_ = 	snop  }
0x5: {  	_ = 	snop  }
0x6: {  	_ = 	snop  }
0x7: {  	_ = 	snop  }
__scs_overlays_trampoline_lowered:
0x8: {  	[smem:$0x3FA4] =	sst s0  }
0x9: {  	[smem:$0x3FA5] =	sst s1  }
0xa: {  	[smem:$0x3FA6] =	sst s2  }
0xb: {  	[smem:$0x3FA7] =	sst s3  }
0xc: {  	[smem:$0x3FA8] =	sst s4  }
0xd: {  	[smem:$0x3FA9] =	sst s5  }
0xe: {  	[smem:$0x3FAA] =	sst s6  }
0xf: {  	[smem:$0x3FAB] =	sst s7  }
0x10: {  	[smem:$0x3FAC] =	sst s8  }
0x11: {  	[smem:$0x3FAD] =	sst s9;
	s0 =	simm.s32 @!p0 $0x0  }
0x12: {  	s1 =	sld [smem:$0x3F93];
	s0 =	simm.s32 @p0 $0x1  }
0x13: {  	[smem:$0x3FAE] =	sst s0;
	s0 =	simm.s32 @!p1 $0x0  }
0x14: {  	s2 =	sld [smem:$0x3F92];
	s0 =	simm.s32 @p1 $0x1  }
0x15: {  	[smem:$0x3FAF] =	sst s0;
	s0 =	simm.s32 @!p2 $0x0  }
0x16: {  	s3 =	sld [smem:$0x3FDB];
	s0 =	simm.s32 @p2 $0x1  }
0x17: {  	s4 =	simm.s32 $0x1BF5;
	[smem:$0x3FB1] =	sst s0  }
0x18: {  	s0 =	sld [smem:$0x3F94];
	_ =	swait.ge [sflag:s4], $0x0  }
0x19: {  	s7 =	sld [smem:$0x3F95]  }
0x1a: {  	s8 =	sadd.s32 $0xFFFFE003, lr  }
0x1b: {  	s9 =	sadd.s32 $0xFFFFFEF7, lr;
	s5 =	simm.s32 $0xFFFFFFFF;
	p2 =	slt.u32 s8, $0xFFFFF086  }
0x1c: {  	p1 =	slt.u32 s9, $0xF7A;
	s5 =	simm.s32 @!p2 $0x0  }
0x1d: {  	s5 =	simm.s32 @p1 $0x1;
	p0 =	seq.s32 s7, s2  }
0x1e: {  	s7 =	smul.u32 @!p0 $0xF7A, s2;
	p2 =	seq.s32 @!p0 s5, $0x0  }
0x1f: {  	s9 =	smul.u32 $0xF7A, s1;
	s8 =	simm.s32 @!p0 $0x1BF5;
	p2 =	por !p2, p0  }
0x20: {  	[sflag:s8] =	ssyncset.s32 @!p0 $0xFFFFF086;
	s6 =	sadd.s32 @!p0 s3, s7;
	s7 =	simm.s32 @!p0 $0x108  }
0x21: {  	s3 =	sadd.s32 s3, s9;
	s6 =	sadd.s32 @!p0 $0x88, s6;
	s7 =	simm.s32 @p2 $0x1082  }
0x22: {  	[simem:s7], [sflag:s8] =	dma.local @!p0 [hbm:s6], $0xF7A  }
0x23: {  	s9 =	sor.u32 $0xD0000000, s2;
	s6 =	simm.s32 $0x108;
	_ =	swait.ge @!p0 [sflag:s8], $0x0  }
0x24: {  	s3 =	sadd.s32 $0x88, s3;
	s6 =	simm.s32 @!p1 $0x1082;
	[sflag:s4] =	ssyncset.s32 $0xFFFFF086  }
0x25: {  	[simem:s6], [sflag:s4] =	dma.local [hbm:s3], $0xF7A  }
0x26: {  	[smem:$0x3F95] =	sst s1;
	(tag) =	ssettag s2;
	_ =	strace s9  }
0x27: {  	s1 =	sld [smem:$0x3FA5]  }
0x28: {  	s2 =	sld [smem:$0x3FA6]  }
0x29: {  	s4 =	sld [smem:$0x3FA8]  }
0x2a: {  	p0 =	seq.s32 s5, $0x0;
	s5 =	sld [smem:$0x3FA9]  }
0x2b: {  	s6 =	sld [smem:$0x3FAA]  }
0x2c: {  	s7 =	sld [smem:$0x3FAB]  }
0x2d: {  	s3 =	simm.s32 $0x108;
	s8 =	sld [smem:$0x3FAC]  }
0x2e: {  	s3 =	simm.s32 @!p0 $0x1082;
	s9 =	sld [smem:$0x3FAD]  }
0x2f: {  	lr =	sadd.s32 s0, s3;
	s0 =	sld [smem:$0x3FA4]  }
0x30: {  	s3 =	sld [smem:$0x3FA7]  }
0x31: {  	[smem:$0x3FB0] =	sst s10  }
0x32: {  	s10 =	sld [smem:$0x3FAE];
	_ =	sdelay $0x3  }
0x33: {  	p0 =	seq.s32 s10, $0x1;
	s10 =	sld [smem:$0x3FB0];
	_ =	sdelay $0x3  }
0x34: {  	[smem:$0x3FB0] =	sst s10  }
0x35: {  	s10 =	sld [smem:$0x3FAF];
	_ =	sdelay $0x3  }
0x36: {  	p1 =	seq.s32 s10, $0x1;
	s10 =	sld [smem:$0x3FB0];
	_ =	sdelay $0x3  }
0x37: {  	[smem:$0x3FB0] =	sst s10  }
0x38: {  	s10 =	sld [smem:$0x3FB1]  }
0x39: {  	_ = 	snop;
	(pc) =	sbr.ind lr, $3  }
0x3a: {  	_ = 	snop  }
0x3b: {  	_ = 	snop  }
0x3c: {  	p2 =	seq.s32 s10, $0x1;
	s10 =	sld [smem:$0x3FB0]  }
0x3d: {  	_ =	shalt  }
0x3e: {  	_ =	shalt  }
0x3f: {  	_ =	shalt  }
0x40: {  	_ =	shalt  }
0x41: {  	_ =	shalt  }
0x42: {  	_ =	shalt  }
0x43: {  	_ =	shalt  }
0x44: {  	_ =	shalt  }
0x45: {  	_ =	shalt  }
0x46: {  	_ =	shalt  }
0x47: {  	_ =	shalt  }
0x48: {  	_ =	shalt  }
0x49: {  	_ =	shalt  }
0x4a: {  	_ =	shalt  }
0x4b: {  	_ =	shalt  }
0x4c: {  	_ =	shalt  }
0x4d: {  	_ =	shalt  }
0x4e: {  	_ =	shalt  }
0x4f: {  	_ =	shalt  }
0x50: {  	_ =	shalt  }
0x51: {  	_ =	shalt  }
0x52: {  	_ =	shalt  }
0x53: {  	_ =	shalt  }
0x54: {  	_ =	shalt  }
0x55: {  	_ =	shalt  }
0x56: {  	_ =	shalt  }
0x57: {  	_ =	shalt  }
0x58: {  	_ =	shalt  }
0x59: {  	_ =	shalt  }
0x5a: {  	_ =	shalt  }
0x5b: {  	_ =	shalt  }
0x5c: {  	_ =	shalt  }
0x5d: {  	_ =	shalt  }
0x5e: {  	_ =	shalt  }
0x5f: {  	_ =	shalt  }
0x60: {  	_ =	shalt  }
0x61: {  	_ =	shalt  }
0x62: {  	_ =	shalt  }
0x63: {  	_ =	shalt  }
0x64: {  	_ =	shalt  }
0x65: {  	_ =	shalt  }
0x66: {  	_ =	shalt  }
0x67: {  	_ =	shalt  }
0x68: {  	_ =	shalt  }
0x69: {  	_ =	shalt  }
0x6a: {  	_ =	shalt  }
0x6b: {  	_ =	shalt  }
0x6c: {  	_ =	shalt  }
0x6d: {  	_ =	shalt  }
0x6e: {  	_ =	shalt  }
0x6f: {  	_ =	shalt  }
0x70: {  	_ =	shalt  }
0x71: {  	_ =	shalt  }
0x72: {  	_ =	shalt  }
0x73: {  	_ =	shalt  }
0x74: {  	_ =	shalt  }
0x75: {  	_ =	shalt  }
0x76: {  	_ =	shalt  }
0x77: {  	_ =	shalt  }
0x78: {  	_ =	shalt  }
0x79: {  	_ =	shalt  }
0x7a: {  	_ =	shalt  }
0x7b: {  	_ =	shalt  }
0x7c: {  	_ =	shalt  }
0x7d: {  	_ =	shalt  }
0x7e: {  	_ =	shalt  }
0x7f: {  	_ =	shalt  }
0x80: {  	_ =	shalt  }
0x81: {  	_ =	shalt  }
0x82: {  	_ =	shalt  }
0x83: {  	_ =	shalt  }
0x84: {  	_ =	shalt  }
0x85: {  	_ =	shalt  }
0x86: {  	_ =	shalt  }
0x87: {  	_ =	shalt  }
.Lfunc_end0:
.L_simem_size_0:
called_computation.2_lowered:
.L_overlay_start_0:
0x88: {  	s2 =	sld [smem:$0x3FD9]  }
0x89: {  	s3 =	sld [smem:$0x3FFE];
	_ =	sdelay $0x1  }
0x8a: {  	s1 =	srdreg.scid  }
0x8b: {  	s0 =	sand.u32 $0x1, s1  }
0x8c: {  	s16 =	sshll.u32 s0, $0xA;
	s2 =	sadd.s32 s3, s2  }
0x8d: {  	s2 =	sadd.s32 s2, s16  }
0x8e: {  	[smem:$0x3FBC] =	sst s2  }
0x8f: {  	_ = 	snop  }
0x90: {  	(tm) =	ssettm $0x1  }
0x91: {  	s17 =	sld [smem:$0x3FFB];
	_ =	sdelay $0x3  }
0x92: {  	_ =	strace s17  }
0x93: {  	s2 =	sld [smem:$0x3FFC];
	_ =	sdelay $0x3  }
0x94: {  	_ =	strace s2  }
0x95: {  	s2 =	sld [smem:$0x3FFD];
	_ =	sdelay $0x3  }
0x96: {  	_ =	strace s2  }
0x97: {  	_ =	strace $0x8FFFFFFF  }
0x98: {  	s18 =	sld [smem:$0x3FDB];
	_ =	sdelay $0x1  }
0x99: {  	s19 =	simm.s32 $_scs_section_size  }
0x9a: {  	s4 =	simm.s32 $_size__tile_overlayer_lowered;
	s5 =	simm.s32 $_tile_overlayer_lowered  }
0x9b: {  	s22 =	simm.s32 $0x1BFF;
	s21 =	sshll.u32 s5, $0x1;
	s2 =	sadd.s32 s19, s18  }
0x9c: {  	s6 =	simm.s32 $0x0;
	s20 =	sshll.u32 s4, $0x1;
	s4 =	sadd.s32 s21, s2  }
0x9d: {  	[timem:s6], [sflag:s22] =	dma.local [hbm:s4], s20  }
0x9e: {  	_ =	swait.ge [sflag:s22], s20  }
0x9f: {  	s3 =	ssub.s32 $0x0, s20;
	[sflag:s22] =	ssyncset.done $0x0  }
0xa0: {  	[sflag:s22] =	ssyncadd.s32 s3;
	_ =	sdelay $0x1  }
0xa1: {  	s23 =	simm.s32 $0x1B8B  }
0xa2: {  	_ =	swait.ge [sflag:s23], $0x1  }
0xa3: {  	[sflag:s23] =	ssyncset.done $0x0  }
0xa4: {  	s25 =	simm.s32 $0x1B8E;
	s24 =	sld [smem:$0x3FFE];
	[sflag:s23] =	ssyncadd.s32 $0xFFFFFFFF  }
0xa5: {  	s26 =	simm.s32 $execute0_lowered;
	[smem:$0x3FD2] =	sst s25  }
0xa6: {  	s4 =	sshll.u32 s26, $0x1;
	_ =	strace $0x8000004C;
	[dreg:$0x1] =	wrdreg $0xFFFFFFFF  }
0xa7: {  	s28 =	simm.s32 $_size_execute0_lowered;
	s2 =	sadd.s32 s2, s4;
	[dreg:$0x0] =	wrdreg $0x0  }
0xa8: {  	s4 =	sshll.u32 s28, $0x1;
	[dreg:$0x2] =	wrdreg s2  }
0xa9: {  	[dreg:$0x3] =	wrdreg s4  }
0xaa: {  	[dreg:$0x4] =	wrdreg $0xC0  }
0xab: {  	_ =	task [dreg:s6], $0x5FFFF  }
0xac: {  	[dreg:$0x1] =	wrdreg $0xFFFFFFFF  }
0xad: {  	[dreg:$0x0] =	wrdreg $0x60  }
0xae: {  	[dreg:$0x2] =	wrdreg s24  }
0xaf: {  	[dreg:$0x3] =	wrdreg $0x84000  }
0xb0: {  	[dreg:$0x4] =	wrdreg $0x9  }
0xb1: {  	_ =	task.clear_ibuf [dreg:s6], $0x5FFFF;
	_ =	strace $0x9000004C  }
0xb2: {  	s29 =	simm.s32 $0x9;
	_ =	strace $0x8000004E  }
0xb3: {  	_ =	swait.ge [sflag:s29], $0x1  }
0xb4: {  	[sflag:s29] =	ssyncadd.s32 $0xFFFFFFFF  }
0xb5: {  	_ =	strace $0x9000004E  }
0xb6: {  	_ =	sfence  }
0xb7: {  	s30 =	sld [smem:$0x0];
	_ =	sdelay $0x2  }
0xb8: {  	s31 =	sshll.u32 s1, $0xD;
	s1 =	sshrl.u32 s1, $0x2  }
0xb9: {  	s3 =	sand.u32 $0x4000, s31;
	s1 =	sadd.s32 s1, s30  }
0xba: {  	s0 =	sor.u32 s3, s0;
	s1 =	sshll.u32 s1, $0x11  }
0xbb: {  	s0 =	sor.u32 s1, s0  }
0xbc: {  	s0 =	sadd.s32 $0x8F2B, s0  }
0xbd: {  	[sflag:s0] =	ssyncadd.remote.s32 $0x1  }
0xbe: {  	_ =	sfence.sel $0xFFFF  }
0xbf: {  	[dreg:$0x0] =	wrdreg $0xFFFFFFFF;
	(pc) =	sbr.abs _section_cstart, $3  }
0xc0: {  	[dreg:$0x1] =	wrdreg $0xFFFFFFFF  }
0xc1: {  	_ =	task.clear_ibuf [dreg:s6], $0x2FFFF;
	_ =	strace $0x9FFFFFFF  }
0xc2: {  	(tm) =	ssettm $0x7FFFFFFF  }
0xc3: {  	_ =	shalt  }
tec
execute0_lowered:
.L_overlay_start_1:
0x0: {  	(tag) =	ssettag $0x1  }
0x1: {  	s0 =	srdreg.scid;
	s1 =	rddreg [dreg:$0x0]  }
0x2: {  	s11 =	stileid.u32;
	s2 =	rddreg [dreg:$0x1]  }
0x3: {  	s3 =	simm.s32 $0x0;
	s28 =	simm.s32 $0x80;
	s29 =	simm.s32 $0x6  }
0x4: {  	s30 =	simm.s32 $0x4000;
	s31 =	simm.s32 $0x1;
	s5 =	smul.u32 $0x13880, s11  }
0x5: {  	s0 =	sand.u32 $0x1, s0;
	[smem:$0x7FF] =	sst s3;
	s9 =	smul.u32 $0x4E200, s11  }
0x6: {  	s8 =	sadd.s32 $0xC600, s1;
	s4 =	smul.u32 $0x138800, s0;
	s6 =	sshll.u32 s0, $0x4  }
0x7: {  	_ =	strace $0x8000004D;
	s25 =	ssub.s32 $0x2, s0;
	s0 =	smul.u32 $0x50000, s0  }
0x8: {  	s6 =	sor.u32 s11, s6;
	s10 =	sshrl.u32 s25, $0x1;
	s11 =	smul.u32 $0x5000, s11  }
0x9: {  	s15 =	sadd.s32 s5, s2;
	s18 =	sshrl.u32 s9, $0x2;
	s9 =	simm.s32 $0x4  }
0xa: {  	s4 =	sadd.s32 s5, s4;
	s6 =	smul.u32 $0x5000, s6;
	s26 =	ssub.s32 s25, s10  }
0xb: {  	s19 =	sadd.s32 s18, s2;
	s7 =	sshrl.u32 s4, $0x3;
	s4 =	sadd.s32 $0x20600, s1  }
0xc: {  	s0 =	sadd.s32 s11, s0;
	s21 =	sadd.s32 $0x3E80, s19;
	[dreg:$0x9] =	wrdreg s19  }
0xd: {  	s22 =	sadd.s32 $0x7D00, s19;
	s23 =	sadd.s32 $0xBB80, s19;
	[dreg:$0xa] =	wrdreg s21  }
0xe: {  	s1 =	sadd.s32 s7, s1;
	s6 =	sshrl.u32 s6, $0x3;
	[dreg:$0xb] =	wrdreg s22  }
0xf: {  	s20 =	sor.u32 $0x700, s0;
	[dreg:$0xc] =	wrdreg s23;
	s24 =	sor.u32 $0x600, s0  }
0x10: {  	s25 =	sor.u32 $0x500, s0;
	s0 =	sor.u32 $0x400, s0;
	s21 =	simm.s32 $0x8000  }
0x11: {  	s22 =	simm.s32 $0x8100;
	s23 =	simm.s32 $0x8200;
	s7 =	simm.s32 $0x2  }
0x12: {  	s12 =	sadd.s32 s8, s6;
	s1 =	sadd.s32 $0x47800, s1;
	s6 =	smax.u32 s26, $0x1  }
0x13: {  	s5 =	sshrl.u32 s20, $0x3;
	s0 =	sshrl.u32 s0, $0x3;
	s20 =	simm.s32 $0x9  }
0x14: {  	s26 =	sshrl.u32 s15, $0x3;
	s10 =	sadd.s32 $0x20, s12;
	[dreg:$0x3] =	wrdreg s12  }
0x15: {  	s13 =	sadd.s32 $0x40, s12;
	s14 =	sadd.s32 $0x60, s12;
	[dreg:$0x7] =	wrdreg s1  }
0x16: {  	[dreg:$0x8] =	wrdreg s6;
	s6 =	sadd.s32 $0xFA00, s19;
	s16 =	sadd.s32 s5, s8  }
0x17: {  	s5 =	sshrl.u32 s24, $0x3;
	s19 =	sadd.s32 s0, s8;
	[dreg:$0xe] =	wrdreg s26  }
0x18: {  	s24 =	simm.s32 $0x8300;
	s26 =	simm.s32 $0x5;
	[dreg:$0x4] =	wrdreg s10  }
.Ltmp0:
0x19: {  	s1 =	simm.s32 $0x8080;
	[dreg:$0x5] =	wrdreg s13;
	(pc) =	sbr.rel .LBB2_1-.Ltmp0, $4  }
0x1a: {  	s0 =	simm.s32 $0x3;
	s12 =	simm.s32 $0x8280;
	[dreg:$0x6] =	wrdreg s14  }
0x1b: {  	[dreg:$0xd] =	wrdreg s6;
	s6 =	sshrl.u32 s25, $0x3;
	s17 =	sadd.s32 s5, s8  }
0x1c: {  	s10 =	simm.s32 $0x8;
	s13 =	simm.s32 $0x8380;
	s14 =	simm.s32 $0x0  }
0x1d: {  	v0 =	vimm.f32 $0.0e+00;
	s18 =	sadd.s32 s6, s8;
	s6 =	simm.s32 $0x7;
	s8 =	simm.s32 $0x8180  }
.LBB2_6:
0x1e: {  	_ =	swait.ge [sflag:s7], $0x4000  }
0x1f: {  	[sflag:s7] =	ssyncset.done $0x0  }
0x20: {  	[sflag:s7] =	ssyncadd.s32 $0xFFFFC000  }
0x21: {  	[spmem:s2] =	stream.indirect.scatter.add.f32 [tilespmem:s30], [sflag:$0x4], $0x80, s13, s28, $0xb8;
	[tilespmem:$0x1BC80] =	vst v63  }
0x22: {  	_ =	swait.ge [sflag:s9], $0x4000  }
0x23: {  	[sflag:s9] =	ssyncset.done $0x0  }
0x24: {  	[sflag:s9] =	ssyncadd.s32 $0xFFFFC000  }
0x25: {  	s5 =	stileid.u32;
	[bflag:$0x0] =	sbarrier.arrive $0xFFFF  }
0x26: {  	s5 =	sshll.u32 s5, $0x6;
	s11 =	rddreg [dreg:$0x7]  }
0x27: {  	s5 =	sor.u32 $0x1C09, s5;
	s15 =	rddreg [dreg:$0xe]  }
0x28: {  	[hbm:s11], [sflag:s5] =	dma.local [spmem:s15], $0x2710  }
0x29: {  	_ =	swait.ge [sflag:s20], $0x2710  }
0x2a: {  	s14 =	sadd.s32 $0x1, s14;
	s25 =	rddreg [dreg:$0x8]  }
0x2b: {  	p0 =	sne.s32 s14, s25  }
.Ltmp1:
0x2c: {  	_ = 	snop;
	(pc) =	sbr.rel @!p0 .LBB2_7-.Ltmp1, $3  }
0x2d: {  	_ =	sdelay $0x1  }
0x2e: {  	[sflag:s20] =	ssyncset.done $0x0  }
0x2f: {  	[sflag:s20] =	ssyncadd.s32 $0xFFFFD8F0  }
.LBB2_1:
0x30: {  	s15 =	simm.s32 $0x0;
	s5 =	simm.s32 $0x200  }
.LBB2_2:
0x31: {  	p0 =	sne.s32 s5, $0xF800;
	[tilespmem:s15+$0x70] =	vst v0  }
0x32: {  	[tilespmem:s15+$0x0] =	vst v0  }
0x33: {  	[tilespmem:s15+$0x10] =	vst v0  }
.Ltmp2:
0x34: {  	[tilespmem:s15+$0x20] =	vst v0;
	(pc) =	sbr.rel @p0 .LBB2_2-.Ltmp2, $4  }
0x35: {  	[tilespmem:s15+$0x30] =	vst v0  }
0x36: {  	[tilespmem:s15+$0x40] =	vst v0  }
0x37: {  	[tilespmem:s15+$0x50] =	vst v0  }
0x38: {  	[tilespmem:s15+$0x60] =	vst v0;
	s15 =	sshra.s32 s5, $0x2;
	s5 =	sadd.s32 $0x200, s5  }
0x39: {  	[tilespmem:s15+$0x70] =	vst v0  }
0x3a: {  	[tilespmem:s15+$0x0] =	vst v0  }
0x3b: {  	[tilespmem:s15+$0x10] =	vst v0  }
0x3c: {  	[tilespmem:s15+$0x20] =	vst v0  }
0x3d: {  	[tilespmem:s15+$0x30] =	vst v0  }
0x3e: {  	[tilespmem:s15+$0x40] =	vst v0  }
0x3f: {  	[tilespmem:s15+$0x50] =	vst v0  }
0x40: {  	[tilespmem:s15+$0x60] =	vst v0;
	s15 =	simm.s32 $0x0;
	s5 =	rddreg [dreg:$0x9]  }
0x41: {  	[spmem:s5] =	stream.linear.scatter [tilespmem:s15], [sflag:$0x9], $0x3E80, $0x38;
	[tilespmem:$0x1BC80] =	vst v63  }
0x42: {  	_ =	swait.ge [sflag:s20], $0x3E80  }
0x43: {  	[sflag:s20] =	ssyncset.done $0x0  }
0x44: {  	s11 =	rddreg [dreg:$0xa];
	[sflag:s20] =	ssyncadd.s32 $0xFFFFC180  }
0x45: {  	[spmem:s11] =	stream.linear.scatter [tilespmem:s15], [sflag:$0x9], $0x3E80, $0x38;
	[tilespmem:$0x1BC80] =	vst v63  }
0x46: {  	_ =	swait.ge [sflag:s20], $0x3E80  }
0x47: {  	[sflag:s20] =	ssyncset.done $0x0  }
0x48: {  	s25 =	rddreg [dreg:$0xb];
	[sflag:s20] =	ssyncadd.s32 $0xFFFFC180  }
0x49: {  	[spmem:s25] =	stream.linear.scatter [tilespmem:s15], [sflag:$0x9], $0x3E80, $0x38;
	[tilespmem:$0x1BC80] =	vst v63  }
0x4a: {  	_ =	swait.ge [sflag:s20], $0x3E80  }
0x4b: {  	[sflag:s20] =	ssyncset.done $0x0  }
0x4c: {  	s11 =	rddreg [dreg:$0xc];
	[sflag:s20] =	ssyncadd.s32 $0xFFFFC180  }
0x4d: {  	[spmem:s11] =	stream.linear.scatter [tilespmem:s15], [sflag:$0x9], $0x3E80, $0x38;
	[tilespmem:$0x1BC80] =	vst v63  }
0x4e: {  	_ =	swait.ge [sflag:s20], $0x3E80  }
0x4f: {  	[sflag:s20] =	ssyncset.done $0x0  }
0x50: {  	s25 =	rddreg [dreg:$0xd];
	[sflag:s20] =	ssyncadd.s32 $0xFFFFC180  }
0x51: {  	[spmem:s25] =	stream.linear.scatter [tilespmem:s15], [sflag:$0x9], $0x3E80, $0x38;
	[tilespmem:$0x1BC80] =	vst v63  }
0x52: {  	_ =	swait.ge [sflag:s20], $0x3E80  }
0x53: {  	[sflag:s20] =	ssyncset.done $0x0  }
0x54: {  	[sflag:s20] =	ssyncadd.s32 $0xFFFFC180  }
0x55: {  	[bflag:$0x0] =	sbarrier.arrive $0xFFFF  }
0x56: {  	s11 =	rddreg [dreg:$0x3]  }
0x57: {  	[tilespmem:s21], [sflag:$0x5] =	stream.linear.gather [hbm4b:s11+s15], $0x100, $0x38;
	[tilespmem:$0x1BC80] =	vst v63  }
0x58: {  	s25 =	rddreg [dreg:$0x4]  }
0x59: {  	[tilespmem:s22], [sflag:$0x6] =	stream.linear.gather [hbm4b:s25+s15], $0x100, $0x38;
	[tilespmem:$0x1BC80] =	vst v63  }
0x5a: {  	s11 =	rddreg [dreg:$0x5]  }
0x5b: {  	[tilespmem:s23], [sflag:$0x7] =	stream.linear.gather [hbm4b:s11+s15], $0x100, $0x38;
	[tilespmem:$0x1BC80] =	vst v63  }
0x5c: {  	s25 =	rddreg [dreg:$0x6]  }
0x5d: {  	[tilespmem:s24], [sflag:$0x8] =	stream.linear.gather [hbm4b:s25+s15], $0x100, $0x38;
	[tilespmem:$0x1BC80] =	vst v63  }
0x5e: {  	_ =	swait.ge [sflag:s26], $0x100  }
0x5f: {  	[sflag:s26] =	ssyncset.done $0x0  }
0x60: {  	[sflag:s26] =	ssyncadd.s32 $0xFFFFFF00  }
0x61: {  	[tilespmem:s15], [sflag:$0x1] =	stream.indirect.gather [hbm4b:s4+s28], $0x80, s21, s28, $0xb8;
	[tilespmem:$0x1BC80] =	vst v63  }
0x62: {  	_ =	swait.ge [sflag:s29], $0x100  }
0x63: {  	[sflag:s29] =	ssyncset.done $0x0  }
0x64: {  	[sflag:s29] =	ssyncadd.s32 $0xFFFFFF00  }
0x65: {  	[tilespmem:s30], [sflag:$0x2] =	stream.indirect.gather [hbm4b:s4+s28], $0x80, s22, s28, $0xb8;
	[tilespmem:$0x1BC80] =	vst v63  }
.LBB2_4:
0x66: {  	_ =	swait.ge [sflag:s31], $0x4000  }
0x67: {  	[sflag:s31] =	ssyncset.done $0x0  }
0x68: {  	[sflag:s31] =	ssyncadd.s32 $0xFFFFC000  }
0x69: {  	[spmem:s2] =	stream.indirect.scatter.add.f32 [tilespmem:s3], [sflag:$0x3], $0x80, s1, s28, $0xb8;
	[tilespmem:$0x1BC80] =	vst v63  }
0x6a: {  	p0 =	seq.s32 s15, $0x980;
	_ =	swait.ge [sflag:s0], $0x4000  }
0x6b: {  	s5 =	sadd.s32 @!p0 s15, s19;
	[sflag:s0] =	ssyncset.done $0x0  }
0x6c: {  	s25 =	simm.s32 @!p0 $0x0;
	s11 =	simm.s32 @!p0 $0x8000;
	[sflag:s0] =	ssyncadd.s32 $0xFFFFC000  }
0x6d: {  	[tilespmem:s11], [sflag:$0x5] =	stream.linear.gather @!p0 [hbm4b:s5+s25], $0x100, $0x38;
	[tilespmem:$0x1BC80] =	vst v63  }
0x6e: {  	_ =	swait.ge [sflag:s6], $0x100  }
0x6f: {  	[sflag:s6] =	ssyncset.done $0x0  }
0x70: {  	[sflag:s6] =	ssyncadd.s32 $0xFFFFFF00  }
0x71: {  	[tilespmem:s3], [sflag:$0x1] =	stream.indirect.gather [hbm4b:s4+s28], $0x80, s23, s28, $0xb8;
	[tilespmem:$0x1BC80] =	vst v63  }
0x72: {  	_ =	swait.ge [sflag:s7], $0x4000  }
0x73: {  	[sflag:s7] =	ssyncset.done $0x0  }
0x74: {  	[sflag:s7] =	ssyncadd.s32 $0xFFFFC000  }
0x75: {  	[spmem:s2] =	stream.indirect.scatter.add.f32 [tilespmem:s30], [sflag:$0x4], $0x80, s8, s28, $0xb8;
	[tilespmem:$0x1BC80] =	vst v63  }
0x76: {  	_ =	swait.ge [sflag:s9], $0x4000  }
0x77: {  	[sflag:s9] =	ssyncset.done $0x0  }
0x78: {  	s5 =	sadd.s32 @!p0 s15, s18;
	s11 =	simm.s32 @!p0 $0x8100;
	[sflag:s9] =	ssyncadd.s32 $0xFFFFC000  }
0x79: {  	[tilespmem:s11], [sflag:$0x6] =	stream.linear.gather @!p0 [hbm4b:s5+s25], $0x100, $0x38;
	[tilespmem:$0x1BC80] =	vst v63  }
0x7a: {  	_ =	swait.ge [sflag:s10], $0x100  }
0x7b: {  	[sflag:s10] =	ssyncset.done $0x0  }
0x7c: {  	[sflag:s10] =	ssyncadd.s32 $0xFFFFFF00  }
0x7d: {  	[tilespmem:s30], [sflag:$0x2] =	stream.indirect.gather [hbm4b:s4+s28], $0x80, s24, s28, $0xb8;
	[tilespmem:$0x1BC80] =	vst v63  }
0x7e: {  	_ =	swait.ge [sflag:s31], $0x4000  }
0x7f: {  	[sflag:s31] =	ssyncset.done $0x0  }
.Ltmp3:
0x80: {  	[sflag:s31] =	ssyncadd.s32 $0xFFFFC000;
	(pc) =	sbr.rel @p0 .LBB2_6-.Ltmp3, $4  }
0x81: {  	[spmem:s2] =	stream.indirect.scatter.add.f32 [tilespmem:s3], [sflag:$0x3], $0x80, s12, s28, $0xb8;
	[tilespmem:$0x1BC80] =	vst v63  }
0x82: {  	_ =	swait.ge [sflag:s0], $0x4000  }
0x83: {  	[sflag:s0] =	ssyncset.done $0x0  }
0x84: {  	[sflag:s0] =	ssyncadd.s32 $0xFFFFC000  }
0x85: {  	s5 =	sadd.s32 s15, s17  }
0x86: {  	[tilespmem:s23], [sflag:$0x7] =	stream.linear.gather [hbm4b:s5+s3], $0x100, $0x38;
	[tilespmem:$0x1BC80] =	vst v63  }
0x87: {  	_ =	swait.ge [sflag:s26], $0x100  }
0x88: {  	[sflag:s26] =	ssyncset.done $0x0  }
0x89: {  	[sflag:s26] =	ssyncadd.s32 $0xFFFFFF00  }
0x8a: {  	[tilespmem:s3], [sflag:$0x1] =	stream.indirect.gather [hbm4b:s4+s28], $0x80, s21, s28, $0xb8;
	[tilespmem:$0x1BC80] =	vst v63  }
0x8b: {  	_ =	swait.ge [sflag:s7], $0x4000  }
0x8c: {  	[sflag:s7] =	ssyncset.done $0x0  }
0x8d: {  	[sflag:s7] =	ssyncadd.s32 $0xFFFFC000  }
0x8e: {  	[spmem:s2] =	stream.indirect.scatter.add.f32 [tilespmem:s30], [sflag:$0x4], $0x80, s13, s28, $0xb8;
	[tilespmem:$0x1BC80] =	vst v63  }
0x8f: {  	_ =	swait.ge [sflag:s9], $0x4000  }
0x90: {  	[sflag:s9] =	ssyncset.done $0x0  }
0x91: {  	s25 =	sadd.s32 s15, s16;
	[sflag:s9] =	ssyncadd.s32 $0xFFFFC000  }
0x92: {  	[tilespmem:s24], [sflag:$0x8] =	stream.linear.gather [hbm4b:s25+s3], $0x100, $0x38;
	[tilespmem:$0x1BC80] =	vst v63  }
.Ltmp4:
0x93: {  	_ = 	snop;
	(pc) =	sbr.rel .LBB2_4-.Ltmp4, $4  }
0x94: {  	_ =	swait.ge [sflag:s29], $0x100  }
0x95: {  	[sflag:s29] =	ssyncset.done $0x0  }
0x96: {  	s15 =	sadd.s32 $0x80, s15;
	[sflag:s29] =	ssyncadd.s32 $0xFFFFFF00  }
0x97: {  	[tilespmem:s30], [sflag:$0x2] =	stream.indirect.gather [hbm4b:s4+s28], $0x80, s22, s28, $0xb8;
	[tilespmem:$0x1BC80] =	vst v63  }
.LBB2_7:
0x98: {  	_ =	sfence.sel $0x180000  }
0x99: {  	[bflag:$0x0] =	sbarrier.arrive $0xFFFF  }
0x9a: {  	_ =	strace $0x9000004D  }
0x9b: {  	s0 =	stileid.u32;
	[bflag:$0x2] =	sbarrier.arrive $0xFFFF  }
0x9c: {  	p0 =	sne.s32 s0, $0x0;
	s0 =	rddreg [dreg:$0x2]  }
0x9d: {  	s0 =	sadd.s32 @!p0 $0x100000, s0  }
0x9e: {  	[sflag:s0] =	ssyncadd.tile.s32 @!p0 $0x1;
	_ =	shalt  }
.Lfunc_end2:
_tile_overlayer_lowered:
.L_overlay_start_2:
0x9f: {  	(tag) =	ssettag $0x2  }
0xa0: {  	s0 =	rddreg [dreg:$0x0];
	s2 =	stileid.u32  }
0xa1: {  	s1 =	rddreg [dreg:$0x1];
	p0 =	sne.s32 s2, $0x0  }
0xa2: {  	s3 =	rddreg [dreg:$0x2];
	[bflag:$0x3] =	sbarrier.arrive $0xFFFF;
	s2 =	simm.s32 @!p0 $0x1C09  }
0xa3: {  	[timem:s3], [sflag:s2] =	dma.local @!p0 [hbm:s0], s1  }
0xa4: {  	s0 =	simm.s32 @!p0 $0x9  }
0xa5: {  	_ =	swait.ge @!p0 [sflag:s0], s1  }
0xa6: {  	s1 =	ssub.s32 @!p0 $0x0, s1;
	[sflag:s0] =	ssyncset.done @!p0 $0x0  }
0xa7: {  	[sflag:s0] =	ssyncadd.s32 @!p0 s1  }
0xa8: {  	[bflag:$0x3] =	sbarrier.arrive $0xFFFF  }
0xa9: {  	_ =	shalt  }

// kernel: kernel.19.cloned.1.call-start
scs
__scs_entry_jumppad:
0x0: {  	(pc) =	sbr.rel $0x88, $3  }
0x1: {  	(tag) =	ssettag $0x0;
	lr =	simm.s32 $0x1  }
0x2: {  	[smem:$0x3F95] =	sst lr;
	_ =	strace $0xD0000000  }
0x3: {  	_ = 	snop  }
0x4: {  	_ = 	snop  }
0x5: {  	_ = 	snop  }
0x6: {  	_ = 	snop  }
0x7: {  	_ = 	snop  }
__scs_overlays_trampoline_lowered:
0x8: {  	[smem:$0x3FA4] =	sst s0  }
0x9: {  	[smem:$0x3FA5] =	sst s1  }
0xa: {  	[smem:$0x3FA6] =	sst s2  }
0xb: {  	[smem:$0x3FA7] =	sst s3  }
0xc: {  	[smem:$0x3FA8] =	sst s4  }
0xd: {  	[smem:$0x3FA9] =	sst s5  }
0xe: {  	[smem:$0x3FAA] =	sst s6  }
0xf: {  	[smem:$0x3FAB] =	sst s7  }
0x10: {  	[smem:$0x3FAC] =	sst s8  }
0x11: {  	[smem:$0x3FAD] =	sst s9;
	s0 =	simm.s32 @!p0 $0x0  }
0x12: {  	s1 =	sld [smem:$0x3F93];
	s0 =	simm.s32 @p0 $0x1  }
0x13: {  	[smem:$0x3FAE] =	sst s0;
	s0 =	simm.s32 @!p1 $0x0  }
0x14: {  	s2 =	sld [smem:$0x3F92];
	s0 =	simm.s32 @p1 $0x1  }
0x15: {  	[smem:$0x3FAF] =	sst s0;
	s0 =	simm.s32 @!p2 $0x0  }
0x16: {  	s3 =	sld [smem:$0x3FDB];
	s0 =	simm.s32 @p2 $0x1  }
0x17: {  	s4 =	simm.s32 $0x1BF5;
	[smem:$0x3FB1] =	sst s0  }
0x18: {  	s0 =	sld [smem:$0x3F94];
	_ =	swait.ge [sflag:s4], $0x0  }
0x19: {  	s7 =	sld [smem:$0x3F95]  }
0x1a: {  	s8 =	sadd.s32 $0xFFFFE003, lr  }
0x1b: {  	s9 =	sadd.s32 $0xFFFFFEF7, lr;
	s5 =	simm.s32 $0xFFFFFFFF;
	p2 =	slt.u32 s8, $0xFFFFF086  }
0x1c: {  	p1 =	slt.u32 s9, $0xF7A;
	s5 =	simm.s32 @!p2 $0x0  }
0x1d: {  	s5 =	simm.s32 @p1 $0x1;
	p0 =	seq.s32 s7, s2  }
0x1e: {  	s7 =	smul.u32 @!p0 $0xF7A, s2;
	p2 =	seq.s32 @!p0 s5, $0x0  }
0x1f: {  	s9 =	smul.u32 $0xF7A, s1;
	s8 =	simm.s32 @!p0 $0x1BF5;
	p2 =	por !p2, p0  }
0x20: {  	[sflag:s8] =	ssyncset.s32 @!p0 $0xFFFFF086;
	s6 =	sadd.s32 @!p0 s3, s7;
	s7 =	simm.s32 @!p0 $0x108  }
0x21: {  	s3 =	sadd.s32 s3, s9;
	s6 =	sadd.s32 @!p0 $0x88, s6;
	s7 =	simm.s32 @p2 $0x1082  }
0x22: {  	[simem:s7], [sflag:s8] =	dma.local @!p0 [hbm:s6], $0xF7A  }
0x23: {  	s9 =	sor.u32 $0xD0000000, s2;
	s6 =	simm.s32 $0x108;
	_ =	swait.ge @!p0 [sflag:s8], $0x0  }
0x24: {  	s3 =	sadd.s32 $0x88, s3;
	s6 =	simm.s32 @!p1 $0x1082;
	[sflag:s4] =	ssyncset.s32 $0xFFFFF086  }
0x25: {  	[simem:s6], [sflag:s4] =	dma.local [hbm:s3], $0xF7A  }
0x26: {  	[smem:$0x3F95] =	sst s1;
	(tag) =	ssettag s2;
	_ =	strace s9  }
0x27: {  	s1 =	sld [smem:$0x3FA5]  }
0x28: {  	s2 =	sld [smem:$0x3FA6]  }
0x29: {  	s4 =	sld [smem:$0x3FA8]  }
0x2a: {  	p0 =	seq.s32 s5, $0x0;
	s5 =	sld [smem:$0x3FA9]  }
0x2b: {  	s6 =	sld [smem:$0x3FAA]  }
0x2c: {  	s7 =	sld [smem:$0x3FAB]  }
0x2d: {  	s3 =	simm.s32 $0x108;
	s8 =	sld [smem:$0x3FAC]  }
0x2e: {  	s3 =	simm.s32 @!p0 $0x1082;
	s9 =	sld [smem:$0x3FAD]  }
0x2f: {  	lr =	sadd.s32 s0, s3;
	s0 =	sld [smem:$0x3FA4]  }
0x30: {  	s3 =	sld [smem:$0x3FA7]  }
0x31: {  	[smem:$0x3FB0] =	sst s10  }
0x32: {  	s10 =	sld [smem:$0x3FAE];
	_ =	sdelay $0x3  }
0x33: {  	p0 =	seq.s32 s10, $0x1;
	s10 =	sld [smem:$0x3FB0];
	_ =	sdelay $0x3  }
0x34: {  	[smem:$0x3FB0] =	sst s10  }
0x35: {  	s10 =	sld [smem:$0x3FAF];
	_ =	sdelay $0x3  }
0x36: {  	p1 =	seq.s32 s10, $0x1;
	s10 =	sld [smem:$0x3FB0];
	_ =	sdelay $0x3  }
0x37: {  	[smem:$0x3FB0] =	sst s10  }
0x38: {  	s10 =	sld [smem:$0x3FB1]  }
0x39: {  	_ = 	snop;
	(pc) =	sbr.ind lr, $3  }
0x3a: {  	_ = 	snop  }
0x3b: {  	_ = 	snop  }
0x3c: {  	p2 =	seq.s32 s10, $0x1;
	s10 =	sld [smem:$0x3FB0]  }
0x3d: {  	_ =	shalt  }
0x3e: {  	_ =	shalt  }
0x3f: {  	_ =	shalt  }
0x40: {  	_ =	shalt  }
0x41: {  	_ =	shalt  }
0x42: {  	_ =	shalt  }
0x43: {  	_ =	shalt  }
0x44: {  	_ =	shalt  }
0x45: {  	_ =	shalt  }
0x46: {  	_ =	shalt  }
0x47: {  	_ =	shalt  }
0x48: {  	_ =	shalt  }
0x49: {  	_ =	shalt  }
0x4a: {  	_ =	shalt  }
0x4b: {  	_ =	shalt  }
0x4c: {  	_ =	shalt  }
0x4d: {  	_ =	shalt  }
0x4e: {  	_ =	shalt  }
0x4f: {  	_ =	shalt  }
0x50: {  	_ =	shalt  }
0x51: {  	_ =	shalt  }
0x52: {  	_ =	shalt  }
0x53: {  	_ =	shalt  }
0x54: {  	_ =	shalt  }
0x55: {  	_ =	shalt  }
0x56: {  	_ =	shalt  }
0x57: {  	_ =	shalt  }
0x58: {  	_ =	shalt  }
0x59: {  	_ =	shalt  }
0x5a: {  	_ =	shalt  }
0x5b: {  	_ =	shalt  }
0x5c: {  	_ =	shalt  }
0x5d: {  	_ =	shalt  }
0x5e: {  	_ =	shalt  }
0x5f: {  	_ =	shalt  }
0x60: {  	_ =	shalt  }
0x61: {  	_ =	shalt  }
0x62: {  	_ =	shalt  }
0x63: {  	_ =	shalt  }
0x64: {  	_ =	shalt  }
0x65: {  	_ =	shalt  }
0x66: {  	_ =	shalt  }
0x67: {  	_ =	shalt  }
0x68: {  	_ =	shalt  }
0x69: {  	_ =	shalt  }
0x6a: {  	_ =	shalt  }
0x6b: {  	_ =	shalt  }
0x6c: {  	_ =	shalt  }
0x6d: {  	_ =	shalt  }
0x6e: {  	_ =	shalt  }
0x6f: {  	_ =	shalt  }
0x70: {  	_ =	shalt  }
0x71: {  	_ =	shalt  }
0x72: {  	_ =	shalt  }
0x73: {  	_ =	shalt  }
0x74: {  	_ =	shalt  }
0x75: {  	_ =	shalt  }
0x76: {  	_ =	shalt  }
0x77: {  	_ =	shalt  }
0x78: {  	_ =	shalt  }
0x79: {  	_ =	shalt  }
0x7a: {  	_ =	shalt  }
0x7b: {  	_ =	shalt  }
0x7c: {  	_ =	shalt  }
0x7d: {  	_ =	shalt  }
0x7e: {  	_ =	shalt  }
0x7f: {  	_ =	shalt  }
0x80: {  	_ =	shalt  }
0x81: {  	_ =	shalt  }
0x82: {  	_ =	shalt  }
0x83: {  	_ =	shalt  }
0x84: {  	_ =	shalt  }
0x85: {  	_ =	shalt  }
0x86: {  	_ =	shalt  }
0x87: {  	_ =	shalt  }
.Lfunc_end0:
.L_simem_size_0:
called_computation.3_lowered:
.L_overlay_start_0:
0x88: {  	s2 =	sld [smem:$0x3FD9]  }
0x89: {  	s3 =	sld [smem:$0x3FFE];
	_ =	sdelay $0x1  }
0x8a: {  	s1 =	srdreg.scid  }
0x8b: {  	s0 =	sand.u32 $0x1, s1  }
0x8c: {  	s16 =	sshll.u32 s0, $0xA;
	s2 =	sadd.s32 s3, s2  }
0x8d: {  	s2 =	sadd.s32 s2, s16  }
0x8e: {  	[smem:$0x3FBC] =	sst s2  }
0x8f: {  	_ = 	snop  }
0x90: {  	(tm) =	ssettm $0x1  }
0x91: {  	s17 =	sld [smem:$0x3FFB];
	_ =	sdelay $0x3  }
0x92: {  	_ =	strace s17  }
0x93: {  	s2 =	sld [smem:$0x3FFC];
	_ =	sdelay $0x3  }
0x94: {  	_ =	strace s2  }
0x95: {  	s2 =	sld [smem:$0x3FFD];
	_ =	sdelay $0x3  }
0x96: {  	_ =	strace s2  }
0x97: {  	_ =	strace $0x8FFFFFFF  }
0x98: {  	s18 =	sld [smem:$0x3FDB];
	_ =	sdelay $0x1  }
0x99: {  	s19 =	simm.s32 $_scs_section_size  }
0x9a: {  	s4 =	simm.s32 $_size__tile_overlayer_lowered;
	s5 =	simm.s32 $_tile_overlayer_lowered  }
0x9b: {  	s22 =	simm.s32 $0x1BFF;
	s21 =	sshll.u32 s5, $0x1;
	s2 =	sadd.s32 s19, s18  }
0x9c: {  	s6 =	simm.s32 $0x0;
	s20 =	sshll.u32 s4, $0x1;
	s4 =	sadd.s32 s21, s2  }
0x9d: {  	[timem:s6], [sflag:s22] =	dma.local [hbm:s4], s20  }
0x9e: {  	_ =	swait.ge [sflag:s22], s20  }
0x9f: {  	s3 =	ssub.s32 $0x0, s20;
	[sflag:s22] =	ssyncset.done $0x0  }
0xa0: {  	[sflag:s22] =	ssyncadd.s32 s3;
	_ =	sdelay $0x1  }
0xa1: {  	s23 =	simm.s32 $0x1B8B  }
0xa2: {  	_ =	swait.ge [sflag:s23], $0x1  }
0xa3: {  	[sflag:s23] =	ssyncset.done $0x0  }
0xa4: {  	s25 =	simm.s32 $0x1B8E;
	s24 =	sld [smem:$0x3FFE];
	[sflag:s23] =	ssyncadd.s32 $0xFFFFFFFF  }
0xa5: {  	s26 =	simm.s32 $execute0_lowered;
	[smem:$0x3FD2] =	sst s25  }
0xa6: {  	s4 =	sshll.u32 s26, $0x1;
	_ =	strace $0x8000004F;
	[dreg:$0x1] =	wrdreg $0xFFFFFFFF  }
0xa7: {  	s28 =	simm.s32 $_size_execute0_lowered;
	s2 =	sadd.s32 s2, s4;
	[dreg:$0x0] =	wrdreg $0x0  }
0xa8: {  	s4 =	sshll.u32 s28, $0x1;
	[dreg:$0x2] =	wrdreg s2  }
0xa9: {  	[dreg:$0x3] =	wrdreg s4  }
0xaa: {  	[dreg:$0x4] =	wrdreg $0xC0  }
0xab: {  	_ =	task [dreg:s6], $0x5FFFF  }
0xac: {  	[dreg:$0x1] =	wrdreg $0xFFFFFFFF  }
0xad: {  	[dreg:$0x0] =	wrdreg $0x60  }
0xae: {  	[dreg:$0x2] =	wrdreg s24  }
0xaf: {  	[dreg:$0x3] =	wrdreg $0x34000  }
0xb0: {  	[dreg:$0x4] =	wrdreg $0x9  }
0xb1: {  	_ =	task.clear_ibuf [dreg:s6], $0x5FFFF;
	_ =	strace $0x9000004F  }
0xb2: {  	s29 =	simm.s32 $0x9;
	_ =	strace $0x80000051  }
0xb3: {  	_ =	swait.ge [sflag:s29], $0x1  }
0xb4: {  	[sflag:s29] =	ssyncadd.s32 $0xFFFFFFFF  }
0xb5: {  	_ =	strace $0x90000051  }
0xb6: {  	_ =	sfence  }
0xb7: {  	s30 =	sld [smem:$0x0];
	_ =	sdelay $0x2  }
0xb8: {  	s31 =	sshll.u32 s1, $0xD;
	s1 =	sshrl.u32 s1, $0x2  }
0xb9: {  	s3 =	sand.u32 $0x4000, s31;
	s1 =	sadd.s32 s1, s30  }
0xba: {  	s0 =	sor.u32 s3, s0;
	s1 =	sshll.u32 s1, $0x11  }
0xbb: {  	s0 =	sor.u32 s1, s0  }
0xbc: {  	s0 =	sadd.s32 $0x8F2B, s0  }
0xbd: {  	[sflag:s0] =	ssyncadd.remote.s32 $0x1  }
0xbe: {  	_ =	sfence.sel $0xFFFF  }
0xbf: {  	[dreg:$0x0] =	wrdreg $0xFFFFFFFF;
	(pc) =	sbr.abs _section_cstart, $3  }
0xc0: {  	[dreg:$0x1] =	wrdreg $0xFFFFFFFF  }
0xc1: {  	_ =	task.clear_ibuf [dreg:s6], $0x2FFFF;
	_ =	strace $0x9FFFFFFF  }
0xc2: {  	(tm) =	ssettm $0x7FFFFFFF  }
0xc3: {  	_ =	shalt  }
tec
execute0_lowered:
.L_overlay_start_1:
0x0: {  	(tag) =	ssettag $0x1  }
0x1: {  	s0 =	srdreg.scid;
	s1 =	rddreg [dreg:$0x0]  }
0x2: {  	s11 =	stileid.u32;
	s2 =	rddreg [dreg:$0x1]  }
0x3: {  	s3 =	simm.s32 $0x0;
	s28 =	simm.s32 $0x80;
	s29 =	simm.s32 $0x6  }
0x4: {  	s30 =	simm.s32 $0x1800;
	s31 =	simm.s32 $0x1;
	s5 =	smul.u32 $0x7530, s11  }
0x5: {  	s0 =	sand.u32 $0x1, s0;
	[smem:$0x7FF] =	sst s3;
	s9 =	smul.u32 $0x1D4C0, s11  }
0x6: {  	s8 =	sadd.s32 $0xC600, s1;
	s4 =	smul.u32 $0x75300, s0;
	s6 =	sshll.u32 s0, $0x4  }
0x7: {  	_ =	strace $0x80000050;
	s25 =	ssub.s32 $0x2, s0;
	s0 =	smul.u32 $0x50000, s0  }
0x8: {  	s6 =	sor.u32 s11, s6;
	s10 =	sshrl.u32 s25, $0x1;
	s11 =	smul.u32 $0x5000, s11  }
0x9: {  	s15 =	sadd.s32 s5, s2;
	s18 =	sshrl.u32 s9, $0x2;
	s9 =	simm.s32 $0x4  }
0xa: {  	s4 =	sadd.s32 s5, s4;
	s6 =	smul.u32 $0x5000, s6;
	s26 =	ssub.s32 s25, s10  }
0xb: {  	s19 =	sadd.s32 s18, s2;
	s7 =	sshrl.u32 s4, $0x3;
	s4 =	sadd.s32 $0x20600, s1  }
0xc: {  	s0 =	sadd.s32 s11, s0;
	s21 =	sadd.s32 $0x1770, s19;
	[dreg:$0x9] =	wrdreg s19  }
0xd: {  	s22 =	sadd.s32 $0x2EE0, s19;
	s23 =	sadd.s32 $0x4650, s19;
	[dreg:$0xa] =	wrdreg s21  }
0xe: {  	s1 =	sadd.s32 s7, s1;
	s6 =	sshrl.u32 s6, $0x3;
	[dreg:$0xb] =	wrdreg s22  }
0xf: {  	s20 =	sor.u32 $0x700, s0;
	[dreg:$0xc] =	wrdreg s23;
	s24 =	sor.u32 $0x600, s0  }
0x10: {  	s25 =	sor.u32 $0x500, s0;
	s0 =	sor.u32 $0x400, s0;
	s21 =	simm.s32 $0x3000  }
0x11: {  	s22 =	simm.s32 $0x3100;
	s23 =	simm.s32 $0x3200;
	s7 =	simm.s32 $0x2  }
0x12: {  	s12 =	sadd.s32 s8, s6;
	s1 =	sadd.s32 $0x2F200, s1;
	s6 =	smax.u32 s26, $0x1  }
0x13: {  	s5 =	sshrl.u32 s20, $0x3;
	s0 =	sshrl.u32 s0, $0x3;
	s20 =	simm.s32 $0x9  }
0x14: {  	s26 =	sshrl.u32 s15, $0x3;
	s10 =	sadd.s32 $0x20, s12;
	[dreg:$0x3] =	wrdreg s12  }
0x15: {  	s13 =	sadd.s32 $0x40, s12;
	s14 =	sadd.s32 $0x60, s12;
	[dreg:$0x7] =	wrdreg s1  }
0x16: {  	[dreg:$0x8] =	wrdreg s6;
	s6 =	sadd.s32 $0x5DC0, s19;
	s16 =	sadd.s32 s5, s8  }
0x17: {  	s5 =	sshrl.u32 s24, $0x3;
	s19 =	sadd.s32 s0, s8;
	[dreg:$0xe] =	wrdreg s26  }
0x18: {  	s24 =	simm.s32 $0x3300;
	s26 =	simm.s32 $0x5;
	[dreg:$0x4] =	wrdreg s10  }
.Ltmp0:
0x19: {  	s1 =	simm.s32 $0x3080;
	[dreg:$0x5] =	wrdreg s13;
	(pc) =	sbr.rel .LBB2_1-.Ltmp0, $4  }
0x1a: {  	s0 =	simm.s32 $0x3;
	s12 =	simm.s32 $0x3280;
	[dreg:$0x6] =	wrdreg s14  }
0x1b: {  	[dreg:$0xd] =	wrdreg s6;
	s6 =	sshrl.u32 s25, $0x3;
	s17 =	sadd.s32 s5, s8  }
0x1c: {  	s10 =	simm.s32 $0x8;
	s13 =	simm.s32 $0x3380;
	s14 =	simm.s32 $0x0  }
0x1d: {  	v0 =	vimm.f32 $0.0e+00;
	s18 =	sadd.s32 s6, s8;
	s6 =	simm.s32 $0x7;
	s8 =	simm.s32 $0x3180  }
.LBB2_6:
0x1e: {  	_ =	swait.ge [sflag:s7], $0x1800  }
0x1f: {  	[sflag:s7] =	ssyncset.done $0x0  }
0x20: {  	[sflag:s7] =	ssyncadd.s32 $0xFFFFE800  }
0x21: {  	[spmem:s2] =	stream.indirect.scatter.add.f32 [tilespmem:s30], [sflag:$0x4], $0x30, s13, s28, $0xb8;
	[tilespmem:$0xA930] =	vst v63  }
0x22: {  	_ =	swait.ge [sflag:s9], $0x1800  }
0x23: {  	[sflag:s9] =	ssyncset.done $0x0  }
0x24: {  	[sflag:s9] =	ssyncadd.s32 $0xFFFFE800  }
0x25: {  	s5 =	stileid.u32;
	[bflag:$0x0] =	sbarrier.arrive $0xFFFF  }
0x26: {  	s5 =	sshll.u32 s5, $0x6;
	s11 =	rddreg [dreg:$0x7]  }
0x27: {  	s5 =	sor.u32 $0x1C09, s5;
	s15 =	rddreg [dreg:$0xe]  }
0x28: {  	[hbm:s11], [sflag:s5] =	dma.local [spmem:s15], $0xEA6  }
0x29: {  	_ =	swait.ge [sflag:s20], $0xEA6  }
0x2a: {  	s14 =	sadd.s32 $0x1, s14;
	s25 =	rddreg [dreg:$0x8]  }
0x2b: {  	p0 =	sne.s32 s14, s25  }
.Ltmp1:
0x2c: {  	_ = 	snop;
	(pc) =	sbr.rel @!p0 .LBB2_7-.Ltmp1, $3  }
0x2d: {  	_ =	sdelay $0x1  }
0x2e: {  	[sflag:s20] =	ssyncset.done $0x0  }
0x2f: {  	[sflag:s20] =	ssyncadd.s32 $0xFFFFF15A  }
.LBB2_1:
0x30: {  	s5 =	simm.s32 $0xC0;
	s15 =	simm.s32 $0x0  }
.LBB2_2:
0x31: {  	p0 =	sne.s32 s5, $0x5D00;
	[tilespmem:s15+$0x20] =	vst v0;
	s11 =	smov.u32 s5;
	s5 =	sadd.s32 $0xC0, s5  }
.Ltmp2:
0x32: {  	[tilespmem:s15+$0x0] =	vst v0;
	(pc) =	sbr.rel @p0 .LBB2_2-.Ltmp2, $2  }
0x33: {  	[tilespmem:s15+$0x10] =	vst v0;
	_ =	sdelay $0x2  }
0x34: {  	s15 =	sshra.s32 s11, $0x2  }
0x35: {  	[tilespmem:s15+$0x20] =	vst v0  }
0x36: {  	[tilespmem:s15+$0x0] =	vst v0  }
0x37: {  	[tilespmem:s15+$0x10] =	vst v0;
	s5 =	simm.s32 $0x0;
	s11 =	rddreg [dreg:$0x9]  }
0x38: {  	[spmem:s11] =	stream.linear.scatter [tilespmem:s5], [sflag:$0x9], $0x1770, $0x38;
	[tilespmem:$0xA930] =	vst v63  }
0x39: {  	_ =	swait.ge [sflag:s20], $0x1770  }
0x3a: {  	[sflag:s20] =	ssyncset.done $0x0  }
0x3b: {  	s15 =	rddreg [dreg:$0xa];
	[sflag:s20] =	ssyncadd.s32 $0xFFFFE890  }
0x3c: {  	[spmem:s15] =	stream.linear.scatter [tilespmem:s5], [sflag:$0x9], $0x1770, $0x38;
	[tilespmem:$0xA930] =	vst v63  }
0x3d: {  	_ =	swait.ge [sflag:s20], $0x1770  }
0x3e: {  	[sflag:s20] =	ssyncset.done $0x0  }
0x3f: {  	s25 =	rddreg [dreg:$0xb];
	[sflag:s20] =	ssyncadd.s32 $0xFFFFE890  }
0x40: {  	[spmem:s25] =	stream.linear.scatter [tilespmem:s5], [sflag:$0x9], $0x1770, $0x38;
	[tilespmem:$0xA930] =	vst v63  }
0x41: {  	_ =	swait.ge [sflag:s20], $0x1770  }
0x42: {  	[sflag:s20] =	ssyncset.done $0x0  }
0x43: {  	s15 =	rddreg [dreg:$0xc];
	[sflag:s20] =	ssyncadd.s32 $0xFFFFE890  }
0x44: {  	[spmem:s15] =	stream.linear.scatter [tilespmem:s5], [sflag:$0x9], $0x1770, $0x38;
	[tilespmem:$0xA930] =	vst v63  }
0x45: {  	_ =	swait.ge [sflag:s20], $0x1770  }
0x46: {  	[sflag:s20] =	ssyncset.done $0x0  }
0x47: {  	s25 =	rddreg [dreg:$0xd];
	[sflag:s20] =	ssyncadd.s32 $0xFFFFE890  }
0x48: {  	[spmem:s25] =	stream.linear.scatter [tilespmem:s5], [sflag:$0x9], $0x1770, $0x38;
	[tilespmem:$0xA930] =	vst v63  }
0x49: {  	_ =	swait.ge [sflag:s20], $0x1770  }
0x4a: {  	[sflag:s20] =	ssyncset.done $0x0  }
0x4b: {  	[sflag:s20] =	ssyncadd.s32 $0xFFFFE890  }
0x4c: {  	[bflag:$0x0] =	sbarrier.arrive $0xFFFF  }
0x4d: {  	s15 =	rddreg [dreg:$0x3]  }
0x4e: {  	[tilespmem:s21], [sflag:$0x5] =	stream.linear.gather [hbm4b:s15+s5], $0x100, $0x38;
	[tilespmem:$0xA930] =	vst v63  }
0x4f: {  	s25 =	rddreg [dreg:$0x4]  }
0x50: {  	[tilespmem:s22], [sflag:$0x6] =	stream.linear.gather [hbm4b:s25+s5], $0x100, $0x38;
	[tilespmem:$0xA930] =	vst v63  }
0x51: {  	s15 =	rddreg [dreg:$0x5]  }
0x52: {  	[tilespmem:s23], [sflag:$0x7] =	stream.linear.gather [hbm4b:s15+s5], $0x100, $0x38;
	[tilespmem:$0xA930] =	vst v63  }
0x53: {  	s25 =	rddreg [dreg:$0x6]  }
0x54: {  	[tilespmem:s24], [sflag:$0x8] =	stream.linear.gather [hbm4b:s25+s5], $0x100, $0x38;
	[tilespmem:$0xA930] =	vst v63  }
0x55: {  	_ =	swait.ge [sflag:s26], $0x100  }
0x56: {  	[sflag:s26] =	ssyncset.done $0x0  }
0x57: {  	[sflag:s26] =	ssyncadd.s32 $0xFFFFFF00  }
0x58: {  	[tilespmem:s5], [sflag:$0x1] =	stream.indirect.gather [hbm4b:s4+s28], $0x30, s21, s28, $0xb8;
	[tilespmem:$0xA930] =	vst v63  }
0x59: {  	_ =	swait.ge [sflag:s29], $0x100  }
0x5a: {  	[sflag:s29] =	ssyncset.done $0x0  }
0x5b: {  	[sflag:s29] =	ssyncadd.s32 $0xFFFFFF00  }
0x5c: {  	[tilespmem:s30], [sflag:$0x2] =	stream.indirect.gather [hbm4b:s4+s28], $0x30, s22, s28, $0xb8;
	[tilespmem:$0xA930] =	vst v63  }
.LBB2_4:
0x5d: {  	_ =	swait.ge [sflag:s31], $0x1800  }
0x5e: {  	[sflag:s31] =	ssyncset.done $0x0  }
0x5f: {  	[sflag:s31] =	ssyncadd.s32 $0xFFFFE800  }
0x60: {  	[spmem:s2] =	stream.indirect.scatter.add.f32 [tilespmem:s3], [sflag:$0x3], $0x30, s1, s28, $0xb8;
	[tilespmem:$0xA930] =	vst v63  }
0x61: {  	p0 =	seq.s32 s5, $0x980;
	_ =	swait.ge [sflag:s0], $0x1800  }
0x62: {  	s11 =	sadd.s32 @!p0 s5, s19;
	[sflag:s0] =	ssyncset.done $0x0  }
0x63: {  	s15 =	simm.s32 @!p0 $0x0;
	s25 =	simm.s32 @!p0 $0x3000;
	[sflag:s0] =	ssyncadd.s32 $0xFFFFE800  }
0x64: {  	[tilespmem:s25], [sflag:$0x5] =	stream.linear.gather @!p0 [hbm4b:s11+s15], $0x100, $0x38;
	[tilespmem:$0xA930] =	vst v63  }
0x65: {  	_ =	swait.ge [sflag:s6], $0x100  }
0x66: {  	[sflag:s6] =	ssyncset.done $0x0  }
0x67: {  	[sflag:s6] =	ssyncadd.s32 $0xFFFFFF00  }
0x68: {  	[tilespmem:s3], [sflag:$0x1] =	stream.indirect.gather [hbm4b:s4+s28], $0x30, s23, s28, $0xb8;
	[tilespmem:$0xA930] =	vst v63  }
0x69: {  	_ =	swait.ge [sflag:s7], $0x1800  }
0x6a: {  	[sflag:s7] =	ssyncset.done $0x0  }
0x6b: {  	[sflag:s7] =	ssyncadd.s32 $0xFFFFE800  }
0x6c: {  	[spmem:s2] =	stream.indirect.scatter.add.f32 [tilespmem:s30], [sflag:$0x4], $0x30, s8, s28, $0xb8;
	[tilespmem:$0xA930] =	vst v63  }
0x6d: {  	_ =	swait.ge [sflag:s9], $0x1800  }
0x6e: {  	[sflag:s9] =	ssyncset.done $0x0  }
0x6f: {  	s11 =	sadd.s32 @!p0 s5, s18;
	s25 =	simm.s32 @!p0 $0x3100;
	[sflag:s9] =	ssyncadd.s32 $0xFFFFE800  }
0x70: {  	[tilespmem:s25], [sflag:$0x6] =	stream.linear.gather @!p0 [hbm4b:s11+s15], $0x100, $0x38;
	[tilespmem:$0xA930] =	vst v63  }
0x71: {  	_ =	swait.ge [sflag:s10], $0x100  }
0x72: {  	[sflag:s10] =	ssyncset.done $0x0  }
0x73: {  	[sflag:s10] =	ssyncadd.s32 $0xFFFFFF00  }
0x74: {  	[tilespmem:s30], [sflag:$0x2] =	stream.indirect.gather [hbm4b:s4+s28], $0x30, s24, s28, $0xb8;
	[tilespmem:$0xA930] =	vst v63  }
0x75: {  	_ =	swait.ge [sflag:s31], $0x1800  }
0x76: {  	[sflag:s31] =	ssyncset.done $0x0  }
.Ltmp3:
0x77: {  	[sflag:s31] =	ssyncadd.s32 $0xFFFFE800;
	(pc) =	sbr.rel @p0 .LBB2_6-.Ltmp3, $4  }
0x78: {  	[spmem:s2] =	stream.indirect.scatter.add.f32 [tilespmem:s3], [sflag:$0x3], $0x30, s12, s28, $0xb8;
	[tilespmem:$0xA930] =	vst v63  }
0x79: {  	_ =	swait.ge [sflag:s0], $0x1800  }
0x7a: {  	[sflag:s0] =	ssyncset.done $0x0  }
0x7b: {  	[sflag:s0] =	ssyncadd.s32 $0xFFFFE800  }
0x7c: {  	s11 =	sadd.s32 s5, s17  }
0x7d: {  	[tilespmem:s23], [sflag:$0x7] =	stream.linear.gather [hbm4b:s11+s3], $0x100, $0x38;
	[tilespmem:$0xA930] =	vst v63  }
0x7e: {  	_ =	swait.ge [sflag:s26], $0x100  }
0x7f: {  	[sflag:s26] =	ssyncset.done $0x0  }
0x80: {  	[sflag:s26] =	ssyncadd.s32 $0xFFFFFF00  }
0x81: {  	[tilespmem:s3], [sflag:$0x1] =	stream.indirect.gather [hbm4b:s4+s28], $0x30, s21, s28, $0xb8;
	[tilespmem:$0xA930] =	vst v63  }
0x82: {  	_ =	swait.ge [sflag:s7], $0x1800  }
0x83: {  	[sflag:s7] =	ssyncset.done $0x0  }
0x84: {  	[sflag:s7] =	ssyncadd.s32 $0xFFFFE800  }
0x85: {  	[spmem:s2] =	stream.indirect.scatter.add.f32 [tilespmem:s30], [sflag:$0x4], $0x30, s13, s28, $0xb8;
	[tilespmem:$0xA930] =	vst v63  }
0x86: {  	_ =	swait.ge [sflag:s9], $0x1800  }
0x87: {  	[sflag:s9] =	ssyncset.done $0x0  }
0x88: {  	s25 =	sadd.s32 s5, s16;
	[sflag:s9] =	ssyncadd.s32 $0xFFFFE800  }
0x89: {  	[tilespmem:s24], [sflag:$0x8] =	stream.linear.gather [hbm4b:s25+s3], $0x100, $0x38;
	[tilespmem:$0xA930] =	vst v63  }
.Ltmp4:
0x8a: {  	_ = 	snop;
	(pc) =	sbr.rel .LBB2_4-.Ltmp4, $4  }
0x8b: {  	_ =	swait.ge [sflag:s29], $0x100  }
0x8c: {  	[sflag:s29] =	ssyncset.done $0x0  }
0x8d: {  	s5 =	sadd.s32 $0x80, s5;
	[sflag:s29] =	ssyncadd.s32 $0xFFFFFF00  }
0x8e: {  	[tilespmem:s30], [sflag:$0x2] =	stream.indirect.gather [hbm4b:s4+s28], $0x30, s22, s28, $0xb8;
	[tilespmem:$0xA930] =	vst v63  }
.LBB2_7:
0x8f: {  	_ =	sfence.sel $0x180000  }
0x90: {  	[bflag:$0x0] =	sbarrier.arrive $0xFFFF  }
0x91: {  	_ =	strace $0x90000050  }
0x92: {  	s0 =	stileid.u32;
	[bflag:$0x2] =	sbarrier.arrive $0xFFFF  }
0x93: {  	p0 =	sne.s32 s0, $0x0;
	s0 =	rddreg [dreg:$0x2]  }
0x94: {  	s0 =	sadd.s32 @!p0 $0x100000, s0  }
0x95: {  	[sflag:s0] =	ssyncadd.tile.s32 @!p0 $0x1;
	_ =	shalt  }
.Lfunc_end2:
_tile_overlayer_lowered:
.L_overlay_start_2:
0x96: {  	(tag) =	ssettag $0x2  }
0x97: {  	s0 =	rddreg [dreg:$0x0];
	s2 =	stileid.u32  }
0x98: {  	s1 =	rddreg [dreg:$0x1];
	p0 =	sne.s32 s2, $0x0  }
0x99: {  	s3 =	rddreg [dreg:$0x2];
	[bflag:$0x3] =	sbarrier.arrive $0xFFFF;
	s2 =	simm.s32 @!p0 $0x1C09  }
0x9a: {  	[timem:s3], [sflag:s2] =	dma.local @!p0 [hbm:s0], s1  }
0x9b: {  	s0 =	simm.s32 @!p0 $0x9  }
0x9c: {  	_ =	swait.ge @!p0 [sflag:s0], s1  }
0x9d: {  	s1 =	ssub.s32 @!p0 $0x0, s1;
	[sflag:s0] =	ssyncset.done @!p0 $0x0  }
0x9e: {  	[sflag:s0] =	ssyncadd.s32 @!p0 s1  }
0x9f: {  	[bflag:$0x3] =	sbarrier.arrive $0xFFFF  }
0xa0: {  	_ =	shalt  }

</sc_bundles>
